<compile_context>
chip_gen: v7x
topology: tpu7x:2x2x1
jax: 0.10.2.dev20260603
libtpu: 0.0.44.dev20260713+nightly
codegen_flags: <defaults>
</compile_context>

<pallas_src>
import functools

import jax
import jax.numpy as jnp
from jax import lax
from jax.experimental import pallas as pl
from jax.experimental.pallas import tpu as pltpu
from jax.experimental.pallas import tpu_sc as plsc

ROWS, COLS = 64, 32768
N = ROWS * COLS
NW = 32
PER_W = N // NW
CHUNK = 32768
NCH = PER_W // CHUNK
TPC = CHUNK // 1024

_mesh = plsc.VectorSubcoreMesh(core_axis_name="c", subcore_axis_name="s")


def _pairwise(v, i, v2, i2):
    p = (v2 > v) | ((v2 == v) & (i2 < i))
    return jnp.where(p, v2, v), jnp.where(p, i2, i)


def _lane_allreduce(v, i, buf_f, buf_i, lane):
    for sh in (8, 4, 2, 1):
        buf_f[...] = v
        buf_i[...] = i
        idx2 = lane ^ sh
        v2 = plsc.load_gather(buf_f, [idx2])
        i2 = plsc.load_gather(buf_i, [idx2])
        v, i = _pairwise(v, i, v2, i2)
    return v, i


@functools.partial(
    pl.kernel,
    mesh=_mesh,
    compiler_params=pltpu.CompilerParams(needs_layout_passes=False),
    out_type=[
        jax.ShapeDtypeStruct((2, 16), jnp.float32),
        jax.ShapeDtypeStruct((2, 16), jnp.int32),
    ],
    scratch_types=[
        pltpu.VMEM((CHUNK,), jnp.float32),
        pltpu.VMEM((CHUNK,), jnp.float32),
        pltpu.SemaphoreType.DMA,
        pltpu.SemaphoreType.DMA,
        pltpu.VMEM((16,), jnp.float32),
        pltpu.VMEM((16,), jnp.int32),
        pltpu.VMEM_SHARED((256,), jnp.float32),
        pltpu.VMEM_SHARED((256,), jnp.int32),
        pltpu.VMEM((256,), jnp.float32),
        pltpu.VMEM((256,), jnp.int32),
    ],
)
def _argmax_sc(A, out_val, out_idx, buf_a, buf_b, sem_a, sem_b,
               res_f, res_i, sh_val, sh_idx, mg_val, mg_idx):
    c = lax.axis_index("c")
    s = lax.axis_index("s")
    wid = c * 16 + s
    base = wid * PER_W
    rb = wid // 4
    tc0 = (wid % 4) * 64

    bufs = (buf_a, buf_b)
    sems = (sem_a, sem_b)

    pltpu.make_async_copy(A.at[pl.ds(base, CHUNK)], bufs[0], sems[0]).start()

    neg_inf = jnp.full((16,), -jnp.inf, jnp.float32)
    zero = jnp.zeros((16,), jnp.int32)
    acc = tuple((neg_inf, zero) for _ in range(8))

    for k in range(NCH):
        buf = bufs[k % 2]
        pltpu.make_async_copy(
            A.at[pl.ds(base + k * CHUNK, CHUNK)], buf, sems[k % 2]).wait()
        if k + 1 < NCH:
            pltpu.make_async_copy(
                A.at[pl.ds(base + (k + 1) * CHUNK, CHUNK)],
                bufs[(k + 1) % 2], sems[(k + 1) % 2]).start()

        @plsc.parallel_loop(0, TPC, 1, unroll=2, carry=acc)
        def _loop(t, carry, buf=buf, k=k):
            jgs = [jnp.full((16,), (k * TPC + t) * 8 + vv, jnp.int32)
                   for vv in range(8)]
            ms = [carry[rr][0] for rr in range(8)]
            cs = [carry[rr][1] for rr in range(8)]
            for vv in range(8):
                for rr in range(8):
                    v = buf[pl.ds(t * 1024 + rr * 128 + vv * 16, 16)]
                    ms[rr] = jnp.maximum(v, ms[rr])
            return tuple((ms[rr], cs[rr]) for rr in range(8))

        acc = _loop

    lane = lax.iota(jnp.int32, 16)
    m, fi = None, None
    for rr in range(8):
        mr, cidx = acc[rr]
        base_rr = (8 * rb + rr) * COLS + tc0 * 128
        fr = (jnp.full((16,), base_rr, jnp.int32)
              + ((cidx >> 3) << 7) + ((cidx & 7) << 4) + lane)
        if m is None:
            m, fi = mr, fr
        else:
            m, fi = _pairwise(m, fi, mr, fr)

    wv, wi = _lane_allreduce(m, fi, res_f, res_i, lane)

    res_f[...] = wv
    res_i[...] = wi
    pltpu.sync_copy(res_f, sh_val.at[pl.ds(s * 16, 16)])
    pltpu.sync_copy(res_i, sh_idx.at[pl.ds(s * 16, 16)])
    plsc.subcore_barrier()

    pltpu.sync_copy(sh_val, mg_val)
    pltpu.sync_copy(sh_idx, mg_idx)
    gather_idx = lane * 16
    vals = plsc.load_gather(mg_val, [gather_idx])
    idxs = plsc.load_gather(mg_idx, [gather_idx])
    cv, ci = _lane_allreduce(vals, idxs, res_f, res_i, lane)
    res_f[...] = cv
    res_i[...] = ci

    @pl.when(s == 0)
    def _():
        pltpu.sync_copy(res_f, out_val.at[c])
        pltpu.sync_copy(res_i, out_idx.at[c])


def kernel(A):
    A_lin = A.reshape(8, 8, 256, 128).transpose(0, 2, 1, 3).reshape(-1)
    vals, idxs = _argmax_sc(A_lin)
    v0, v1 = vals[0, 0], vals[1, 0]
    i0, i1 = idxs[0, 0], idxs[1, 0]
    take1 = (v1 > v0) | ((v1 == v0) & (i1 < i0))
    return jnp.where(take1, i1, i0).astype(jnp.int64)

# --- scband reference (transcript-rebuilt; emitter-appended) ---
"""Pipeline reference for scband-argmax-89945205113100 (READ-ONLY COPY).

The authoritative reference and input builder live on the scoring server;
editing this copy changes nothing except your own understanding.
"""

import jax, jax.numpy as jnp
import numpy as np

def setup_inputs(seed: int = 0) -> dict:
    key = jax.random.key(seed)
    A = jax.random.normal(key, (64, 32768), dtype=jnp.float32)
    return {"A": A}

def reference(A):
    # torch.argmax(A) with no dim flattens the tensor and returns the
    # index of the global maximum as a scalar int64.
    return jnp.argmax(A.reshape(-1)).astype(jnp.int64)

if __name__ == "__main__":
    import jax
    _d = setup_inputs()
    print(jax.jit(kernel)(*tuple(_d.values())))

</pallas_src>

<mosaic_0001>
#map = affine_map<(d0, d1) -> (0)>
#map1 = affine_map<(d0, d1) -> (0, 0)>
module attributes {stable_mosaic.version = 14 : i64} {
  func.func @_argmax_sc(%arg0: i32, %arg1: i32, %arg2: memref<2097152xf32, #tpu.memory_space<hbm>>, %arg3: memref<2x16xf32, #tpu.memory_space<hbm>>, %arg4: memref<2x16xi32, #tpu.memory_space<hbm>>, %arg5: memref<32768xf32, #tpu.memory_space<vmem>>, %arg6: memref<32768xf32, #tpu.memory_space<vmem>>, %arg7: memref<!tpu.dma_semaphore, #tpu.memory_space<semaphore_mem>>, %arg8: memref<!tpu.dma_semaphore, #tpu.memory_space<semaphore_mem>>, %arg9: memref<16xf32, #tpu.memory_space<vmem>>, %arg10: memref<16xi32, #tpu.memory_space<vmem>>, %arg11: memref<256xf32, #tpu.memory_space<vmem_shared>>, %arg12: memref<256xi32, #tpu.memory_space<vmem_shared>>, %arg13: memref<256xf32, #tpu.memory_space<vmem>>, %arg14: memref<256xi32, #tpu.memory_space<vmem>>) attributes {dimension_semantics = [#tpu.dimension_semantics<core_parallel>, #tpu.dimension_semantics<subcore_parallel>], iteration_bounds = array<i64: 2, 16>, scalar_prefetch = 0 : i64, scratch_operands = 10 : i64, tpu.core_type = #tpu.core_type<sc_vector_subcore>, window_params = [{transform_indices = #map}, {transform_indices = #map1}, {transform_indices = #map1}]} {
    %mul3A = arith.constant 16 : i32
    %mul3A_0 = arith.muli %arg0, %mul3A : i32
    %add3A = arith.addi %mul3A_0, %arg1 : i32
    %mul3A_1 = arith.constant 65536 : i32
    %mul3A_2 = arith.muli %add3A, %mul3A_1 : i32
    %jit3A = arith.constant 4 : i32
    %div3A = arith.divsi %add3A, %jit3A : i32
    %sign3A = arith.constant 0 : i32
    %sign3A_3 = arith.cmpi sgt, %add3A, %sign3A : i32
    %sign3A_4 = arith.extui %sign3A_3 : i1 to i32
    %sign3A_5 = arith.constant 0 : i32
    %sign3A_6 = arith.cmpi slt, %add3A, %sign3A_5 : i32
    %sign3A_7 = arith.extui %sign3A_6 : i1 to i32
    %sign3A_8 = arith.subi %sign3A_4, %sign3A_7 : i32
    %sign3A_9 = arith.constant 0 : i32
    %sign3A_10 = arith.cmpi sgt, %jit3A, %sign3A_9 : i32
    %sign3A_11 = arith.extui %sign3A_10 : i1 to i32
    %sign3A_12 = arith.constant 0 : i32
    %sign3A_13 = arith.cmpi slt, %jit3A, %sign3A_12 : i32
    %sign3A_14 = arith.extui %sign3A_13 : i1 to i32
    %sign3A_15 = arith.subi %sign3A_11, %sign3A_14 : i32
    %ne3A = arith.cmpi ne, %sign3A_8, %sign3A_15 : i32
    %rem3A = arith.remsi %add3A, %jit3A : i32
    %ne3A_16 = arith.constant 0 : i32
    %ne3A_17 = arith.cmpi ne, %rem3A, %ne3A_16 : i32
    %and3A = arith.andi %ne3A, %ne3A_17 : i1
    %sub3A = arith.constant 1 : i32
    %sub3A_18 = arith.subi %div3A, %sub3A : i32
    %select_n3A = arith.select %and3A, %sub3A_18, %div3A : i32
    %jit3A_19 = arith.constant 4 : i32
    %eq3A = arith.constant 0 : i32
    %eq3A_20 = arith.cmpi eq, %jit3A_19, %eq3A : i32
    %jit3A_21 = arith.constant 1 : i32
    %select_n3A_22 = arith.select %eq3A_20, %jit3A_21, %jit3A_19 : i32
    %rem3A_23 = arith.remsi %add3A, %select_n3A_22 : i32
    %ne3A_24 = arith.constant 0 : i32
    %ne3A_25 = arith.cmpi ne, %rem3A_23, %ne3A_24 : i32
    %lt3A = arith.constant 0 : i32
    %lt3A_26 = arith.cmpi slt, %rem3A_23, %lt3A : i32
    %lt3A_27 = arith.constant 0 : i32
    %lt3A_28 = arith.cmpi slt, %select_n3A_22, %lt3A_27 : i32
    %ne3A_29 = arith.xori %lt3A_26, %lt3A_28 : i1
    %and3A_30 = arith.andi %ne3A_29, %ne3A_25 : i1
    %add3A_31 = arith.addi %rem3A_23, %select_n3A_22 : i32
    %select_n3A_32 = arith.select %and3A_30, %add3A_31, %rem3A_23 : i32
    %mul3A_33 = arith.constant 64 : i32
    %mul3A_34 = arith.muli %select_n3A_32, %mul3A_33 : i32
    %dma_start3A = tpu.memref_slice %arg2[%mul3A_2] : memref<2097152xf32, #tpu.memory_space<hbm>> -> memref<32768xf32, #tpu.memory_space<hbm>>
    %dma_start3A_35 = tpu.memref_slice %arg2[%mul3A_2] : memref<2097152xf32, #tpu.memory_space<hbm>> -> memref<32768xf32, #tpu.memory_space<hbm>>
    tpu.enqueue_dma source(%dma_start3A_35 : memref<32768xf32, #tpu.memory_space<hbm>>) target(%arg5 : memref<32768xf32, #tpu.memory_space<vmem>>) target_semaphore(%arg7 : memref<!tpu.dma_semaphore, #tpu.memory_space<semaphore_mem>>)
    %broadcast_in_dim3A = arith.constant 0xFF800000 : f32
    %broadcast_in_dim3A_36 = vector.broadcast %broadcast_in_dim3A : f32 to vector<16xf32>
    %broadcast_in_dim3A_37 = arith.constant 0 : i32
    %broadcast_in_dim3A_38 = vector.broadcast %broadcast_in_dim3A_37 : i32 to vector<16xi32>
    %add3A_39 = arith.constant 0 : i32
    %add3A_40 = arith.addi %mul3A_2, %add3A_39 : i32
    %dma_wait3A = tpu.memref_slice %arg2[%add3A_40] : memref<2097152xf32, #tpu.memory_space<hbm>> -> memref<32768xf32, #tpu.memory_space<hbm>>
    %dma_wait3A_41 = tpu.memref_slice %arg2[%add3A_40] : memref<2097152xf32, #tpu.memory_space<hbm>> -> memref<32768xf32, #tpu.memory_space<hbm>>
    tpu.wait_dma2 semaphore(%arg7 : memref<!tpu.dma_semaphore, #tpu.memory_space<semaphore_mem>>) src(%dma_wait3A_41 : memref<32768xf32, #tpu.memory_space<hbm>>) dst(%arg5 : memref<32768xf32, #tpu.memory_space<vmem>>)
    %add3A_42 = arith.constant 32768 : i32
    %add3A_43 = arith.addi %mul3A_2, %add3A_42 : i32
    %dma_start3A_44 = tpu.memref_slice %arg2[%add3A_43] : memref<2097152xf32, #tpu.memory_space<hbm>> -> memref<32768xf32, #tpu.memory_space<hbm>>
    %dma_start3A_45 = tpu.memref_slice %arg2[%add3A_43] : memref<2097152xf32, #tpu.memory_space<hbm>> -> memref<32768xf32, #tpu.memory_space<hbm>>
    tpu.enqueue_dma source(%dma_start3A_45 : memref<32768xf32, #tpu.memory_space<hbm>>) target(%arg6 : memref<32768xf32, #tpu.memory_space<vmem>>) target_semaphore(%arg8 : memref<!tpu.dma_semaphore, #tpu.memory_space<semaphore_mem>>)
    %parallel_loop3A = arith.constant 0 : i32
    %parallel_loop3A_46 = arith.constant 32 : i32
    %parallel_loop3A_47 = arith.constant 1 : i32
    %parallel_loop3A_48:16 = scf.for %parallel_loop3A_447 = %parallel_loop3A to %parallel_loop3A_46 step %parallel_loop3A_47 iter_args(%parallel_loop3A_448 = %broadcast_in_dim3A_36, %parallel_loop3A_449 = %broadcast_in_dim3A_38, %parallel_loop3A_450 = %broadcast_in_dim3A_36, %parallel_loop3A_451 = %broadcast_in_dim3A_38, %parallel_loop3A_452 = %broadcast_in_dim3A_36, %parallel_loop3A_453 = %broadcast_in_dim3A_38, %parallel_loop3A_454 = %broadcast_in_dim3A_36, %parallel_loop3A_455 = %broadcast_in_dim3A_38, %parallel_loop3A_456 = %broadcast_in_dim3A_36, %parallel_loop3A_457 = %broadcast_in_dim3A_38, %parallel_loop3A_458 = %broadcast_in_dim3A_36, %parallel_loop3A_459 = %broadcast_in_dim3A_38, %parallel_loop3A_460 = %broadcast_in_dim3A_36, %parallel_loop3A_461 = %broadcast_in_dim3A_38, %parallel_loop3A_462 = %broadcast_in_dim3A_36, %parallel_loop3A_463 = %broadcast_in_dim3A_38) -> (vector<16xf32>, vector<16xi32>, vector<16xf32>, vector<16xi32>, vector<16xf32>, vector<16xi32>, vector<16xf32>, vector<16xi32>, vector<16xf32>, vector<16xi32>, vector<16xf32>, vector<16xi32>, vector<16xf32>, vector<16xi32>, vector<16xf32>, vector<16xi32>)  : i32 {
      %parallel_loop3A_464 = arith.constant 0 : i32
      %parallel_loop3A_465 = arith.addi %parallel_loop3A_464, %parallel_loop3A_447 : i32
      %parallel_loop3A_466 = arith.constant 8 : i32
      %parallel_loop3A_467 = arith.muli %parallel_loop3A_465, %parallel_loop3A_466 : i32
      %parallel_loop3A_468 = arith.constant 0 : i32
      %parallel_loop3A_469 = arith.addi %parallel_loop3A_467, %parallel_loop3A_468 : i32
      %parallel_loop3A_470 = vector.broadcast %parallel_loop3A_469 : i32 to vector<16xi32>
      %parallel_loop3A_471 = arith.constant 0 : i32
      %parallel_loop3A_472 = arith.addi %parallel_loop3A_471, %parallel_loop3A_447 : i32
      %parallel_loop3A_473 = arith.constant 8 : i32
      %parallel_loop3A_474 = arith.muli %parallel_loop3A_472, %parallel_loop3A_473 : i32
      %parallel_loop3A_475 = arith.constant 1 : i32
      %parallel_loop3A_476 = arith.addi %parallel_loop3A_474, %parallel_loop3A_475 : i32
      %parallel_loop3A_477 = vector.broadcast %parallel_loop3A_476 : i32 to vector<16xi32>
      %parallel_loop3A_478 = arith.constant 0 : i32
      %parallel_loop3A_479 = arith.addi %parallel_loop3A_478, %parallel_loop3A_447 : i32
      %parallel_loop3A_480 = arith.constant 8 : i32
      %parallel_loop3A_481 = arith.muli %parallel_loop3A_479, %parallel_loop3A_480 : i32
      %parallel_loop3A_482 = arith.constant 2 : i32
      %parallel_loop3A_483 = arith.addi %parallel_loop3A_481, %parallel_loop3A_482 : i32
      %parallel_loop3A_484 = vector.broadcast %parallel_loop3A_483 : i32 to vector<16xi32>
      %parallel_loop3A_485 = arith.constant 0 : i32
      %parallel_loop3A_486 = arith.addi %parallel_loop3A_485, %parallel_loop3A_447 : i32
      %parallel_loop3A_487 = arith.constant 8 : i32
      %parallel_loop3A_488 = arith.muli %parallel_loop3A_486, %parallel_loop3A_487 : i32
      %parallel_loop3A_489 = arith.constant 3 : i32
      %parallel_loop3A_490 = arith.addi %parallel_loop3A_488, %parallel_loop3A_489 : i32
      %parallel_loop3A_491 = vector.broadcast %parallel_loop3A_490 : i32 to vector<16xi32>
      %parallel_loop3A_492 = arith.constant 0 : i32
      %parallel_loop3A_493 = arith.addi %parallel_loop3A_492, %parallel_loop3A_447 : i32
      %parallel_loop3A_494 = arith.constant 8 : i32
      %parallel_loop3A_495 = arith.muli %parallel_loop3A_493, %parallel_loop3A_494 : i32
      %parallel_loop3A_496 = arith.constant 4 : i32
      %parallel_loop3A_497 = arith.addi %parallel_loop3A_495, %parallel_loop3A_496 : i32
      %parallel_loop3A_498 = vector.broadcast %parallel_loop3A_497 : i32 to vector<16xi32>
      %parallel_loop3A_499 = arith.constant 0 : i32
      %parallel_loop3A_500 = arith.addi %parallel_loop3A_499, %parallel_loop3A_447 : i32
      %parallel_loop3A_501 = arith.constant 8 : i32
      %parallel_loop3A_502 = arith.muli %parallel_loop3A_500, %parallel_loop3A_501 : i32
      %parallel_loop3A_503 = arith.constant 5 : i32
      %parallel_loop3A_504 = arith.addi %parallel_loop3A_502, %parallel_loop3A_503 : i32
      %parallel_loop3A_505 = vector.broadcast %parallel_loop3A_504 : i32 to vector<16xi32>
      %parallel_loop3A_506 = arith.constant 0 : i32
      %parallel_loop3A_507 = arith.addi %parallel_loop3A_506, %parallel_loop3A_447 : i32
      %parallel_loop3A_508 = arith.constant 8 : i32
      %parallel_loop3A_509 = arith.muli %parallel_loop3A_507, %parallel_loop3A_508 : i32
      %parallel_loop3A_510 = arith.constant 6 : i32
      %parallel_loop3A_511 = arith.addi %parallel_loop3A_509, %parallel_loop3A_510 : i32
      %parallel_loop3A_512 = vector.broadcast %parallel_loop3A_511 : i32 to vector<16xi32>
      %parallel_loop3A_513 = arith.constant 0 : i32
      %parallel_loop3A_514 = arith.addi %parallel_loop3A_513, %parallel_loop3A_447 : i32
      %parallel_loop3A_515 = arith.constant 8 : i32
      %parallel_loop3A_516 = arith.muli %parallel_loop3A_514, %parallel_loop3A_515 : i32
      %parallel_loop3A_517 = arith.constant 7 : i32
      %parallel_loop3A_518 = arith.addi %parallel_loop3A_516, %parallel_loop3A_517 : i32
      %parallel_loop3A_519 = vector.broadcast %parallel_loop3A_518 : i32 to vector<16xi32>
      %parallel_loop3A_520 = arith.constant 1024 : i32
      %parallel_loop3A_521 = arith.muli %parallel_loop3A_447, %parallel_loop3A_520 : i32
      %parallel_loop3A_522 = arith.constant 0 : i32
      %parallel_loop3A_523 = arith.addi %parallel_loop3A_521, %parallel_loop3A_522 : i32
      %parallel_loop3A_524 = arith.constant 0 : i32
      %parallel_loop3A_525 = arith.addi %parallel_loop3A_523, %parallel_loop3A_524 : i32
      %parallel_loop3A_526 = arith.index_cast %parallel_loop3A_525 : i32 to index
      %parallel_loop3A_527 = tpu.vector_load %arg5[%parallel_loop3A_526] {strides = array<i32>} : memref<32768xf32, #tpu.memory_space<vmem>>, vector<16xf32>,
      %parallel_loop3A_528 = arith.maximumf %parallel_loop3A_527, %parallel_loop3A_448 : vector<16xf32>
      %parallel_loop3A_529 = arith.constant 1024 : i32
      %parallel_loop3A_530 = arith.muli %parallel_loop3A_447, %parallel_loop3A_529 : i32
      %parallel_loop3A_531 = arith.constant 128 : i32
      %parallel_loop3A_532 = arith.addi %parallel_loop3A_530, %parallel_loop3A_531 : i32
      %parallel_loop3A_533 = arith.constant 0 : i32
      %parallel_loop3A_534 = arith.addi %parallel_loop3A_532, %parallel_loop3A_533 : i32
      %parallel_loop3A_535 = arith.index_cast %parallel_loop3A_534 : i32 to index
      %parallel_loop3A_536 = tpu.vector_load %arg5[%parallel_loop3A_535] {strides = array<i32>} : memref<32768xf32, #tpu.memory_space<vmem>>, vector<16xf32>,
      %parallel_loop3A_537 = arith.maximumf %parallel_loop3A_536, %parallel_loop3A_450 : vector<16xf32>
      %parallel_loop3A_538 = arith.constant 1024 : i32
      %parallel_loop3A_539 = arith.muli %parallel_loop3A_447, %parallel_loop3A_538 : i32
      %parallel_loop3A_540 = arith.constant 256 : i32
      %parallel_loop3A_541 = arith.addi %parallel_loop3A_539, %parallel_loop3A_540 : i32
      %parallel_loop3A_542 = arith.constant 0 : i32
      %parallel_loop3A_543 = arith.addi %parallel_loop3A_541, %parallel_loop3A_542 : i32
      %parallel_loop3A_544 = arith.index_cast %parallel_loop3A_543 : i32 to index
      %parallel_loop3A_545 = tpu.vector_load %arg5[%parallel_loop3A_544] {strides = array<i32>} : memref<32768xf32, #tpu.memory_space<vmem>>, vector<16xf32>,
      %parallel_loop3A_546 = arith.maximumf %parallel_loop3A_545, %parallel_loop3A_452 : vector<16xf32>
      %parallel_loop3A_547 = arith.constant 1024 : i32
      %parallel_loop3A_548 = arith.muli %parallel_loop3A_447, %parallel_loop3A_547 : i32
      %parallel_loop3A_549 = arith.constant 384 : i32
      %parallel_loop3A_550 = arith.addi %parallel_loop3A_548, %parallel_loop3A_549 : i32
      %parallel_loop3A_551 = arith.constant 0 : i32
      %parallel_loop3A_552 = arith.addi %parallel_loop3A_550, %parallel_loop3A_551 : i32
      %parallel_loop3A_553 = arith.index_cast %parallel_loop3A_552 : i32 to index
      %parallel_loop3A_554 = tpu.vector_load %arg5[%parallel_loop3A_553] {strides = array<i32>} : memref<32768xf32, #tpu.memory_space<vmem>>, vector<16xf32>,
      %parallel_loop3A_555 = arith.maximumf %parallel_loop3A_554, %parallel_loop3A_454 : vector<16xf32>
      %parallel_loop3A_556 = arith.constant 1024 : i32
      %parallel_loop3A_557 = arith.muli %parallel_loop3A_447, %parallel_loop3A_556 : i32
      %parallel_loop3A_558 = arith.constant 512 : i32
      %parallel_loop3A_559 = arith.addi %parallel_loop3A_557, %parallel_loop3A_558 : i32
      %parallel_loop3A_560 = arith.constant 0 : i32
      %parallel_loop3A_561 = arith.addi %parallel_loop3A_559, %parallel_loop3A_560 : i32
      %parallel_loop3A_562 = arith.index_cast %parallel_loop3A_561 : i32 to index
      %parallel_loop3A_563 = tpu.vector_load %arg5[%parallel_loop3A_562] {strides = array<i32>} : memref<32768xf32, #tpu.memory_space<vmem>>, vector<16xf32>,
      %parallel_loop3A_564 = arith.maximumf %parallel_loop3A_563, %parallel_loop3A_456 : vector<16xf32>
      %parallel_loop3A_565 = arith.constant 1024 : i32
      %parallel_loop3A_566 = arith.muli %parallel_loop3A_447, %parallel_loop3A_565 : i32
      %parallel_loop3A_567 = arith.constant 640 : i32
      %parallel_loop3A_568 = arith.addi %parallel_loop3A_566, %parallel_loop3A_567 : i32
      %parallel_loop3A_569 = arith.constant 0 : i32
      %parallel_loop3A_570 = arith.addi %parallel_loop3A_568, %parallel_loop3A_569 : i32
      %parallel_loop3A_571 = arith.index_cast %parallel_loop3A_570 : i32 to index
      %parallel_loop3A_572 = tpu.vector_load %arg5[%parallel_loop3A_571] {strides = array<i32>} : memref<32768xf32, #tpu.memory_space<vmem>>, vector<16xf32>,
      %parallel_loop3A_573 = arith.maximumf %parallel_loop3A_572, %parallel_loop3A_458 : vector<16xf32>
      %parallel_loop3A_574 = arith.constant 1024 : i32
      %parallel_loop3A_575 = arith.muli %parallel_loop3A_447, %parallel_loop3A_574 : i32
      %parallel_loop3A_576 = arith.constant 768 : i32
      %parallel_loop3A_577 = arith.addi %parallel_loop3A_575, %parallel_loop3A_576 : i32
      %parallel_loop3A_578 = arith.constant 0 : i32
      %parallel_loop3A_579 = arith.addi %parallel_loop3A_577, %parallel_loop3A_578 : i32
      %parallel_loop3A_580 = arith.index_cast %parallel_loop3A_579 : i32 to index
      %parallel_loop3A_581 = tpu.vector_load %arg5[%parallel_loop3A_580] {strides = array<i32>} : memref<32768xf32, #tpu.memory_space<vmem>>, vector<16xf32>,
      %parallel_loop3A_582 = arith.maximumf %parallel_loop3A_581, %parallel_loop3A_460 : vector<16xf32>
      %parallel_loop3A_583 = arith.constant 1024 : i32
      %parallel_loop3A_584 = arith.muli %parallel_loop3A_447, %parallel_loop3A_583 : i32
      %parallel_loop3A_585 = arith.constant 896 : i32
      %parallel_loop3A_586 = arith.addi %parallel_loop3A_584, %parallel_loop3A_585 : i32
      %parallel_loop3A_587 = arith.constant 0 : i32
      %parallel_loop3A_588 = arith.addi %parallel_loop3A_586, %parallel_loop3A_587 : i32
      %parallel_loop3A_589 = arith.index_cast %parallel_loop3A_588 : i32 to index
      %parallel_loop3A_590 = tpu.vector_load %arg5[%parallel_loop3A_589] {strides = array<i32>} : memref<32768xf32, #tpu.memory_space<vmem>>, vector<16xf32>,
      %parallel_loop3A_591 = arith.maximumf %parallel_loop3A_590, %parallel_loop3A_462 : vector<16xf32>
      %parallel_loop3A_592 = arith.constant 1024 : i32
      %parallel_loop3A_593 = arith.muli %parallel_loop3A_447, %parallel_loop3A_592 : i32
      %parallel_loop3A_594 = arith.constant 0 : i32
      %parallel_loop3A_595 = arith.addi %parallel_loop3A_593, %parallel_loop3A_594 : i32
      %parallel_loop3A_596 = arith.constant 16 : i32
      %parallel_loop3A_597 = arith.addi %parallel_loop3A_595, %parallel_loop3A_596 : i32
      %parallel_loop3A_598 = arith.index_cast %parallel_loop3A_597 : i32 to index
      %parallel_loop3A_599 = tpu.vector_load %arg5[%parallel_loop3A_598] {strides = array<i32>} : memref<32768xf32, #tpu.memory_space<vmem>>, vector<16xf32>,
      %parallel_loop3A_600 = arith.maximumf %parallel_loop3A_599, %parallel_loop3A_528 : vector<16xf32>
      %parallel_loop3A_601 = arith.constant 1024 : i32
      %parallel_loop3A_602 = arith.muli %parallel_loop3A_447, %parallel_loop3A_601 : i32
      %parallel_loop3A_603 = arith.constant 128 : i32
      %parallel_loop3A_604 = arith.addi %parallel_loop3A_602, %parallel_loop3A_603 : i32
      %parallel_loop3A_605 = arith.constant 16 : i32
      %parallel_loop3A_606 = arith.addi %parallel_loop3A_604, %parallel_loop3A_605 : i32
      %parallel_loop3A_607 = arith.index_cast %parallel_loop3A_606 : i32 to index
      %parallel_loop3A_608 = tpu.vector_load %arg5[%parallel_loop3A_607] {strides = array<i32>} : memref<32768xf32, #tpu.memory_space<vmem>>, vector<16xf32>,
      %parallel_loop3A_609 = arith.maximumf %parallel_loop3A_608, %parallel_loop3A_537 : vector<16xf32>
      %parallel_loop3A_610 = arith.constant 1024 : i32
      %parallel_loop3A_611 = arith.muli %parallel_loop3A_447, %parallel_loop3A_610 : i32
      %parallel_loop3A_612 = arith.constant 256 : i32
      %parallel_loop3A_613 = arith.addi %parallel_loop3A_611, %parallel_loop3A_612 : i32
      %parallel_loop3A_614 = arith.constant 16 : i32
      %parallel_loop3A_615 = arith.addi %parallel_loop3A_613, %parallel_loop3A_614 : i32
      %parallel_loop3A_616 = arith.index_cast %parallel_loop3A_615 : i32 to index
      %parallel_loop3A_617 = tpu.vector_load %arg5[%parallel_loop3A_616] {strides = array<i32>} : memref<32768xf32, #tpu.memory_space<vmem>>, vector<16xf32>,
      %parallel_loop3A_618 = arith.maximumf %parallel_loop3A_617, %parallel_loop3A_546 : vector<16xf32>
      %parallel_loop3A_619 = arith.constant 1024 : i32
      %parallel_loop3A_620 = arith.muli %parallel_loop3A_447, %parallel_loop3A_619 : i32
      %parallel_loop3A_621 = arith.constant 384 : i32
      %parallel_loop3A_622 = arith.addi %parallel_loop3A_620, %parallel_loop3A_621 : i32
      %parallel_loop3A_623 = arith.constant 16 : i32
      %parallel_loop3A_624 = arith.addi %parallel_loop3A_622, %parallel_loop3A_623 : i32
      %parallel_loop3A_625 = arith.index_cast %parallel_loop3A_624 : i32 to index
      %parallel_loop3A_626 = tpu.vector_load %arg5[%parallel_loop3A_625] {strides = array<i32>} : memref<32768xf32, #tpu.memory_space<vmem>>, vector<16xf32>,
      %parallel_loop3A_627 = arith.maximumf %parallel_loop3A_626, %parallel_loop3A_555 : vector<16xf32>
      %parallel_loop3A_628 = arith.constant 1024 : i32
      %parallel_loop3A_629 = arith.muli %parallel_loop3A_447, %parallel_loop3A_628 : i32
      %parallel_loop3A_630 = arith.constant 512 : i32
      %parallel_loop3A_631 = arith.addi %parallel_loop3A_629, %parallel_loop3A_630 : i32
      %parallel_loop3A_632 = arith.constant 16 : i32
      %parallel_loop3A_633 = arith.addi %parallel_loop3A_631, %parallel_loop3A_632 : i32
      %parallel_loop3A_634 = arith.index_cast %parallel_loop3A_633 : i32 to index
      %parallel_loop3A_635 = tpu.vector_load %arg5[%parallel_loop3A_634] {strides = array<i32>} : memref<32768xf32, #tpu.memory_space<vmem>>, vector<16xf32>,
      %parallel_loop3A_636 = arith.maximumf %parallel_loop3A_635, %parallel_loop3A_564 : vector<16xf32>
      %parallel_loop3A_637 = arith.constant 1024 : i32
      %parallel_loop3A_638 = arith.muli %parallel_loop3A_447, %parallel_loop3A_637 : i32
      %parallel_loop3A_639 = arith.constant 640 : i32
      %parallel_loop3A_640 = arith.addi %parallel_loop3A_638, %parallel_loop3A_639 : i32
      %parallel_loop3A_641 = arith.constant 16 : i32
      %parallel_loop3A_642 = arith.addi %parallel_loop3A_640, %parallel_loop3A_641 : i32
      %parallel_loop3A_643 = arith.index_cast %parallel_loop3A_642 : i32 to index
      %parallel_loop3A_644 = tpu.vector_load %arg5[%parallel_loop3A_643] {strides = array<i32>} : memref<32768xf32, #tpu.memory_space<vmem>>, vector<16xf32>,
      %parallel_loop3A_645 = arith.maximumf %parallel_loop3A_644, %parallel_loop3A_573 : vector<16xf32>
      %parallel_loop3A_646 = arith.constant 1024 : i32
      %parallel_loop3A_647 = arith.muli %parallel_loop3A_447, %parallel_loop3A_646 : i32
      %parallel_loop3A_648 = arith.constant 768 : i32
      %parallel_loop3A_649 = arith.addi %parallel_loop3A_647, %parallel_loop3A_648 : i32
      %parallel_loop3A_650 = arith.constant 16 : i32
      %parallel_loop3A_651 = arith.addi %parallel_loop3A_649, %parallel_loop3A_650 : i32
      %parallel_loop3A_652 = arith.index_cast %parallel_loop3A_651 : i32 to index
      %parallel_loop3A_653 = tpu.vector_load %arg5[%parallel_loop3A_652] {strides = array<i32>} : memref<32768xf32, #tpu.memory_space<vmem>>, vector<16xf32>,
      %parallel_loop3A_654 = arith.maximumf %parallel_loop3A_653, %parallel_loop3A_582 : vector<16xf32>
      %parallel_loop3A_655 = arith.constant 1024 : i32
      %parallel_loop3A_656 = arith.muli %parallel_loop3A_447, %parallel_loop3A_655 : i32
      %parallel_loop3A_657 = arith.constant 896 : i32
      %parallel_loop3A_658 = arith.addi %parallel_loop3A_656, %parallel_loop3A_657 : i32
      %parallel_loop3A_659 = arith.constant 16 : i32
      %parallel_loop3A_660 = arith.addi %parallel_loop3A_658, %parallel_loop3A_659 : i32
      %parallel_loop3A_661 = arith.index_cast %parallel_loop3A_660 : i32 to index
      %parallel_loop3A_662 = tpu.vector_load %arg5[%parallel_loop3A_661] {strides = array<i32>} : memref<32768xf32, #tpu.memory_space<vmem>>, vector<16xf32>,
      %parallel_loop3A_663 = arith.maximumf %parallel_loop3A_662, %parallel_loop3A_591 : vector<16xf32>
      %parallel_loop3A_664 = arith.constant 1024 : i32
      %parallel_loop3A_665 = arith.muli %parallel_loop3A_447, %parallel_loop3A_664 : i32
      %parallel_loop3A_666 = arith.constant 0 : i32
      %parallel_loop3A_667 = arith.addi %parallel_loop3A_665, %parallel_loop3A_666 : i32
      %parallel_loop3A_668 = arith.constant 32 : i32
      %parallel_loop3A_669 = arith.addi %parallel_loop3A_667, %parallel_loop3A_668 : i32
      %parallel_loop3A_670 = arith.index_cast %parallel_loop3A_669 : i32 to index
      %parallel_loop3A_671 = tpu.vector_load %arg5[%parallel_loop3A_670] {strides = array<i32>} : memref<32768xf32, #tpu.memory_space<vmem>>, vector<16xf32>,
      %parallel_loop3A_672 = arith.maximumf %parallel_loop3A_671, %parallel_loop3A_600 : vector<16xf32>
      %parallel_loop3A_673 = arith.constant 1024 : i32
      %parallel_loop3A_674 = arith.muli %parallel_loop3A_447, %parallel_loop3A_673 : i32
      %parallel_loop3A_675 = arith.constant 128 : i32
      %parallel_loop3A_676 = arith.addi %parallel_loop3A_674, %parallel_loop3A_675 : i32
      %parallel_loop3A_677 = arith.constant 32 : i32
      %parallel_loop3A_678 = arith.addi %parallel_loop3A_676, %parallel_loop3A_677 : i32
      %parallel_loop3A_679 = arith.index_cast %parallel_loop3A_678 : i32 to index
      %parallel_loop3A_680 = tpu.vector_load %arg5[%parallel_loop3A_679] {strides = array<i32>} : memref<32768xf32, #tpu.memory_space<vmem>>, vector<16xf32>,
      %parallel_loop3A_681 = arith.maximumf %parallel_loop3A_680, %parallel_loop3A_609 : vector<16xf32>
      %parallel_loop3A_682 = arith.constant 1024 : i32
      %parallel_loop3A_683 = arith.muli %parallel_loop3A_447, %parallel_loop3A_682 : i32
      %parallel_loop3A_684 = arith.constant 256 : i32
      %parallel_loop3A_685 = arith.addi %parallel_loop3A_683, %parallel_loop3A_684 : i32
      %parallel_loop3A_686 = arith.constant 32 : i32
      %parallel_loop3A_687 = arith.addi %parallel_loop3A_685, %parallel_loop3A_686 : i32
      %parallel_loop3A_688 = arith.index_cast %parallel_loop3A_687 : i32 to index
      %parallel_loop3A_689 = tpu.vector_load %arg5[%parallel_loop3A_688] {strides = array<i32>} : memref<32768xf32, #tpu.memory_space<vmem>>, vector<16xf32>,
      %parallel_loop3A_690 = arith.maximumf %parallel_loop3A_689, %parallel_loop3A_618 : vector<16xf32>
      %parallel_loop3A_691 = arith.constant 1024 : i32
      %parallel_loop3A_692 = arith.muli %parallel_loop3A_447, %parallel_loop3A_691 : i32
      %parallel_loop3A_693 = arith.constant 384 : i32
      %parallel_loop3A_694 = arith.addi %parallel_loop3A_692, %parallel_loop3A_693 : i32
      %parallel_loop3A_695 = arith.constant 32 : i32
      %parallel_loop3A_696 = arith.addi %parallel_loop3A_694, %parallel_loop3A_695 : i32
      %parallel_loop3A_697 = arith.index_cast %parallel_loop3A_696 : i32 to index
      %parallel_loop3A_698 = tpu.vector_load %arg5[%parallel_loop3A_697] {strides = array<i32>} : memref<32768xf32, #tpu.memory_space<vmem>>, vector<16xf32>,
      %parallel_loop3A_699 = arith.maximumf %parallel_loop3A_698, %parallel_loop3A_627 : vector<16xf32>
      %parallel_loop3A_700 = arith.constant 1024 : i32
      %parallel_loop3A_701 = arith.muli %parallel_loop3A_447, %parallel_loop3A_700 : i32
      %parallel_loop3A_702 = arith.constant 512 : i32
      %parallel_loop3A_703 = arith.addi %parallel_loop3A_701, %parallel_loop3A_702 : i32
      %parallel_loop3A_704 = arith.constant 32 : i32
      %parallel_loop3A_705 = arith.addi %parallel_loop3A_703, %parallel_loop3A_704 : i32
      %parallel_loop3A_706 = arith.index_cast %parallel_loop3A_705 : i32 to index
      %parallel_loop3A_707 = tpu.vector_load %arg5[%parallel_loop3A_706] {strides = array<i32>} : memref<32768xf32, #tpu.memory_space<vmem>>, vector<16xf32>,
      %parallel_loop3A_708 = arith.maximumf %parallel_loop3A_707, %parallel_loop3A_636 : vector<16xf32>
      %parallel_loop3A_709 = arith.constant 1024 : i32
      %parallel_loop3A_710 = arith.muli %parallel_loop3A_447, %parallel_loop3A_709 : i32
      %parallel_loop3A_711 = arith.constant 640 : i32
      %parallel_loop3A_712 = arith.addi %parallel_loop3A_710, %parallel_loop3A_711 : i32
      %parallel_loop3A_713 = arith.constant 32 : i32
      %parallel_loop3A_714 = arith.addi %parallel_loop3A_712, %parallel_loop3A_713 : i32
      %parallel_loop3A_715 = arith.index_cast %parallel_loop3A_714 : i32 to index
      %parallel_loop3A_716 = tpu.vector_load %arg5[%parallel_loop3A_715] {strides = array<i32>} : memref<32768xf32, #tpu.memory_space<vmem>>, vector<16xf32>,
      %parallel_loop3A_717 = arith.maximumf %parallel_loop3A_716, %parallel_loop3A_645 : vector<16xf32>
      %parallel_loop3A_718 = arith.constant 1024 : i32
      %parallel_loop3A_719 = arith.muli %parallel_loop3A_447, %parallel_loop3A_718 : i32
      %parallel_loop3A_720 = arith.constant 768 : i32
      %parallel_loop3A_721 = arith.addi %parallel_loop3A_719, %parallel_loop3A_720 : i32
      %parallel_loop3A_722 = arith.constant 32 : i32
      %parallel_loop3A_723 = arith.addi %parallel_loop3A_721, %parallel_loop3A_722 : i32
      %parallel_loop3A_724 = arith.index_cast %parallel_loop3A_723 : i32 to index
      %parallel_loop3A_725 = tpu.vector_load %arg5[%parallel_loop3A_724] {strides = array<i32>} : memref<32768xf32, #tpu.memory_space<vmem>>, vector<16xf32>,
      %parallel_loop3A_726 = arith.maximumf %parallel_loop3A_725, %parallel_loop3A_654 : vector<16xf32>
      %parallel_loop3A_727 = arith.constant 1024 : i32
      %parallel_loop3A_728 = arith.muli %parallel_loop3A_447, %parallel_loop3A_727 : i32
      %parallel_loop3A_729 = arith.constant 896 : i32
      %parallel_loop3A_730 = arith.addi %parallel_loop3A_728, %parallel_loop3A_729 : i32
      %parallel_loop3A_731 = arith.constant 32 : i32
      %parallel_loop3A_732 = arith.addi %parallel_loop3A_730, %parallel_loop3A_731 : i32
      %parallel_loop3A_733 = arith.index_cast %parallel_loop3A_732 : i32 to index
      %parallel_loop3A_734 = tpu.vector_load %arg5[%parallel_loop3A_733] {strides = array<i32>} : memref<32768xf32, #tpu.memory_space<vmem>>, vector<16xf32>,
      %parallel_loop3A_735 = arith.maximumf %parallel_loop3A_734, %parallel_loop3A_663 : vector<16xf32>
      %parallel_loop3A_736 = arith.constant 1024 : i32
      %parallel_loop3A_737 = arith.muli %parallel_loop3A_447, %parallel_loop3A_736 : i32
      %parallel_loop3A_738 = arith.constant 0 : i32
      %parallel_loop3A_739 = arith.addi %parallel_loop3A_737, %parallel_loop3A_738 : i32
      %parallel_loop3A_740 = arith.constant 48 : i32
      %parallel_loop3A_741 = arith.addi %parallel_loop3A_739, %parallel_loop3A_740 : i32
      %parallel_loop3A_742 = arith.index_cast %parallel_loop3A_741 : i32 to index
      %parallel_loop3A_743 = tpu.vector_load %arg5[%parallel_loop3A_742] {strides = array<i32>} : memref<32768xf32, #tpu.memory_space<vmem>>, vector<16xf32>,
      %parallel_loop3A_744 = arith.maximumf %parallel_loop3A_743, %parallel_loop3A_672 : vector<16xf32>
      %parallel_loop3A_745 = arith.constant 1024 : i32
      %parallel_loop3A_746 = arith.muli %parallel_loop3A_447, %parallel_loop3A_745 : i32
      %parallel_loop3A_747 = arith.constant 128 : i32
      %parallel_loop3A_748 = arith.addi %parallel_loop3A_746, %parallel_loop3A_747 : i32
      %parallel_loop3A_749 = arith.constant 48 : i32
      %parallel_loop3A_750 = arith.addi %parallel_loop3A_748, %parallel_loop3A_749 : i32
      %parallel_loop3A_751 = arith.index_cast %parallel_loop3A_750 : i32 to index
      %parallel_loop3A_752 = tpu.vector_load %arg5[%parallel_loop3A_751] {strides = array<i32>} : memref<32768xf32, #tpu.memory_space<vmem>>, vector<16xf32>,
      %parallel_loop3A_753 = arith.maximumf %parallel_loop3A_752, %parallel_loop3A_681 : vector<16xf32>
      %parallel_loop3A_754 = arith.constant 1024 : i32
      %parallel_loop3A_755 = arith.muli %parallel_loop3A_447, %parallel_loop3A_754 : i32
      %parallel_loop3A_756 = arith.constant 256 : i32
      %parallel_loop3A_757 = arith.addi %parallel_loop3A_755, %parallel_loop3A_756 : i32
      %parallel_loop3A_758 = arith.constant 48 : i32
      %parallel_loop3A_759 = arith.addi %parallel_loop3A_757, %parallel_loop3A_758 : i32
      %parallel_loop3A_760 = arith.index_cast %parallel_loop3A_759 : i32 to index
      %parallel_loop3A_761 = tpu.vector_load %arg5[%parallel_loop3A_760] {strides = array<i32>} : memref<32768xf32, #tpu.memory_space<vmem>>, vector<16xf32>,
      %parallel_loop3A_762 = arith.maximumf %parallel_loop3A_761, %parallel_loop3A_690 : vector<16xf32>
      %parallel_loop3A_763 = arith.constant 1024 : i32
      %parallel_loop3A_764 = arith.muli %parallel_loop3A_447, %parallel_loop3A_763 : i32
      %parallel_loop3A_765 = arith.constant 384 : i32
      %parallel_loop3A_766 = arith.addi %parallel_loop3A_764, %parallel_loop3A_765 : i32
      %parallel_loop3A_767 = arith.constant 48 : i32
      %parallel_loop3A_768 = arith.addi %parallel_loop3A_766, %parallel_loop3A_767 : i32
      %parallel_loop3A_769 = arith.index_cast %parallel_loop3A_768 : i32 to index
      %parallel_loop3A_770 = tpu.vector_load %arg5[%parallel_loop3A_769] {strides = array<i32>} : memref<32768xf32, #tpu.memory_space<vmem>>, vector<16xf32>,
      %parallel_loop3A_771 = arith.maximumf %parallel_loop3A_770, %parallel_loop3A_699 : vector<16xf32>
      %parallel_loop3A_772 = arith.constant 1024 : i32
      %parallel_loop3A_773 = arith.muli %parallel_loop3A_447, %parallel_loop3A_772 : i32
      %parallel_loop3A_774 = arith.constant 512 : i32
      %parallel_loop3A_775 = arith.addi %parallel_loop3A_773, %parallel_loop3A_774 : i32
      %parallel_loop3A_776 = arith.constant 48 : i32
      %parallel_loop3A_777 = arith.addi %parallel_loop3A_775, %parallel_loop3A_776 : i32
      %parallel_loop3A_778 = arith.index_cast %parallel_loop3A_777 : i32 to index
      %parallel_loop3A_779 = tpu.vector_load %arg5[%parallel_loop3A_778] {strides = array<i32>} : memref<32768xf32, #tpu.memory_space<vmem>>, vector<16xf32>,
      %parallel_loop3A_780 = arith.maximumf %parallel_loop3A_779, %parallel_loop3A_708 : vector<16xf32>
      %parallel_loop3A_781 = arith.constant 1024 : i32
      %parallel_loop3A_782 = arith.muli %parallel_loop3A_447, %parallel_loop3A_781 : i32
      %parallel_loop3A_783 = arith.constant 640 : i32
      %parallel_loop3A_784 = arith.addi %parallel_loop3A_782, %parallel_loop3A_783 : i32
      %parallel_loop3A_785 = arith.constant 48 : i32
      %parallel_loop3A_786 = arith.addi %parallel_loop3A_784, %parallel_loop3A_785 : i32
      %parallel_loop3A_787 = arith.index_cast %parallel_loop3A_786 : i32 to index
      %parallel_loop3A_788 = tpu.vector_load %arg5[%parallel_loop3A_787] {strides = array<i32>} : memref<32768xf32, #tpu.memory_space<vmem>>, vector<16xf32>,
      %parallel_loop3A_789 = arith.maximumf %parallel_loop3A_788, %parallel_loop3A_717 : vector<16xf32>
      %parallel_loop3A_790 = arith.constant 1024 : i32
      %parallel_loop3A_791 = arith.muli %parallel_loop3A_447, %parallel_loop3A_790 : i32
      %parallel_loop3A_792 = arith.constant 768 : i32
      %parallel_loop3A_793 = arith.addi %parallel_loop3A_791, %parallel_loop3A_792 : i32
      %parallel_loop3A_794 = arith.constant 48 : i32
      %parallel_loop3A_795 = arith.addi %parallel_loop3A_793, %parallel_loop3A_794 : i32
      %parallel_loop3A_796 = arith.index_cast %parallel_loop3A_795 : i32 to index
      %parallel_loop3A_797 = tpu.vector_load %arg5[%parallel_loop3A_796] {strides = array<i32>} : memref<32768xf32, #tpu.memory_space<vmem>>, vector<16xf32>,
      %parallel_loop3A_798 = arith.maximumf %parallel_loop3A_797, %parallel_loop3A_726 : vector<16xf32>
      %parallel_loop3A_799 = arith.constant 1024 : i32
      %parallel_loop3A_800 = arith.muli %parallel_loop3A_447, %parallel_loop3A_799 : i32
      %parallel_loop3A_801 = arith.constant 896 : i32
      %parallel_loop3A_802 = arith.addi %parallel_loop3A_800, %parallel_loop3A_801 : i32
      %parallel_loop3A_803 = arith.constant 48 : i32
      %parallel_loop3A_804 = arith.addi %parallel_loop3A_802, %parallel_loop3A_803 : i32
      %parallel_loop3A_805 = arith.index_cast %parallel_loop3A_804 : i32 to index
      %parallel_loop3A_806 = tpu.vector_load %arg5[%parallel_loop3A_805] {strides = array<i32>} : memref<32768xf32, #tpu.memory_space<vmem>>, vector<16xf32>,
      %parallel_loop3A_807 = arith.maximumf %parallel_loop3A_806, %parallel_loop3A_735 : vector<16xf32>
      %parallel_loop3A_808 = arith.constant 1024 : i32
      %parallel_loop3A_809 = arith.muli %parallel_loop3A_447, %parallel_loop3A_808 : i32
      %parallel_loop3A_810 = arith.constant 0 : i32
      %parallel_loop3A_811 = arith.addi %parallel_loop3A_809, %parallel_loop3A_810 : i32
      %parallel_loop3A_812 = arith.constant 64 : i32
      %parallel_loop3A_813 = arith.addi %parallel_loop3A_811, %parallel_loop3A_812 : i32
      %parallel_loop3A_814 = arith.index_cast %parallel_loop3A_813 : i32 to index
      %parallel_loop3A_815 = tpu.vector_load %arg5[%parallel_loop3A_814] {strides = array<i32>} : memref<32768xf32, #tpu.memory_space<vmem>>, vector<16xf32>,
      %parallel_loop3A_816 = arith.maximumf %parallel_loop3A_815, %parallel_loop3A_744 : vector<16xf32>
      %parallel_loop3A_817 = arith.constant 1024 : i32
      %parallel_loop3A_818 = arith.muli %parallel_loop3A_447, %parallel_loop3A_817 : i32
      %parallel_loop3A_819 = arith.constant 128 : i32
      %parallel_loop3A_820 = arith.addi %parallel_loop3A_818, %parallel_loop3A_819 : i32
      %parallel_loop3A_821 = arith.constant 64 : i32
      %parallel_loop3A_822 = arith.addi %parallel_loop3A_820, %parallel_loop3A_821 : i32
      %parallel_loop3A_823 = arith.index_cast %parallel_loop3A_822 : i32 to index
      %parallel_loop3A_824 = tpu.vector_load %arg5[%parallel_loop3A_823] {strides = array<i32>} : memref<32768xf32, #tpu.memory_space<vmem>>, vector<16xf32>,
      %parallel_loop3A_825 = arith.maximumf %parallel_loop3A_824, %parallel_loop3A_753 : vector<16xf32>
      %parallel_loop3A_826 = arith.constant 1024 : i32
      %parallel_loop3A_827 = arith.muli %parallel_loop3A_447, %parallel_loop3A_826 : i32
      %parallel_loop3A_828 = arith.constant 256 : i32
      %parallel_loop3A_829 = arith.addi %parallel_loop3A_827, %parallel_loop3A_828 : i32
      %parallel_loop3A_830 = arith.constant 64 : i32
      %parallel_loop3A_831 = arith.addi %parallel_loop3A_829, %parallel_loop3A_830 : i32
      %parallel_loop3A_832 = arith.index_cast %parallel_loop3A_831 : i32 to index
      %parallel_loop3A_833 = tpu.vector_load %arg5[%parallel_loop3A_832] {strides = array<i32>} : memref<32768xf32, #tpu.memory_space<vmem>>, vector<16xf32>,
      %parallel_loop3A_834 = arith.maximumf %parallel_loop3A_833, %parallel_loop3A_762 : vector<16xf32>
      %parallel_loop3A_835 = arith.constant 1024 : i32
      %parallel_loop3A_836 = arith.muli %parallel_loop3A_447, %parallel_loop3A_835 : i32
      %parallel_loop3A_837 = arith.constant 384 : i32
      %parallel_loop3A_838 = arith.addi %parallel_loop3A_836, %parallel_loop3A_837 : i32
      %parallel_loop3A_839 = arith.constant 64 : i32
      %parallel_loop3A_840 = arith.addi %parallel_loop3A_838, %parallel_loop3A_839 : i32
      %parallel_loop3A_841 = arith.index_cast %parallel_loop3A_840 : i32 to index
      %parallel_loop3A_842 = tpu.vector_load %arg5[%parallel_loop3A_841] {strides = array<i32>} : memref<32768xf32, #tpu.memory_space<vmem>>, vector<16xf32>,
      %parallel_loop3A_843 = arith.maximumf %parallel_loop3A_842, %parallel_loop3A_771 : vector<16xf32>
      %parallel_loop3A_844 = arith.constant 1024 : i32
      %parallel_loop3A_845 = arith.muli %parallel_loop3A_447, %parallel_loop3A_844 : i32
      %parallel_loop3A_846 = arith.constant 512 : i32
      %parallel_loop3A_847 = arith.addi %parallel_loop3A_845, %parallel_loop3A_846 : i32
      %parallel_loop3A_848 = arith.constant 64 : i32
      %parallel_loop3A_849 = arith.addi %parallel_loop3A_847, %parallel_loop3A_848 : i32
      %parallel_loop3A_850 = arith.index_cast %parallel_loop3A_849 : i32 to index
      %parallel_loop3A_851 = tpu.vector_load %arg5[%parallel_loop3A_850] {strides = array<i32>} : memref<32768xf32, #tpu.memory_space<vmem>>, vector<16xf32>,
      %parallel_loop3A_852 = arith.maximumf %parallel_loop3A_851, %parallel_loop3A_780 : vector<16xf32>
      %parallel_loop3A_853 = arith.constant 1024 : i32
      %parallel_loop3A_854 = arith.muli %parallel_loop3A_447, %parallel_loop3A_853 : i32
      %parallel_loop3A_855 = arith.constant 640 : i32
      %parallel_loop3A_856 = arith.addi %parallel_loop3A_854, %parallel_loop3A_855 : i32
      %parallel_loop3A_857 = arith.constant 64 : i32
      %parallel_loop3A_858 = arith.addi %parallel_loop3A_856, %parallel_loop3A_857 : i32
      %parallel_loop3A_859 = arith.index_cast %parallel_loop3A_858 : i32 to index
      %parallel_loop3A_860 = tpu.vector_load %arg5[%parallel_loop3A_859] {strides = array<i32>} : memref<32768xf32, #tpu.memory_space<vmem>>, vector<16xf32>,
      %parallel_loop3A_861 = arith.maximumf %parallel_loop3A_860, %parallel_loop3A_789 : vector<16xf32>
      %parallel_loop3A_862 = arith.constant 1024 : i32
      %parallel_loop3A_863 = arith.muli %parallel_loop3A_447, %parallel_loop3A_862 : i32
      %parallel_loop3A_864 = arith.constant 768 : i32
      %parallel_loop3A_865 = arith.addi %parallel_loop3A_863, %parallel_loop3A_864 : i32
      %parallel_loop3A_866 = arith.constant 64 : i32
      %parallel_loop3A_867 = arith.addi %parallel_loop3A_865, %parallel_loop3A_866 : i32
      %parallel_loop3A_868 = arith.index_cast %parallel_loop3A_867 : i32 to index
      %parallel_loop3A_869 = tpu.vector_load %arg5[%parallel_loop3A_868] {strides = array<i32>} : memref<32768xf32, #tpu.memory_space<vmem>>, vector<16xf32>,
      %parallel_loop3A_870 = arith.maximumf %parallel_loop3A_869, %parallel_loop3A_798 : vector<16xf32>
      %parallel_loop3A_871 = arith.constant 1024 : i32
      %parallel_loop3A_872 = arith.muli %parallel_loop3A_447, %parallel_loop3A_871 : i32
      %parallel_loop3A_873 = arith.constant 896 : i32
      %parallel_loop3A_874 = arith.addi %parallel_loop3A_872, %parallel_loop3A_873 : i32
      %parallel_loop3A_875 = arith.constant 64 : i32
      %parallel_loop3A_876 = arith.addi %parallel_loop3A_874, %parallel_loop3A_875 : i32
      %parallel_loop3A_877 = arith.index_cast %parallel_loop3A_876 : i32 to index
      %parallel_loop3A_878 = tpu.vector_load %arg5[%parallel_loop3A_877] {strides = array<i32>} : memref<32768xf32, #tpu.memory_space<vmem>>, vector<16xf32>,
      %parallel_loop3A_879 = arith.maximumf %parallel_loop3A_878, %parallel_loop3A_807 : vector<16xf32>
      %parallel_loop3A_880 = arith.constant 1024 : i32
      %parallel_loop3A_881 = arith.muli %parallel_loop3A_447, %parallel_loop3A_880 : i32
      %parallel_loop3A_882 = arith.constant 0 : i32
      %parallel_loop3A_883 = arith.addi %parallel_loop3A_881, %parallel_loop3A_882 : i32
      %parallel_loop3A_884 = arith.constant 80 : i32
      %parallel_loop3A_885 = arith.addi %parallel_loop3A_883, %parallel_loop3A_884 : i32
      %parallel_loop3A_886 = arith.index_cast %parallel_loop3A_885 : i32 to index
      %parallel_loop3A_887 = tpu.vector_load %arg5[%parallel_loop3A_886] {strides = array<i32>} : memref<32768xf32, #tpu.memory_space<vmem>>, vector<16xf32>,
      %parallel_loop3A_888 = arith.maximumf %parallel_loop3A_887, %parallel_loop3A_816 : vector<16xf32>
      %parallel_loop3A_889 = arith.constant 1024 : i32
      %parallel_loop3A_890 = arith.muli %parallel_loop3A_447, %parallel_loop3A_889 : i32
      %parallel_loop3A_891 = arith.constant 128 : i32
      %parallel_loop3A_892 = arith.addi %parallel_loop3A_890, %parallel_loop3A_891 : i32
      %parallel_loop3A_893 = arith.constant 80 : i32
      %parallel_loop3A_894 = arith.addi %parallel_loop3A_892, %parallel_loop3A_893 : i32
      %parallel_loop3A_895 = arith.index_cast %parallel_loop3A_894 : i32 to index
      %parallel_loop3A_896 = tpu.vector_load %arg5[%parallel_loop3A_895] {strides = array<i32>} : memref<32768xf32, #tpu.memory_space<vmem>>, vector<16xf32>,
      %parallel_loop3A_897 = arith.maximumf %parallel_loop3A_896, %parallel_loop3A_825 : vector<16xf32>
      %parallel_loop3A_898 = arith.constant 1024 : i32
      %parallel_loop3A_899 = arith.muli %parallel_loop3A_447, %parallel_loop3A_898 : i32
      %parallel_loop3A_900 = arith.constant 256 : i32
      %parallel_loop3A_901 = arith.addi %parallel_loop3A_899, %parallel_loop3A_900 : i32
      %parallel_loop3A_902 = arith.constant 80 : i32
      %parallel_loop3A_903 = arith.addi %parallel_loop3A_901, %parallel_loop3A_902 : i32
      %parallel_loop3A_904 = arith.index_cast %parallel_loop3A_903 : i32 to index
      %parallel_loop3A_905 = tpu.vector_load %arg5[%parallel_loop3A_904] {strides = array<i32>} : memref<32768xf32, #tpu.memory_space<vmem>>, vector<16xf32>,
      %parallel_loop3A_906 = arith.maximumf %parallel_loop3A_905, %parallel_loop3A_834 : vector<16xf32>
      %parallel_loop3A_907 = arith.constant 1024 : i32
      %parallel_loop3A_908 = arith.muli %parallel_loop3A_447, %parallel_loop3A_907 : i32
      %parallel_loop3A_909 = arith.constant 384 : i32
      %parallel_loop3A_910 = arith.addi %parallel_loop3A_908, %parallel_loop3A_909 : i32
      %parallel_loop3A_911 = arith.constant 80 : i32
      %parallel_loop3A_912 = arith.addi %parallel_loop3A_910, %parallel_loop3A_911 : i32
      %parallel_loop3A_913 = arith.index_cast %parallel_loop3A_912 : i32 to index
      %parallel_loop3A_914 = tpu.vector_load %arg5[%parallel_loop3A_913] {strides = array<i32>} : memref<32768xf32, #tpu.memory_space<vmem>>, vector<16xf32>,
      %parallel_loop3A_915 = arith.maximumf %parallel_loop3A_914, %parallel_loop3A_843 : vector<16xf32>
      %parallel_loop3A_916 = arith.constant 1024 : i32
      %parallel_loop3A_917 = arith.muli %parallel_loop3A_447, %parallel_loop3A_916 : i32
      %parallel_loop3A_918 = arith.constant 512 : i32
      %parallel_loop3A_919 = arith.addi %parallel_loop3A_917, %parallel_loop3A_918 : i32
      %parallel_loop3A_920 = arith.constant 80 : i32
      %parallel_loop3A_921 = arith.addi %parallel_loop3A_919, %parallel_loop3A_920 : i32
      %parallel_loop3A_922 = arith.index_cast %parallel_loop3A_921 : i32 to index
      %parallel_loop3A_923 = tpu.vector_load %arg5[%parallel_loop3A_922] {strides = array<i32>} : memref<32768xf32, #tpu.memory_space<vmem>>, vector<16xf32>,
      %parallel_loop3A_924 = arith.maximumf %parallel_loop3A_923, %parallel_loop3A_852 : vector<16xf32>
      %parallel_loop3A_925 = arith.constant 1024 : i32
      %parallel_loop3A_926 = arith.muli %parallel_loop3A_447, %parallel_loop3A_925 : i32
      %parallel_loop3A_927 = arith.constant 640 : i32
      %parallel_loop3A_928 = arith.addi %parallel_loop3A_926, %parallel_loop3A_927 : i32
      %parallel_loop3A_929 = arith.constant 80 : i32
      %parallel_loop3A_930 = arith.addi %parallel_loop3A_928, %parallel_loop3A_929 : i32
      %parallel_loop3A_931 = arith.index_cast %parallel_loop3A_930 : i32 to index
      %parallel_loop3A_932 = tpu.vector_load %arg5[%parallel_loop3A_931] {strides = array<i32>} : memref<32768xf32, #tpu.memory_space<vmem>>, vector<16xf32>,
      %parallel_loop3A_933 = arith.maximumf %parallel_loop3A_932, %parallel_loop3A_861 : vector<16xf32>
      %parallel_loop3A_934 = arith.constant 1024 : i32
      %parallel_loop3A_935 = arith.muli %parallel_loop3A_447, %parallel_loop3A_934 : i32
      %parallel_loop3A_936 = arith.constant 768 : i32
      %parallel_loop3A_937 = arith.addi %parallel_loop3A_935, %parallel_loop3A_936 : i32
      %parallel_loop3A_938 = arith.constant 80 : i32
      %parallel_loop3A_939 = arith.addi %parallel_loop3A_937, %parallel_loop3A_938 : i32
      %parallel_loop3A_940 = arith.index_cast %parallel_loop3A_939 : i32 to index
      %parallel_loop3A_941 = tpu.vector_load %arg5[%parallel_loop3A_940] {strides = array<i32>} : memref<32768xf32, #tpu.memory_space<vmem>>, vector<16xf32>,
      %parallel_loop3A_942 = arith.maximumf %parallel_loop3A_941, %parallel_loop3A_870 : vector<16xf32>
      %parallel_loop3A_943 = arith.constant 1024 : i32
      %parallel_loop3A_944 = arith.muli %parallel_loop3A_447, %parallel_loop3A_943 : i32
      %parallel_loop3A_945 = arith.constant 896 : i32
      %parallel_loop3A_946 = arith.addi %parallel_loop3A_944, %parallel_loop3A_945 : i32
      %parallel_loop3A_947 = arith.constant 80 : i32
      %parallel_loop3A_948 = arith.addi %parallel_loop3A_946, %parallel_loop3A_947 : i32
      %parallel_loop3A_949 = arith.index_cast %parallel_loop3A_948 : i32 to index
      %parallel_loop3A_950 = tpu.vector_load %arg5[%parallel_loop3A_949] {strides = array<i32>} : memref<32768xf32, #tpu.memory_space<vmem>>, vector<16xf32>,
      %parallel_loop3A_951 = arith.maximumf %parallel_loop3A_950, %parallel_loop3A_879 : vector<16xf32>
      %parallel_loop3A_952 = arith.constant 1024 : i32
      %parallel_loop3A_953 = arith.muli %parallel_loop3A_447, %parallel_loop3A_952 : i32
      %parallel_loop3A_954 = arith.constant 0 : i32
      %parallel_loop3A_955 = arith.addi %parallel_loop3A_953, %parallel_loop3A_954 : i32
      %parallel_loop3A_956 = arith.constant 96 : i32
      %parallel_loop3A_957 = arith.addi %parallel_loop3A_955, %parallel_loop3A_956 : i32
      %parallel_loop3A_958 = arith.index_cast %parallel_loop3A_957 : i32 to index
      %parallel_loop3A_959 = tpu.vector_load %arg5[%parallel_loop3A_958] {strides = array<i32>} : memref<32768xf32, #tpu.memory_space<vmem>>, vector<16xf32>,
      %parallel_loop3A_960 = arith.maximumf %parallel_loop3A_959, %parallel_loop3A_888 : vector<16xf32>
      %parallel_loop3A_961 = arith.constant 1024 : i32
      %parallel_loop3A_962 = arith.muli %parallel_loop3A_447, %parallel_loop3A_961 : i32
      %parallel_loop3A_963 = arith.constant 128 : i32
      %parallel_loop3A_964 = arith.addi %parallel_loop3A_962, %parallel_loop3A_963 : i32
      %parallel_loop3A_965 = arith.constant 96 : i32
      %parallel_loop3A_966 = arith.addi %parallel_loop3A_964, %parallel_loop3A_965 : i32
      %parallel_loop3A_967 = arith.index_cast %parallel_loop3A_966 : i32 to index
      %parallel_loop3A_968 = tpu.vector_load %arg5[%parallel_loop3A_967] {strides = array<i32>} : memref<32768xf32, #tpu.memory_space<vmem>>, vector<16xf32>,
      %parallel_loop3A_969 = arith.maximumf %parallel_loop3A_968, %parallel_loop3A_897 : vector<16xf32>
      %parallel_loop3A_970 = arith.constant 1024 : i32
      %parallel_loop3A_971 = arith.muli %parallel_loop3A_447, %parallel_loop3A_970 : i32
      %parallel_loop3A_972 = arith.constant 256 : i32
      %parallel_loop3A_973 = arith.addi %parallel_loop3A_971, %parallel_loop3A_972 : i32
      %parallel_loop3A_974 = arith.constant 96 : i32
      %parallel_loop3A_975 = arith.addi %parallel_loop3A_973, %parallel_loop3A_974 : i32
      %parallel_loop3A_976 = arith.index_cast %parallel_loop3A_975 : i32 to index
      %parallel_loop3A_977 = tpu.vector_load %arg5[%parallel_loop3A_976] {strides = array<i32>} : memref<32768xf32, #tpu.memory_space<vmem>>, vector<16xf32>,
      %parallel_loop3A_978 = arith.maximumf %parallel_loop3A_977, %parallel_loop3A_906 : vector<16xf32>
      %parallel_loop3A_979 = arith.constant 1024 : i32
      %parallel_loop3A_980 = arith.muli %parallel_loop3A_447, %parallel_loop3A_979 : i32
      %parallel_loop3A_981 = arith.constant 384 : i32
      %parallel_loop3A_982 = arith.addi %parallel_loop3A_980, %parallel_loop3A_981 : i32
      %parallel_loop3A_983 = arith.constant 96 : i32
      %parallel_loop3A_984 = arith.addi %parallel_loop3A_982, %parallel_loop3A_983 : i32
      %parallel_loop3A_985 = arith.index_cast %parallel_loop3A_984 : i32 to index
      %parallel_loop3A_986 = tpu.vector_load %arg5[%parallel_loop3A_985] {strides = array<i32>} : memref<32768xf32, #tpu.memory_space<vmem>>, vector<16xf32>,
      %parallel_loop3A_987 = arith.maximumf %parallel_loop3A_986, %parallel_loop3A_915 : vector<16xf32>
      %parallel_loop3A_988 = arith.constant 1024 : i32
      %parallel_loop3A_989 = arith.muli %parallel_loop3A_447, %parallel_loop3A_988 : i32
      %parallel_loop3A_990 = arith.constant 512 : i32
      %parallel_loop3A_991 = arith.addi %parallel_loop3A_989, %parallel_loop3A_990 : i32
      %parallel_loop3A_992 = arith.constant 96 : i32
      %parallel_loop3A_993 = arith.addi %parallel_loop3A_991, %parallel_loop3A_992 : i32
      %parallel_loop3A_994 = arith.index_cast %parallel_loop3A_993 : i32 to index
      %parallel_loop3A_995 = tpu.vector_load %arg5[%parallel_loop3A_994] {strides = array<i32>} : memref<32768xf32, #tpu.memory_space<vmem>>, vector<16xf32>,
      %parallel_loop3A_996 = arith.maximumf %parallel_loop3A_995, %parallel_loop3A_924 : vector<16xf32>
      %parallel_loop3A_997 = arith.constant 1024 : i32
      %parallel_loop3A_998 = arith.muli %parallel_loop3A_447, %parallel_loop3A_997 : i32
      %parallel_loop3A_999 = arith.constant 640 : i32
      %parallel_loop3A_1000 = arith.addi %parallel_loop3A_998, %parallel_loop3A_999 : i32
      %parallel_loop3A_1001 = arith.constant 96 : i32
      %parallel_loop3A_1002 = arith.addi %parallel_loop3A_1000, %parallel_loop3A_1001 : i32
      %parallel_loop3A_1003 = arith.index_cast %parallel_loop3A_1002 : i32 to index
      %parallel_loop3A_1004 = tpu.vector_load %arg5[%parallel_loop3A_1003] {strides = array<i32>} : memref<32768xf32, #tpu.memory_space<vmem>>, vector<16xf32>,
      %parallel_loop3A_1005 = arith.maximumf %parallel_loop3A_1004, %parallel_loop3A_933 : vector<16xf32>
      %parallel_loop3A_1006 = arith.constant 1024 : i32
      %parallel_loop3A_1007 = arith.muli %parallel_loop3A_447, %parallel_loop3A_1006 : i32
      %parallel_loop3A_1008 = arith.constant 768 : i32
      %parallel_loop3A_1009 = arith.addi %parallel_loop3A_1007, %parallel_loop3A_1008 : i32
      %parallel_loop3A_1010 = arith.constant 96 : i32
      %parallel_loop3A_1011 = arith.addi %parallel_loop3A_1009, %parallel_loop3A_1010 : i32
      %parallel_loop3A_1012 = arith.index_cast %parallel_loop3A_1011 : i32 to index
      %parallel_loop3A_1013 = tpu.vector_load %arg5[%parallel_loop3A_1012] {strides = array<i32>} : memref<32768xf32, #tpu.memory_space<vmem>>, vector<16xf32>,
      %parallel_loop3A_1014 = arith.maximumf %parallel_loop3A_1013, %parallel_loop3A_942 : vector<16xf32>
      %parallel_loop3A_1015 = arith.constant 1024 : i32
      %parallel_loop3A_1016 = arith.muli %parallel_loop3A_447, %parallel_loop3A_1015 : i32
      %parallel_loop3A_1017 = arith.constant 896 : i32
      %parallel_loop3A_1018 = arith.addi %parallel_loop3A_1016, %parallel_loop3A_1017 : i32
      %parallel_loop3A_1019 = arith.constant 96 : i32
      %parallel_loop3A_1020 = arith.addi %parallel_loop3A_1018, %parallel_loop3A_1019 : i32
      %parallel_loop3A_1021 = arith.index_cast %parallel_loop3A_1020 : i32 to index
      %parallel_loop3A_1022 = tpu.vector_load %arg5[%parallel_loop3A_1021] {strides = array<i32>} : memref<32768xf32, #tpu.memory_space<vmem>>, vector<16xf32>,
      %parallel_loop3A_1023 = arith.maximumf %parallel_loop3A_1022, %parallel_loop3A_951 : vector<16xf32>
      %parallel_loop3A_1024 = arith.constant 1024 : i32
      %parallel_loop3A_1025 = arith.muli %parallel_loop3A_447, %parallel_loop3A_1024 : i32
      %parallel_loop3A_1026 = arith.constant 0 : i32
      %parallel_loop3A_1027 = arith.addi %parallel_loop3A_1025, %parallel_loop3A_1026 : i32
      %parallel_loop3A_1028 = arith.constant 112 : i32
      %parallel_loop3A_1029 = arith.addi %parallel_loop3A_1027, %parallel_loop3A_1028 : i32
      %parallel_loop3A_1030 = arith.index_cast %parallel_loop3A_1029 : i32 to index
      %parallel_loop3A_1031 = tpu.vector_load %arg5[%parallel_loop3A_1030] {strides = array<i32>} : memref<32768xf32, #tpu.memory_space<vmem>>, vector<16xf32>,
      %parallel_loop3A_1032 = arith.maximumf %parallel_loop3A_1031, %parallel_loop3A_960 : vector<16xf32>
      %parallel_loop3A_1033 = arith.constant 1024 : i32
      %parallel_loop3A_1034 = arith.muli %parallel_loop3A_447, %parallel_loop3A_1033 : i32
      %parallel_loop3A_1035 = arith.constant 128 : i32
      %parallel_loop3A_1036 = arith.addi %parallel_loop3A_1034, %parallel_loop3A_1035 : i32
      %parallel_loop3A_1037 = arith.constant 112 : i32
      %parallel_loop3A_1038 = arith.addi %parallel_loop3A_1036, %parallel_loop3A_1037 : i32
      %parallel_loop3A_1039 = arith.index_cast %parallel_loop3A_1038 : i32 to index
      %parallel_loop3A_1040 = tpu.vector_load %arg5[%parallel_loop3A_1039] {strides = array<i32>} : memref<32768xf32, #tpu.memory_space<vmem>>, vector<16xf32>,
      %parallel_loop3A_1041 = arith.maximumf %parallel_loop3A_1040, %parallel_loop3A_969 : vector<16xf32>
      %parallel_loop3A_1042 = arith.constant 1024 : i32
      %parallel_loop3A_1043 = arith.muli %parallel_loop3A_447, %parallel_loop3A_1042 : i32
      %parallel_loop3A_1044 = arith.constant 256 : i32
      %parallel_loop3A_1045 = arith.addi %parallel_loop3A_1043, %parallel_loop3A_1044 : i32
      %parallel_loop3A_1046 = arith.constant 112 : i32
      %parallel_loop3A_1047 = arith.addi %parallel_loop3A_1045, %parallel_loop3A_1046 : i32
      %parallel_loop3A_1048 = arith.index_cast %parallel_loop3A_1047 : i32 to index
      %parallel_loop3A_1049 = tpu.vector_load %arg5[%parallel_loop3A_1048] {strides = array<i32>} : memref<32768xf32, #tpu.memory_space<vmem>>, vector<16xf32>,
      %parallel_loop3A_1050 = arith.maximumf %parallel_loop3A_1049, %parallel_loop3A_978 : vector<16xf32>
      %parallel_loop3A_1051 = arith.constant 1024 : i32
      %parallel_loop3A_1052 = arith.muli %parallel_loop3A_447, %parallel_loop3A_1051 : i32
      %parallel_loop3A_1053 = arith.constant 384 : i32
      %parallel_loop3A_1054 = arith.addi %parallel_loop3A_1052, %parallel_loop3A_1053 : i32
      %parallel_loop3A_1055 = arith.constant 112 : i32
      %parallel_loop3A_1056 = arith.addi %parallel_loop3A_1054, %parallel_loop3A_1055 : i32
      %parallel_loop3A_1057 = arith.index_cast %parallel_loop3A_1056 : i32 to index
      %parallel_loop3A_1058 = tpu.vector_load %arg5[%parallel_loop3A_1057] {strides = array<i32>} : memref<32768xf32, #tpu.memory_space<vmem>>, vector<16xf32>,
      %parallel_loop3A_1059 = arith.maximumf %parallel_loop3A_1058, %parallel_loop3A_987 : vector<16xf32>
      %parallel_loop3A_1060 = arith.constant 1024 : i32
      %parallel_loop3A_1061 = arith.muli %parallel_loop3A_447, %parallel_loop3A_1060 : i32
      %parallel_loop3A_1062 = arith.constant 512 : i32
      %parallel_loop3A_1063 = arith.addi %parallel_loop3A_1061, %parallel_loop3A_1062 : i32
      %parallel_loop3A_1064 = arith.constant 112 : i32
      %parallel_loop3A_1065 = arith.addi %parallel_loop3A_1063, %parallel_loop3A_1064 : i32
      %parallel_loop3A_1066 = arith.index_cast %parallel_loop3A_1065 : i32 to index
      %parallel_loop3A_1067 = tpu.vector_load %arg5[%parallel_loop3A_1066] {strides = array<i32>} : memref<32768xf32, #tpu.memory_space<vmem>>, vector<16xf32>,
      %parallel_loop3A_1068 = arith.maximumf %parallel_loop3A_1067, %parallel_loop3A_996 : vector<16xf32>
      %parallel_loop3A_1069 = arith.constant 1024 : i32
      %parallel_loop3A_1070 = arith.muli %parallel_loop3A_447, %parallel_loop3A_1069 : i32
      %parallel_loop3A_1071 = arith.constant 640 : i32
      %parallel_loop3A_1072 = arith.addi %parallel_loop3A_1070, %parallel_loop3A_1071 : i32
      %parallel_loop3A_1073 = arith.constant 112 : i32
      %parallel_loop3A_1074 = arith.addi %parallel_loop3A_1072, %parallel_loop3A_1073 : i32
      %parallel_loop3A_1075 = arith.index_cast %parallel_loop3A_1074 : i32 to index
      %parallel_loop3A_1076 = tpu.vector_load %arg5[%parallel_loop3A_1075] {strides = array<i32>} : memref<32768xf32, #tpu.memory_space<vmem>>, vector<16xf32>,
      %parallel_loop3A_1077 = arith.maximumf %parallel_loop3A_1076, %parallel_loop3A_1005 : vector<16xf32>
      %parallel_loop3A_1078 = arith.constant 1024 : i32
      %parallel_loop3A_1079 = arith.muli %parallel_loop3A_447, %parallel_loop3A_1078 : i32
      %parallel_loop3A_1080 = arith.constant 768 : i32
      %parallel_loop3A_1081 = arith.addi %parallel_loop3A_1079, %parallel_loop3A_1080 : i32
      %parallel_loop3A_1082 = arith.constant 112 : i32
      %parallel_loop3A_1083 = arith.addi %parallel_loop3A_1081, %parallel_loop3A_1082 : i32
      %parallel_loop3A_1084 = arith.index_cast %parallel_loop3A_1083 : i32 to index
      %parallel_loop3A_1085 = tpu.vector_load %arg5[%parallel_loop3A_1084] {strides = array<i32>} : memref<32768xf32, #tpu.memory_space<vmem>>, vector<16xf32>,
      %parallel_loop3A_1086 = arith.maximumf %parallel_loop3A_1085, %parallel_loop3A_1014 : vector<16xf32>
      %parallel_loop3A_1087 = arith.constant 1024 : i32
      %parallel_loop3A_1088 = arith.muli %parallel_loop3A_447, %parallel_loop3A_1087 : i32
      %parallel_loop3A_1089 = arith.constant 896 : i32
      %parallel_loop3A_1090 = arith.addi %parallel_loop3A_1088, %parallel_loop3A_1089 : i32
      %parallel_loop3A_1091 = arith.constant 112 : i32
      %parallel_loop3A_1092 = arith.addi %parallel_loop3A_1090, %parallel_loop3A_1091 : i32
      %parallel_loop3A_1093 = arith.index_cast %parallel_loop3A_1092 : i32 to index
      %parallel_loop3A_1094 = tpu.vector_load %arg5[%parallel_loop3A_1093] {strides = array<i32>} : memref<32768xf32, #tpu.memory_space<vmem>>, vector<16xf32>,
      %parallel_loop3A_1095 = arith.maximumf %parallel_loop3A_1094, %parallel_loop3A_1023 : vector<16xf32>
      scf.yield %parallel_loop3A_1032, %parallel_loop3A_449, %parallel_loop3A_1041, %parallel_loop3A_451, %parallel_loop3A_1050, %parallel_loop3A_453, %parallel_loop3A_1059, %parallel_loop3A_455, %parallel_loop3A_1068, %parallel_loop3A_457, %parallel_loop3A_1077, %parallel_loop3A_459, %parallel_loop3A_1086, %parallel_loop3A_461, %parallel_loop3A_1095, %parallel_loop3A_463 : vector<16xf32>, vector<16xi32>, vector<16xf32>, vector<16xi32>, vector<16xf32>, vector<16xi32>, vector<16xf32>, vector<16xi32>, vector<16xf32>, vector<16xi32>, vector<16xf32>, vector<16xi32>, vector<16xf32>, vector<16xi32>, vector<16xf32>, vector<16xi32>
    } {sc.loop_unroll_factor = 2 : i64, sc.parallel_access}
    %add3A_49 = arith.constant 32768 : i32
    %add3A_50 = arith.addi %mul3A_2, %add3A_49 : i32
    %dma_wait3A_51 = tpu.memref_slice %arg2[%add3A_50] : memref<2097152xf32, #tpu.memory_space<hbm>> -> memref<32768xf32, #tpu.memory_space<hbm>>
    %dma_wait3A_52 = tpu.memref_slice %arg2[%add3A_50] : memref<2097152xf32, #tpu.memory_space<hbm>> -> memref<32768xf32, #tpu.memory_space<hbm>>
    tpu.wait_dma2 semaphore(%arg8 : memref<!tpu.dma_semaphore, #tpu.memory_space<semaphore_mem>>) src(%dma_wait3A_52 : memref<32768xf32, #tpu.memory_space<hbm>>) dst(%arg6 : memref<32768xf32, #tpu.memory_space<vmem>>)
    %parallel_loop3A_53 = arith.constant 0 : i32
    %parallel_loop3A_54 = arith.constant 32 : i32
    %parallel_loop3A_55 = arith.constant 1 : i32
    %parallel_loop3A_56:16 = scf.for %parallel_loop3A_447 = %parallel_loop3A_53 to %parallel_loop3A_54 step %parallel_loop3A_55 iter_args(%parallel_loop3A_448 = %parallel_loop3A_48#0, %parallel_loop3A_449 = %parallel_loop3A_48#1, %parallel_loop3A_450 = %parallel_loop3A_48#2, %parallel_loop3A_451 = %parallel_loop3A_48#3, %parallel_loop3A_452 = %parallel_loop3A_48#4, %parallel_loop3A_453 = %parallel_loop3A_48#5, %parallel_loop3A_454 = %parallel_loop3A_48#6, %parallel_loop3A_455 = %parallel_loop3A_48#7, %parallel_loop3A_456 = %parallel_loop3A_48#8, %parallel_loop3A_457 = %parallel_loop3A_48#9, %parallel_loop3A_458 = %parallel_loop3A_48#10, %parallel_loop3A_459 = %parallel_loop3A_48#11, %parallel_loop3A_460 = %parallel_loop3A_48#12, %parallel_loop3A_461 = %parallel_loop3A_48#13, %parallel_loop3A_462 = %parallel_loop3A_48#14, %parallel_loop3A_463 = %parallel_loop3A_48#15) -> (vector<16xf32>, vector<16xi32>, vector<16xf32>, vector<16xi32>, vector<16xf32>, vector<16xi32>, vector<16xf32>, vector<16xi32>, vector<16xf32>, vector<16xi32>, vector<16xf32>, vector<16xi32>, vector<16xf32>, vector<16xi32>, vector<16xf32>, vector<16xi32>)  : i32 {
      %parallel_loop3A_464 = arith.constant 32 : i32
      %parallel_loop3A_465 = arith.addi %parallel_loop3A_464, %parallel_loop3A_447 : i32
      %parallel_loop3A_466 = arith.constant 8 : i32
      %parallel_loop3A_467 = arith.muli %parallel_loop3A_465, %parallel_loop3A_466 : i32
      %parallel_loop3A_468 = arith.constant 0 : i32
      %parallel_loop3A_469 = arith.addi %parallel_loop3A_467, %parallel_loop3A_468 : i32
      %parallel_loop3A_470 = vector.broadcast %parallel_loop3A_469 : i32 to vector<16xi32>
      %parallel_loop3A_471 = arith.constant 32 : i32
      %parallel_loop3A_472 = arith.addi %parallel_loop3A_471, %parallel_loop3A_447 : i32
      %parallel_loop3A_473 = arith.constant 8 : i32
      %parallel_loop3A_474 = arith.muli %parallel_loop3A_472, %parallel_loop3A_473 : i32
      %parallel_loop3A_475 = arith.constant 1 : i32
      %parallel_loop3A_476 = arith.addi %parallel_loop3A_474, %parallel_loop3A_475 : i32
      %parallel_loop3A_477 = vector.broadcast %parallel_loop3A_476 : i32 to vector<16xi32>
      %parallel_loop3A_478 = arith.constant 32 : i32
      %parallel_loop3A_479 = arith.addi %parallel_loop3A_478, %parallel_loop3A_447 : i32
      %parallel_loop3A_480 = arith.constant 8 : i32
      %parallel_loop3A_481 = arith.muli %parallel_loop3A_479, %parallel_loop3A_480 : i32
      %parallel_loop3A_482 = arith.constant 2 : i32
      %parallel_loop3A_483 = arith.addi %parallel_loop3A_481, %parallel_loop3A_482 : i32
      %parallel_loop3A_484 = vector.broadcast %parallel_loop3A_483 : i32 to vector<16xi32>
      %parallel_loop3A_485 = arith.constant 32 : i32
      %parallel_loop3A_486 = arith.addi %parallel_loop3A_485, %parallel_loop3A_447 : i32
      %parallel_loop3A_487 = arith.constant 8 : i32
      %parallel_loop3A_488 = arith.muli %parallel_loop3A_486, %parallel_loop3A_487 : i32
      %parallel_loop3A_489 = arith.constant 3 : i32
      %parallel_loop3A_490 = arith.addi %parallel_loop3A_488, %parallel_loop3A_489 : i32
      %parallel_loop3A_491 = vector.broadcast %parallel_loop3A_490 : i32 to vector<16xi32>
      %parallel_loop3A_492 = arith.constant 32 : i32
      %parallel_loop3A_493 = arith.addi %parallel_loop3A_492, %parallel_loop3A_447 : i32
      %parallel_loop3A_494 = arith.constant 8 : i32
      %parallel_loop3A_495 = arith.muli %parallel_loop3A_493, %parallel_loop3A_494 : i32
      %parallel_loop3A_496 = arith.constant 4 : i32
      %parallel_loop3A_497 = arith.addi %parallel_loop3A_495, %parallel_loop3A_496 : i32
      %parallel_loop3A_498 = vector.broadcast %parallel_loop3A_497 : i32 to vector<16xi32>
      %parallel_loop3A_499 = arith.constant 32 : i32
      %parallel_loop3A_500 = arith.addi %parallel_loop3A_499, %parallel_loop3A_447 : i32
      %parallel_loop3A_501 = arith.constant 8 : i32
      %parallel_loop3A_502 = arith.muli %parallel_loop3A_500, %parallel_loop3A_501 : i32
      %parallel_loop3A_503 = arith.constant 5 : i32
      %parallel_loop3A_504 = arith.addi %parallel_loop3A_502, %parallel_loop3A_503 : i32
      %parallel_loop3A_505 = vector.broadcast %parallel_loop3A_504 : i32 to vector<16xi32>
      %parallel_loop3A_506 = arith.constant 32 : i32
      %parallel_loop3A_507 = arith.addi %parallel_loop3A_506, %parallel_loop3A_447 : i32
      %parallel_loop3A_508 = arith.constant 8 : i32
      %parallel_loop3A_509 = arith.muli %parallel_loop3A_507, %parallel_loop3A_508 : i32
      %parallel_loop3A_510 = arith.constant 6 : i32
      %parallel_loop3A_511 = arith.addi %parallel_loop3A_509, %parallel_loop3A_510 : i32
      %parallel_loop3A_512 = vector.broadcast %parallel_loop3A_511 : i32 to vector<16xi32>
      %parallel_loop3A_513 = arith.constant 32 : i32
      %parallel_loop3A_514 = arith.addi %parallel_loop3A_513, %parallel_loop3A_447 : i32
      %parallel_loop3A_515 = arith.constant 8 : i32
      %parallel_loop3A_516 = arith.muli %parallel_loop3A_514, %parallel_loop3A_515 : i32
      %parallel_loop3A_517 = arith.constant 7 : i32
      %parallel_loop3A_518 = arith.addi %parallel_loop3A_516, %parallel_loop3A_517 : i32
      %parallel_loop3A_519 = vector.broadcast %parallel_loop3A_518 : i32 to vector<16xi32>
      %parallel_loop3A_520 = arith.constant 1024 : i32
      %parallel_loop3A_521 = arith.muli %parallel_loop3A_447, %parallel_loop3A_520 : i32
      %parallel_loop3A_522 = arith.constant 0 : i32
      %parallel_loop3A_523 = arith.addi %parallel_loop3A_521, %parallel_loop3A_522 : i32
      %parallel_loop3A_524 = arith.constant 0 : i32
      %parallel_loop3A_525 = arith.addi %parallel_loop3A_523, %parallel_loop3A_524 : i32
      %parallel_loop3A_526 = arith.index_cast %parallel_loop3A_525 : i32 to index
      %parallel_loop3A_527 = tpu.vector_load %arg6[%parallel_loop3A_526] {strides = array<i32>} : memref<32768xf32, #tpu.memory_space<vmem>>, vector<16xf32>,
      %parallel_loop3A_528 = arith.maximumf %parallel_loop3A_527, %parallel_loop3A_448 : vector<16xf32>
      %parallel_loop3A_529 = arith.constant 1024 : i32
      %parallel_loop3A_530 = arith.muli %parallel_loop3A_447, %parallel_loop3A_529 : i32
      %parallel_loop3A_531 = arith.constant 128 : i32
      %parallel_loop3A_532 = arith.addi %parallel_loop3A_530, %parallel_loop3A_531 : i32
      %parallel_loop3A_533 = arith.constant 0 : i32
      %parallel_loop3A_534 = arith.addi %parallel_loop3A_532, %parallel_loop3A_533 : i32
      %parallel_loop3A_535 = arith.index_cast %parallel_loop3A_534 : i32 to index
      %parallel_loop3A_536 = tpu.vector_load %arg6[%parallel_loop3A_535] {strides = array<i32>} : memref<32768xf32, #tpu.memory_space<vmem>>, vector<16xf32>,
      %parallel_loop3A_537 = arith.maximumf %parallel_loop3A_536, %parallel_loop3A_450 : vector<16xf32>
      %parallel_loop3A_538 = arith.constant 1024 : i32
      %parallel_loop3A_539 = arith.muli %parallel_loop3A_447, %parallel_loop3A_538 : i32
      %parallel_loop3A_540 = arith.constant 256 : i32
      %parallel_loop3A_541 = arith.addi %parallel_loop3A_539, %parallel_loop3A_540 : i32
      %parallel_loop3A_542 = arith.constant 0 : i32
      %parallel_loop3A_543 = arith.addi %parallel_loop3A_541, %parallel_loop3A_542 : i32
      %parallel_loop3A_544 = arith.index_cast %parallel_loop3A_543 : i32 to index
      %parallel_loop3A_545 = tpu.vector_load %arg6[%parallel_loop3A_544] {strides = array<i32>} : memref<32768xf32, #tpu.memory_space<vmem>>, vector<16xf32>,
      %parallel_loop3A_546 = arith.maximumf %parallel_loop3A_545, %parallel_loop3A_452 : vector<16xf32>
      %parallel_loop3A_547 = arith.constant 1024 : i32
      %parallel_loop3A_548 = arith.muli %parallel_loop3A_447, %parallel_loop3A_547 : i32
      %parallel_loop3A_549 = arith.constant 384 : i32
      %parallel_loop3A_550 = arith.addi %parallel_loop3A_548, %parallel_loop3A_549 : i32
      %parallel_loop3A_551 = arith.constant 0 : i32
      %parallel_loop3A_552 = arith.addi %parallel_loop3A_550, %parallel_loop3A_551 : i32
      %parallel_loop3A_553 = arith.index_cast %parallel_loop3A_552 : i32 to index
      %parallel_loop3A_554 = tpu.vector_load %arg6[%parallel_loop3A_553] {strides = array<i32>} : memref<32768xf32, #tpu.memory_space<vmem>>, vector<16xf32>,
      %parallel_loop3A_555 = arith.maximumf %parallel_loop3A_554, %parallel_loop3A_454 : vector<16xf32>
      %parallel_loop3A_556 = arith.constant 1024 : i32
      %parallel_loop3A_557 = arith.muli %parallel_loop3A_447, %parallel_loop3A_556 : i32
      %parallel_loop3A_558 = arith.constant 512 : i32
      %parallel_loop3A_559 = arith.addi %parallel_loop3A_557, %parallel_loop3A_558 : i32
      %parallel_loop3A_560 = arith.constant 0 : i32
      %parallel_loop3A_561 = arith.addi %parallel_loop3A_559, %parallel_loop3A_560 : i32
      %parallel_loop3A_562 = arith.index_cast %parallel_loop3A_561 : i32 to index
      %parallel_loop3A_563 = tpu.vector_load %arg6[%parallel_loop3A_562] {strides = array<i32>} : memref<32768xf32, #tpu.memory_space<vmem>>, vector<16xf32>,
      %parallel_loop3A_564 = arith.maximumf %parallel_loop3A_563, %parallel_loop3A_456 : vector<16xf32>
      %parallel_loop3A_565 = arith.constant 1024 : i32
      %parallel_loop3A_566 = arith.muli %parallel_loop3A_447, %parallel_loop3A_565 : i32
      %parallel_loop3A_567 = arith.constant 640 : i32
      %parallel_loop3A_568 = arith.addi %parallel_loop3A_566, %parallel_loop3A_567 : i32
      %parallel_loop3A_569 = arith.constant 0 : i32
      %parallel_loop3A_570 = arith.addi %parallel_loop3A_568, %parallel_loop3A_569 : i32
      %parallel_loop3A_571 = arith.index_cast %parallel_loop3A_570 : i32 to index
      %parallel_loop3A_572 = tpu.vector_load %arg6[%parallel_loop3A_571] {strides = array<i32>} : memref<32768xf32, #tpu.memory_space<vmem>>, vector<16xf32>,
      %parallel_loop3A_573 = arith.maximumf %parallel_loop3A_572, %parallel_loop3A_458 : vector<16xf32>
      %parallel_loop3A_574 = arith.constant 1024 : i32
      %parallel_loop3A_575 = arith.muli %parallel_loop3A_447, %parallel_loop3A_574 : i32
      %parallel_loop3A_576 = arith.constant 768 : i32
      %parallel_loop3A_577 = arith.addi %parallel_loop3A_575, %parallel_loop3A_576 : i32
      %parallel_loop3A_578 = arith.constant 0 : i32
      %parallel_loop3A_579 = arith.addi %parallel_loop3A_577, %parallel_loop3A_578 : i32
      %parallel_loop3A_580 = arith.index_cast %parallel_loop3A_579 : i32 to index
      %parallel_loop3A_581 = tpu.vector_load %arg6[%parallel_loop3A_580] {strides = array<i32>} : memref<32768xf32, #tpu.memory_space<vmem>>, vector<16xf32>,
      %parallel_loop3A_582 = arith.maximumf %parallel_loop3A_581, %parallel_loop3A_460 : vector<16xf32>
      %parallel_loop3A_583 = arith.constant 1024 : i32
      %parallel_loop3A_584 = arith.muli %parallel_loop3A_447, %parallel_loop3A_583 : i32
      %parallel_loop3A_585 = arith.constant 896 : i32
      %parallel_loop3A_586 = arith.addi %parallel_loop3A_584, %parallel_loop3A_585 : i32
      %parallel_loop3A_587 = arith.constant 0 : i32
      %parallel_loop3A_588 = arith.addi %parallel_loop3A_586, %parallel_loop3A_587 : i32
      %parallel_loop3A_589 = arith.index_cast %parallel_loop3A_588 : i32 to index
      %parallel_loop3A_590 = tpu.vector_load %arg6[%parallel_loop3A_589] {strides = array<i32>} : memref<32768xf32, #tpu.memory_space<vmem>>, vector<16xf32>,
      %parallel_loop3A_591 = arith.maximumf %parallel_loop3A_590, %parallel_loop3A_462 : vector<16xf32>
      %parallel_loop3A_592 = arith.constant 1024 : i32
      %parallel_loop3A_593 = arith.muli %parallel_loop3A_447, %parallel_loop3A_592 : i32
      %parallel_loop3A_594 = arith.constant 0 : i32
      %parallel_loop3A_595 = arith.addi %parallel_loop3A_593, %parallel_loop3A_594 : i32
      %parallel_loop3A_596 = arith.constant 16 : i32
      %parallel_loop3A_597 = arith.addi %parallel_loop3A_595, %parallel_loop3A_596 : i32
      %parallel_loop3A_598 = arith.index_cast %parallel_loop3A_597 : i32 to index
      %parallel_loop3A_599 = tpu.vector_load %arg6[%parallel_loop3A_598] {strides = array<i32>} : memref<32768xf32, #tpu.memory_space<vmem>>, vector<16xf32>,
      %parallel_loop3A_600 = arith.maximumf %parallel_loop3A_599, %parallel_loop3A_528 : vector<16xf32>
      %parallel_loop3A_601 = arith.constant 1024 : i32
      %parallel_loop3A_602 = arith.muli %parallel_loop3A_447, %parallel_loop3A_601 : i32
      %parallel_loop3A_603 = arith.constant 128 : i32
      %parallel_loop3A_604 = arith.addi %parallel_loop3A_602, %parallel_loop3A_603 : i32
      %parallel_loop3A_605 = arith.constant 16 : i32
      %parallel_loop3A_606 = arith.addi %parallel_loop3A_604, %parallel_loop3A_605 : i32
      %parallel_loop3A_607 = arith.index_cast %parallel_loop3A_606 : i32 to index
      %parallel_loop3A_608 = tpu.vector_load %arg6[%parallel_loop3A_607] {strides = array<i32>} : memref<32768xf32, #tpu.memory_space<vmem>>, vector<16xf32>,
      %parallel_loop3A_609 = arith.maximumf %parallel_loop3A_608, %parallel_loop3A_537 : vector<16xf32>
      %parallel_loop3A_610 = arith.constant 1024 : i32
      %parallel_loop3A_611 = arith.muli %parallel_loop3A_447, %parallel_loop3A_610 : i32
      %parallel_loop3A_612 = arith.constant 256 : i32
      %parallel_loop3A_613 = arith.addi %parallel_loop3A_611, %parallel_loop3A_612 : i32
      %parallel_loop3A_614 = arith.constant 16 : i32
      %parallel_loop3A_615 = arith.addi %parallel_loop3A_613, %parallel_loop3A_614 : i32
      %parallel_loop3A_616 = arith.index_cast %parallel_loop3A_615 : i32 to index
      %parallel_loop3A_617 = tpu.vector_load %arg6[%parallel_loop3A_616] {strides = array<i32>} : memref<32768xf32, #tpu.memory_space<vmem>>, vector<16xf32>,
      %parallel_loop3A_618 = arith.maximumf %parallel_loop3A_617, %parallel_loop3A_546 : vector<16xf32>
      %parallel_loop3A_619 = arith.constant 1024 : i32
      %parallel_loop3A_620 = arith.muli %parallel_loop3A_447, %parallel_loop3A_619 : i32
      %parallel_loop3A_621 = arith.constant 384 : i32
      %parallel_loop3A_622 = arith.addi %parallel_loop3A_620, %parallel_loop3A_621 : i32
      %parallel_loop3A_623 = arith.constant 16 : i32
      %parallel_loop3A_624 = arith.addi %parallel_loop3A_622, %parallel_loop3A_623 : i32
      %parallel_loop3A_625 = arith.index_cast %parallel_loop3A_624 : i32 to index
      %parallel_loop3A_626 = tpu.vector_load %arg6[%parallel_loop3A_625] {strides = array<i32>} : memref<32768xf32, #tpu.memory_space<vmem>>, vector<16xf32>,
      %parallel_loop3A_627 = arith.maximumf %parallel_loop3A_626, %parallel_loop3A_555 : vector<16xf32>
      %parallel_loop3A_628 = arith.constant 1024 : i32
      %parallel_loop3A_629 = arith.muli %parallel_loop3A_447, %parallel_loop3A_628 : i32
      %parallel_loop3A_630 = arith.constant 512 : i32
      %parallel_loop3A_631 = arith.addi %parallel_loop3A_629, %parallel_loop3A_630 : i32
      %parallel_loop3A_632 = arith.constant 16 : i32
      %parallel_loop3A_633 = arith.addi %parallel_loop3A_631, %parallel_loop3A_632 : i32
      %parallel_loop3A_634 = arith.index_cast %parallel_loop3A_633 : i32 to index
      %parallel_loop3A_635 = tpu.vector_load %arg6[%parallel_loop3A_634] {strides = array<i32>} : memref<32768xf32, #tpu.memory_space<vmem>>, vector<16xf32>,
      %parallel_loop3A_636 = arith.maximumf %parallel_loop3A_635, %parallel_loop3A_564 : vector<16xf32>
      %parallel_loop3A_637 = arith.constant 1024 : i32
      %parallel_loop3A_638 = arith.muli %parallel_loop3A_447, %parallel_loop3A_637 : i32
      %parallel_loop3A_639 = arith.constant 640 : i32
      %parallel_loop3A_640 = arith.addi %parallel_loop3A_638, %parallel_loop3A_639 : i32
      %parallel_loop3A_641 = arith.constant 16 : i32
      %parallel_loop3A_642 = arith.addi %parallel_loop3A_640, %parallel_loop3A_641 : i32
      %parallel_loop3A_643 = arith.index_cast %parallel_loop3A_642 : i32 to index
      %parallel_loop3A_644 = tpu.vector_load %arg6[%parallel_loop3A_643] {strides = array<i32>} : memref<32768xf32, #tpu.memory_space<vmem>>, vector<16xf32>,
      %parallel_loop3A_645 = arith.maximumf %parallel_loop3A_644, %parallel_loop3A_573 : vector<16xf32>
      %parallel_loop3A_646 = arith.constant 1024 : i32
      %parallel_loop3A_647 = arith.muli %parallel_loop3A_447, %parallel_loop3A_646 : i32
      %parallel_loop3A_648 = arith.constant 768 : i32
      %parallel_loop3A_649 = arith.addi %parallel_loop3A_647, %parallel_loop3A_648 : i32
      %parallel_loop3A_650 = arith.constant 16 : i32
      %parallel_loop3A_651 = arith.addi %parallel_loop3A_649, %parallel_loop3A_650 : i32
      %parallel_loop3A_652 = arith.index_cast %parallel_loop3A_651 : i32 to index
      %parallel_loop3A_653 = tpu.vector_load %arg6[%parallel_loop3A_652] {strides = array<i32>} : memref<32768xf32, #tpu.memory_space<vmem>>, vector<16xf32>,
      %parallel_loop3A_654 = arith.maximumf %parallel_loop3A_653, %parallel_loop3A_582 : vector<16xf32>
      %parallel_loop3A_655 = arith.constant 1024 : i32
      %parallel_loop3A_656 = arith.muli %parallel_loop3A_447, %parallel_loop3A_655 : i32
      %parallel_loop3A_657 = arith.constant 896 : i32
      %parallel_loop3A_658 = arith.addi %parallel_loop3A_656, %parallel_loop3A_657 : i32
      %parallel_loop3A_659 = arith.constant 16 : i32
      %parallel_loop3A_660 = arith.addi %parallel_loop3A_658, %parallel_loop3A_659 : i32
      %parallel_loop3A_661 = arith.index_cast %parallel_loop3A_660 : i32 to index
      %parallel_loop3A_662 = tpu.vector_load %arg6[%parallel_loop3A_661] {strides = array<i32>} : memref<32768xf32, #tpu.memory_space<vmem>>, vector<16xf32>,
      %parallel_loop3A_663 = arith.maximumf %parallel_loop3A_662, %parallel_loop3A_591 : vector<16xf32>
      %parallel_loop3A_664 = arith.constant 1024 : i32
      %parallel_loop3A_665 = arith.muli %parallel_loop3A_447, %parallel_loop3A_664 : i32
      %parallel_loop3A_666 = arith.constant 0 : i32
      %parallel_loop3A_667 = arith.addi %parallel_loop3A_665, %parallel_loop3A_666 : i32
      %parallel_loop3A_668 = arith.constant 32 : i32
      %parallel_loop3A_669 = arith.addi %parallel_loop3A_667, %parallel_loop3A_668 : i32
      %parallel_loop3A_670 = arith.index_cast %parallel_loop3A_669 : i32 to index
      %parallel_loop3A_671 = tpu.vector_load %arg6[%parallel_loop3A_670] {strides = array<i32>} : memref<32768xf32, #tpu.memory_space<vmem>>, vector<16xf32>,
      %parallel_loop3A_672 = arith.maximumf %parallel_loop3A_671, %parallel_loop3A_600 : vector<16xf32>
      %parallel_loop3A_673 = arith.constant 1024 : i32
      %parallel_loop3A_674 = arith.muli %parallel_loop3A_447, %parallel_loop3A_673 : i32
      %parallel_loop3A_675 = arith.constant 128 : i32
      %parallel_loop3A_676 = arith.addi %parallel_loop3A_674, %parallel_loop3A_675 : i32
      %parallel_loop3A_677 = arith.constant 32 : i32
      %parallel_loop3A_678 = arith.addi %parallel_loop3A_676, %parallel_loop3A_677 : i32
      %parallel_loop3A_679 = arith.index_cast %parallel_loop3A_678 : i32 to index
      %parallel_loop3A_680 = tpu.vector_load %arg6[%parallel_loop3A_679] {strides = array<i32>} : memref<32768xf32, #tpu.memory_space<vmem>>, vector<16xf32>,
      %parallel_loop3A_681 = arith.maximumf %parallel_loop3A_680, %parallel_loop3A_609 : vector<16xf32>
      %parallel_loop3A_682 = arith.constant 1024 : i32
      %parallel_loop3A_683 = arith.muli %parallel_loop3A_447, %parallel_loop3A_682 : i32
      %parallel_loop3A_684 = arith.constant 256 : i32
      %parallel_loop3A_685 = arith.addi %parallel_loop3A_683, %parallel_loop3A_684 : i32
      %parallel_loop3A_686 = arith.constant 32 : i32
      %parallel_loop3A_687 = arith.addi %parallel_loop3A_685, %parallel_loop3A_686 : i32
      %parallel_loop3A_688 = arith.index_cast %parallel_loop3A_687 : i32 to index
      %parallel_loop3A_689 = tpu.vector_load %arg6[%parallel_loop3A_688] {strides = array<i32>} : memref<32768xf32, #tpu.memory_space<vmem>>, vector<16xf32>,
      %parallel_loop3A_690 = arith.maximumf %parallel_loop3A_689, %parallel_loop3A_618 : vector<16xf32>
      %parallel_loop3A_691 = arith.constant 1024 : i32
      %parallel_loop3A_692 = arith.muli %parallel_loop3A_447, %parallel_loop3A_691 : i32
      %parallel_loop3A_693 = arith.constant 384 : i32
      %parallel_loop3A_694 = arith.addi %parallel_loop3A_692, %parallel_loop3A_693 : i32
      %parallel_loop3A_695 = arith.constant 32 : i32
      %parallel_loop3A_696 = arith.addi %parallel_loop3A_694, %parallel_loop3A_695 : i32
      %parallel_loop3A_697 = arith.index_cast %parallel_loop3A_696 : i32 to index
      %parallel_loop3A_698 = tpu.vector_load %arg6[%parallel_loop3A_697] {strides = array<i32>} : memref<32768xf32, #tpu.memory_space<vmem>>, vector<16xf32>,
      %parallel_loop3A_699 = arith.maximumf %parallel_loop3A_698, %parallel_loop3A_627 : vector<16xf32>
      %parallel_loop3A_700 = arith.constant 1024 : i32
      %parallel_loop3A_701 = arith.muli %parallel_loop3A_447, %parallel_loop3A_700 : i32
      %parallel_loop3A_702 = arith.constant 512 : i32
      %parallel_loop3A_703 = arith.addi %parallel_loop3A_701, %parallel_loop3A_702 : i32
      %parallel_loop3A_704 = arith.constant 32 : i32
      %parallel_loop3A_705 = arith.addi %parallel_loop3A_703, %parallel_loop3A_704 : i32
      %parallel_loop3A_706 = arith.index_cast %parallel_loop3A_705 : i32 to index
      %parallel_loop3A_707 = tpu.vector_load %arg6[%parallel_loop3A_706] {strides = array<i32>} : memref<32768xf32, #tpu.memory_space<vmem>>, vector<16xf32>,
      %parallel_loop3A_708 = arith.maximumf %parallel_loop3A_707, %parallel_loop3A_636 : vector<16xf32>
      %parallel_loop3A_709 = arith.constant 1024 : i32
      %parallel_loop3A_710 = arith.muli %parallel_loop3A_447, %parallel_loop3A_709 : i32
      %parallel_loop3A_711 = arith.constant 640 : i32
      %parallel_loop3A_712 = arith.addi %parallel_loop3A_710, %parallel_loop3A_711 : i32
      %parallel_loop3A_713 = arith.constant 32 : i32
      %parallel_loop3A_714 = arith.addi %parallel_loop3A_712, %parallel_loop3A_713 : i32
      %parallel_loop3A_715 = arith.index_cast %parallel_loop3A_714 : i32 to index
      %parallel_loop3A_716 = tpu.vector_load %arg6[%parallel_loop3A_715] {strides = array<i32>} : memref<32768xf32, #tpu.memory_space<vmem>>, vector<16xf32>,
      %parallel_loop3A_717 = arith.maximumf %parallel_loop3A_716, %parallel_loop3A_645 : vector<16xf32>
      %parallel_loop3A_718 = arith.constant 1024 : i32
      %parallel_loop3A_719 = arith.muli %parallel_loop3A_447, %parallel_loop3A_718 : i32
      %parallel_loop3A_720 = arith.constant 768 : i32
      %parallel_loop3A_721 = arith.addi %parallel_loop3A_719, %parallel_loop3A_720 : i32
      %parallel_loop3A_722 = arith.constant 32 : i32
      %parallel_loop3A_723 = arith.addi %parallel_loop3A_721, %parallel_loop3A_722 : i32
      %parallel_loop3A_724 = arith.index_cast %parallel_loop3A_723 : i32 to index
      %parallel_loop3A_725 = tpu.vector_load %arg6[%parallel_loop3A_724] {strides = array<i32>} : memref<32768xf32, #tpu.memory_space<vmem>>, vector<16xf32>,
      %parallel_loop3A_726 = arith.maximumf %parallel_loop3A_725, %parallel_loop3A_654 : vector<16xf32>
      %parallel_loop3A_727 = arith.constant 1024 : i32
      %parallel_loop3A_728 = arith.muli %parallel_loop3A_447, %parallel_loop3A_727 : i32
      %parallel_loop3A_729 = arith.constant 896 : i32
      %parallel_loop3A_730 = arith.addi %parallel_loop3A_728, %parallel_loop3A_729 : i32
      %parallel_loop3A_731 = arith.constant 32 : i32
      %parallel_loop3A_732 = arith.addi %parallel_loop3A_730, %parallel_loop3A_731 : i32
      %parallel_loop3A_733 = arith.index_cast %parallel_loop3A_732 : i32 to index
      %parallel_loop3A_734 = tpu.vector_load %arg6[%parallel_loop3A_733] {strides = array<i32>} : memref<32768xf32, #tpu.memory_space<vmem>>, vector<16xf32>,
      %parallel_loop3A_735 = arith.maximumf %parallel_loop3A_734, %parallel_loop3A_663 : vector<16xf32>
      %parallel_loop3A_736 = arith.constant 1024 : i32
      %parallel_loop3A_737 = arith.muli %parallel_loop3A_447, %parallel_loop3A_736 : i32
      %parallel_loop3A_738 = arith.constant 0 : i32
      %parallel_loop3A_739 = arith.addi %parallel_loop3A_737, %parallel_loop3A_738 : i32
      %parallel_loop3A_740 = arith.constant 48 : i32
      %parallel_loop3A_741 = arith.addi %parallel_loop3A_739, %parallel_loop3A_740 : i32
      %parallel_loop3A_742 = arith.index_cast %parallel_loop3A_741 : i32 to index
      %parallel_loop3A_743 = tpu.vector_load %arg6[%parallel_loop3A_742] {strides = array<i32>} : memref<32768xf32, #tpu.memory_space<vmem>>, vector<16xf32>,
      %parallel_loop3A_744 = arith.maximumf %parallel_loop3A_743, %parallel_loop3A_672 : vector<16xf32>
      %parallel_loop3A_745 = arith.constant 1024 : i32
      %parallel_loop3A_746 = arith.muli %parallel_loop3A_447, %parallel_loop3A_745 : i32
      %parallel_loop3A_747 = arith.constant 128 : i32
      %parallel_loop3A_748 = arith.addi %parallel_loop3A_746, %parallel_loop3A_747 : i32
      %parallel_loop3A_749 = arith.constant 48 : i32
      %parallel_loop3A_750 = arith.addi %parallel_loop3A_748, %parallel_loop3A_749 : i32
      %parallel_loop3A_751 = arith.index_cast %parallel_loop3A_750 : i32 to index
      %parallel_loop3A_752 = tpu.vector_load %arg6[%parallel_loop3A_751] {strides = array<i32>} : memref<32768xf32, #tpu.memory_space<vmem>>, vector<16xf32>,
      %parallel_loop3A_753 = arith.maximumf %parallel_loop3A_752, %parallel_loop3A_681 : vector<16xf32>
      %parallel_loop3A_754 = arith.constant 1024 : i32
      %parallel_loop3A_755 = arith.muli %parallel_loop3A_447, %parallel_loop3A_754 : i32
      %parallel_loop3A_756 = arith.constant 256 : i32
      %parallel_loop3A_757 = arith.addi %parallel_loop3A_755, %parallel_loop3A_756 : i32
      %parallel_loop3A_758 = arith.constant 48 : i32
      %parallel_loop3A_759 = arith.addi %parallel_loop3A_757, %parallel_loop3A_758 : i32
      %parallel_loop3A_760 = arith.index_cast %parallel_loop3A_759 : i32 to index
      %parallel_loop3A_761 = tpu.vector_load %arg6[%parallel_loop3A_760] {strides = array<i32>} : memref<32768xf32, #tpu.memory_space<vmem>>, vector<16xf32>,
      %parallel_loop3A_762 = arith.maximumf %parallel_loop3A_761, %parallel_loop3A_690 : vector<16xf32>
      %parallel_loop3A_763 = arith.constant 1024 : i32
      %parallel_loop3A_764 = arith.muli %parallel_loop3A_447, %parallel_loop3A_763 : i32
      %parallel_loop3A_765 = arith.constant 384 : i32
      %parallel_loop3A_766 = arith.addi %parallel_loop3A_764, %parallel_loop3A_765 : i32
      %parallel_loop3A_767 = arith.constant 48 : i32
      %parallel_loop3A_768 = arith.addi %parallel_loop3A_766, %parallel_loop3A_767 : i32
      %parallel_loop3A_769 = arith.index_cast %parallel_loop3A_768 : i32 to index
      %parallel_loop3A_770 = tpu.vector_load %arg6[%parallel_loop3A_769] {strides = array<i32>} : memref<32768xf32, #tpu.memory_space<vmem>>, vector<16xf32>,
      %parallel_loop3A_771 = arith.maximumf %parallel_loop3A_770, %parallel_loop3A_699 : vector<16xf32>
      %parallel_loop3A_772 = arith.constant 1024 : i32
      %parallel_loop3A_773 = arith.muli %parallel_loop3A_447, %parallel_loop3A_772 : i32
      %parallel_loop3A_774 = arith.constant 512 : i32
      %parallel_loop3A_775 = arith.addi %parallel_loop3A_773, %parallel_loop3A_774 : i32
      %parallel_loop3A_776 = arith.constant 48 : i32
      %parallel_loop3A_777 = arith.addi %parallel_loop3A_775, %parallel_loop3A_776 : i32
      %parallel_loop3A_778 = arith.index_cast %parallel_loop3A_777 : i32 to index
      %parallel_loop3A_779 = tpu.vector_load %arg6[%parallel_loop3A_778] {strides = array<i32>} : memref<32768xf32, #tpu.memory_space<vmem>>, vector<16xf32>,
      %parallel_loop3A_780 = arith.maximumf %parallel_loop3A_779, %parallel_loop3A_708 : vector<16xf32>
      %parallel_loop3A_781 = arith.constant 1024 : i32
      %parallel_loop3A_782 = arith.muli %parallel_loop3A_447, %parallel_loop3A_781 : i32
      %parallel_loop3A_783 = arith.constant 640 : i32
      %parallel_loop3A_784 = arith.addi %parallel_loop3A_782, %parallel_loop3A_783 : i32
      %parallel_loop3A_785 = arith.constant 48 : i32
      %parallel_loop3A_786 = arith.addi %parallel_loop3A_784, %parallel_loop3A_785 : i32
      %parallel_loop3A_787 = arith.index_cast %parallel_loop3A_786 : i32 to index
      %parallel_loop3A_788 = tpu.vector_load %arg6[%parallel_loop3A_787] {strides = array<i32>} : memref<32768xf32, #tpu.memory_space<vmem>>, vector<16xf32>,
      %parallel_loop3A_789 = arith.maximumf %parallel_loop3A_788, %parallel_loop3A_717 : vector<16xf32>
      %parallel_loop3A_790 = arith.constant 1024 : i32
      %parallel_loop3A_791 = arith.muli %parallel_loop3A_447, %parallel_loop3A_790 : i32
      %parallel_loop3A_792 = arith.constant 768 : i32
      %parallel_loop3A_793 = arith.addi %parallel_loop3A_791, %parallel_loop3A_792 : i32
      %parallel_loop3A_794 = arith.constant 48 : i32
      %parallel_loop3A_795 = arith.addi %parallel_loop3A_793, %parallel_loop3A_794 : i32
      %parallel_loop3A_796 = arith.index_cast %parallel_loop3A_795 : i32 to index
      %parallel_loop3A_797 = tpu.vector_load %arg6[%parallel_loop3A_796] {strides = array<i32>} : memref<32768xf32, #tpu.memory_space<vmem>>, vector<16xf32>,
      %parallel_loop3A_798 = arith.maximumf %parallel_loop3A_797, %parallel_loop3A_726 : vector<16xf32>
      %parallel_loop3A_799 = arith.constant 1024 : i32
      %parallel_loop3A_800 = arith.muli %parallel_loop3A_447, %parallel_loop3A_799 : i32
      %parallel_loop3A_801 = arith.constant 896 : i32
      %parallel_loop3A_802 = arith.addi %parallel_loop3A_800, %parallel_loop3A_801 : i32
      %parallel_loop3A_803 = arith.constant 48 : i32
      %parallel_loop3A_804 = arith.addi %parallel_loop3A_802, %parallel_loop3A_803 : i32
      %parallel_loop3A_805 = arith.index_cast %parallel_loop3A_804 : i32 to index
      %parallel_loop3A_806 = tpu.vector_load %arg6[%parallel_loop3A_805] {strides = array<i32>} : memref<32768xf32, #tpu.memory_space<vmem>>, vector<16xf32>,
      %parallel_loop3A_807 = arith.maximumf %parallel_loop3A_806, %parallel_loop3A_735 : vector<16xf32>
      %parallel_loop3A_808 = arith.constant 1024 : i32
      %parallel_loop3A_809 = arith.muli %parallel_loop3A_447, %parallel_loop3A_808 : i32
      %parallel_loop3A_810 = arith.constant 0 : i32
      %parallel_loop3A_811 = arith.addi %parallel_loop3A_809, %parallel_loop3A_810 : i32
      %parallel_loop3A_812 = arith.constant 64 : i32
      %parallel_loop3A_813 = arith.addi %parallel_loop3A_811, %parallel_loop3A_812 : i32
      %parallel_loop3A_814 = arith.index_cast %parallel_loop3A_813 : i32 to index
      %parallel_loop3A_815 = tpu.vector_load %arg6[%parallel_loop3A_814] {strides = array<i32>} : memref<32768xf32, #tpu.memory_space<vmem>>, vector<16xf32>,
      %parallel_loop3A_816 = arith.maximumf %parallel_loop3A_815, %parallel_loop3A_744 : vector<16xf32>
      %parallel_loop3A_817 = arith.constant 1024 : i32
      %parallel_loop3A_818 = arith.muli %parallel_loop3A_447, %parallel_loop3A_817 : i32
      %parallel_loop3A_819 = arith.constant 128 : i32
      %parallel_loop3A_820 = arith.addi %parallel_loop3A_818, %parallel_loop3A_819 : i32
      %parallel_loop3A_821 = arith.constant 64 : i32
      %parallel_loop3A_822 = arith.addi %parallel_loop3A_820, %parallel_loop3A_821 : i32
      %parallel_loop3A_823 = arith.index_cast %parallel_loop3A_822 : i32 to index
      %parallel_loop3A_824 = tpu.vector_load %arg6[%parallel_loop3A_823] {strides = array<i32>} : memref<32768xf32, #tpu.memory_space<vmem>>, vector<16xf32>,
      %parallel_loop3A_825 = arith.maximumf %parallel_loop3A_824, %parallel_loop3A_753 : vector<16xf32>
      %parallel_loop3A_826 = arith.constant 1024 : i32
      %parallel_loop3A_827 = arith.muli %parallel_loop3A_447, %parallel_loop3A_826 : i32
      %parallel_loop3A_828 = arith.constant 256 : i32
      %parallel_loop3A_829 = arith.addi %parallel_loop3A_827, %parallel_loop3A_828 : i32
      %parallel_loop3A_830 = arith.constant 64 : i32
      %parallel_loop3A_831 = arith.addi %parallel_loop3A_829, %parallel_loop3A_830 : i32
      %parallel_loop3A_832 = arith.index_cast %parallel_loop3A_831 : i32 to index
      %parallel_loop3A_833 = tpu.vector_load %arg6[%parallel_loop3A_832] {strides = array<i32>} : memref<32768xf32, #tpu.memory_space<vmem>>, vector<16xf32>,
      %parallel_loop3A_834 = arith.maximumf %parallel_loop3A_833, %parallel_loop3A_762 : vector<16xf32>
      %parallel_loop3A_835 = arith.constant 1024 : i32
      %parallel_loop3A_836 = arith.muli %parallel_loop3A_447, %parallel_loop3A_835 : i32
      %parallel_loop3A_837 = arith.constant 384 : i32
      %parallel_loop3A_838 = arith.addi %parallel_loop3A_836, %parallel_loop3A_837 : i32
      %parallel_loop3A_839 = arith.constant 64 : i32
      %parallel_loop3A_840 = arith.addi %parallel_loop3A_838, %parallel_loop3A_839 : i32
      %parallel_loop3A_841 = arith.index_cast %parallel_loop3A_840 : i32 to index
      %parallel_loop3A_842 = tpu.vector_load %arg6[%parallel_loop3A_841] {strides = array<i32>} : memref<32768xf32, #tpu.memory_space<vmem>>, vector<16xf32>,
      %parallel_loop3A_843 = arith.maximumf %parallel_loop3A_842, %parallel_loop3A_771 : vector<16xf32>
      %parallel_loop3A_844 = arith.constant 1024 : i32
      %parallel_loop3A_845 = arith.muli %parallel_loop3A_447, %parallel_loop3A_844 : i32
      %parallel_loop3A_846 = arith.constant 512 : i32
      %parallel_loop3A_847 = arith.addi %parallel_loop3A_845, %parallel_loop3A_846 : i32
      %parallel_loop3A_848 = arith.constant 64 : i32
      %parallel_loop3A_849 = arith.addi %parallel_loop3A_847, %parallel_loop3A_848 : i32
      %parallel_loop3A_850 = arith.index_cast %parallel_loop3A_849 : i32 to index
      %parallel_loop3A_851 = tpu.vector_load %arg6[%parallel_loop3A_850] {strides = array<i32>} : memref<32768xf32, #tpu.memory_space<vmem>>, vector<16xf32>,
      %parallel_loop3A_852 = arith.maximumf %parallel_loop3A_851, %parallel_loop3A_780 : vector<16xf32>
      %parallel_loop3A_853 = arith.constant 1024 : i32
      %parallel_loop3A_854 = arith.muli %parallel_loop3A_447, %parallel_loop3A_853 : i32
      %parallel_loop3A_855 = arith.constant 640 : i32
      %parallel_loop3A_856 = arith.addi %parallel_loop3A_854, %parallel_loop3A_855 : i32
      %parallel_loop3A_857 = arith.constant 64 : i32
      %parallel_loop3A_858 = arith.addi %parallel_loop3A_856, %parallel_loop3A_857 : i32
      %parallel_loop3A_859 = arith.index_cast %parallel_loop3A_858 : i32 to index
      %parallel_loop3A_860 = tpu.vector_load %arg6[%parallel_loop3A_859] {strides = array<i32>} : memref<32768xf32, #tpu.memory_space<vmem>>, vector<16xf32>,
      %parallel_loop3A_861 = arith.maximumf %parallel_loop3A_860, %parallel_loop3A_789 : vector<16xf32>
      %parallel_loop3A_862 = arith.constant 1024 : i32
      %parallel_loop3A_863 = arith.muli %parallel_loop3A_447, %parallel_loop3A_862 : i32
      %parallel_loop3A_864 = arith.constant 768 : i32
      %parallel_loop3A_865 = arith.addi %parallel_loop3A_863, %parallel_loop3A_864 : i32
      %parallel_loop3A_866 = arith.constant 64 : i32
      %parallel_loop3A_867 = arith.addi %parallel_loop3A_865, %parallel_loop3A_866 : i32
      %parallel_loop3A_868 = arith.index_cast %parallel_loop3A_867 : i32 to index
      %parallel_loop3A_869 = tpu.vector_load %arg6[%parallel_loop3A_868] {strides = array<i32>} : memref<32768xf32, #tpu.memory_space<vmem>>, vector<16xf32>,
      %parallel_loop3A_870 = arith.maximumf %parallel_loop3A_869, %parallel_loop3A_798 : vector<16xf32>
      %parallel_loop3A_871 = arith.constant 1024 : i32
      %parallel_loop3A_872 = arith.muli %parallel_loop3A_447, %parallel_loop3A_871 : i32
      %parallel_loop3A_873 = arith.constant 896 : i32
      %parallel_loop3A_874 = arith.addi %parallel_loop3A_872, %parallel_loop3A_873 : i32
      %parallel_loop3A_875 = arith.constant 64 : i32
      %parallel_loop3A_876 = arith.addi %parallel_loop3A_874, %parallel_loop3A_875 : i32
      %parallel_loop3A_877 = arith.index_cast %parallel_loop3A_876 : i32 to index
      %parallel_loop3A_878 = tpu.vector_load %arg6[%parallel_loop3A_877] {strides = array<i32>} : memref<32768xf32, #tpu.memory_space<vmem>>, vector<16xf32>,
      %parallel_loop3A_879 = arith.maximumf %parallel_loop3A_878, %parallel_loop3A_807 : vector<16xf32>
      %parallel_loop3A_880 = arith.constant 1024 : i32
      %parallel_loop3A_881 = arith.muli %parallel_loop3A_447, %parallel_loop3A_880 : i32
      %parallel_loop3A_882 = arith.constant 0 : i32
      %parallel_loop3A_883 = arith.addi %parallel_loop3A_881, %parallel_loop3A_882 : i32
      %parallel_loop3A_884 = arith.constant 80 : i32
      %parallel_loop3A_885 = arith.addi %parallel_loop3A_883, %parallel_loop3A_884 : i32
      %parallel_loop3A_886 = arith.index_cast %parallel_loop3A_885 : i32 to index
      %parallel_loop3A_887 = tpu.vector_load %arg6[%parallel_loop3A_886] {strides = array<i32>} : memref<32768xf32, #tpu.memory_space<vmem>>, vector<16xf32>,
      %parallel_loop3A_888 = arith.maximumf %parallel_loop3A_887, %parallel_loop3A_816 : vector<16xf32>
      %parallel_loop3A_889 = arith.constant 1024 : i32
      %parallel_loop3A_890 = arith.muli %parallel_loop3A_447, %parallel_loop3A_889 : i32
      %parallel_loop3A_891 = arith.constant 128 : i32
      %parallel_loop3A_892 = arith.addi %parallel_loop3A_890, %parallel_loop3A_891 : i32
      %parallel_loop3A_893 = arith.constant 80 : i32
      %parallel_loop3A_894 = arith.addi %parallel_loop3A_892, %parallel_loop3A_893 : i32
      %parallel_loop3A_895 = arith.index_cast %parallel_loop3A_894 : i32 to index
      %parallel_loop3A_896 = tpu.vector_load %arg6[%parallel_loop3A_895] {strides = array<i32>} : memref<32768xf32, #tpu.memory_space<vmem>>, vector<16xf32>,
      %parallel_loop3A_897 = arith.maximumf %parallel_loop3A_896, %parallel_loop3A_825 : vector<16xf32>
      %parallel_loop3A_898 = arith.constant 1024 : i32
      %parallel_loop3A_899 = arith.muli %parallel_loop3A_447, %parallel_loop3A_898 : i32
      %parallel_loop3A_900 = arith.constant 256 : i32
      %parallel_loop3A_901 = arith.addi %parallel_loop3A_899, %parallel_loop3A_900 : i32
      %parallel_loop3A_902 = arith.constant 80 : i32
      %parallel_loop3A_903 = arith.addi %parallel_loop3A_901, %parallel_loop3A_902 : i32
      %parallel_loop3A_904 = arith.index_cast %parallel_loop3A_903 : i32 to index
      %parallel_loop3A_905 = tpu.vector_load %arg6[%parallel_loop3A_904] {strides = array<i32>} : memref<32768xf32, #tpu.memory_space<vmem>>, vector<16xf32>,
      %parallel_loop3A_906 = arith.maximumf %parallel_loop3A_905, %parallel_loop3A_834 : vector<16xf32>
      %parallel_loop3A_907 = arith.constant 1024 : i32
      %parallel_loop3A_908 = arith.muli %parallel_loop3A_447, %parallel_loop3A_907 : i32
      %parallel_loop3A_909 = arith.constant 384 : i32
      %parallel_loop3A_910 = arith.addi %parallel_loop3A_908, %parallel_loop3A_909 : i32
      %parallel_loop3A_911 = arith.constant 80 : i32
      %parallel_loop3A_912 = arith.addi %parallel_loop3A_910, %parallel_loop3A_911 : i32
      %parallel_loop3A_913 = arith.index_cast %parallel_loop3A_912 : i32 to index
      %parallel_loop3A_914 = tpu.vector_load %arg6[%parallel_loop3A_913] {strides = array<i32>} : memref<32768xf32, #tpu.memory_space<vmem>>, vector<16xf32>,
      %parallel_loop3A_915 = arith.maximumf %parallel_loop3A_914, %parallel_loop3A_843 : vector<16xf32>
      %parallel_loop3A_916 = arith.constant 1024 : i32
      %parallel_loop3A_917 = arith.muli %parallel_loop3A_447, %parallel_loop3A_916 : i32
      %parallel_loop3A_918 = arith.constant 512 : i32
      %parallel_loop3A_919 = arith.addi %parallel_loop3A_917, %parallel_loop3A_918 : i32
      %parallel_loop3A_920 = arith.constant 80 : i32
      %parallel_loop3A_921 = arith.addi %parallel_loop3A_919, %parallel_loop3A_920 : i32
      %parallel_loop3A_922 = arith.index_cast %parallel_loop3A_921 : i32 to index
      %parallel_loop3A_923 = tpu.vector_load %arg6[%parallel_loop3A_922] {strides = array<i32>} : memref<32768xf32, #tpu.memory_space<vmem>>, vector<16xf32>,
      %parallel_loop3A_924 = arith.maximumf %parallel_loop3A_923, %parallel_loop3A_852 : vector<16xf32>
      %parallel_loop3A_925 = arith.constant 1024 : i32
      %parallel_loop3A_926 = arith.muli %parallel_loop3A_447, %parallel_loop3A_925 : i32
      %parallel_loop3A_927 = arith.constant 640 : i32
      %parallel_loop3A_928 = arith.addi %parallel_loop3A_926, %parallel_loop3A_927 : i32
      %parallel_loop3A_929 = arith.constant 80 : i32
      %parallel_loop3A_930 = arith.addi %parallel_loop3A_928, %parallel_loop3A_929 : i32
      %parallel_loop3A_931 = arith.index_cast %parallel_loop3A_930 : i32 to index
      %parallel_loop3A_932 = tpu.vector_load %arg6[%parallel_loop3A_931] {strides = array<i32>} : memref<32768xf32, #tpu.memory_space<vmem>>, vector<16xf32>,
      %parallel_loop3A_933 = arith.maximumf %parallel_loop3A_932, %parallel_loop3A_861 : vector<16xf32>
      %parallel_loop3A_934 = arith.constant 1024 : i32
      %parallel_loop3A_935 = arith.muli %parallel_loop3A_447, %parallel_loop3A_934 : i32
      %parallel_loop3A_936 = arith.constant 768 : i32
      %parallel_loop3A_937 = arith.addi %parallel_loop3A_935, %parallel_loop3A_936 : i32
      %parallel_loop3A_938 = arith.constant 80 : i32
      %parallel_loop3A_939 = arith.addi %parallel_loop3A_937, %parallel_loop3A_938 : i32
      %parallel_loop3A_940 = arith.index_cast %parallel_loop3A_939 : i32 to index
      %parallel_loop3A_941 = tpu.vector_load %arg6[%parallel_loop3A_940] {strides = array<i32>} : memref<32768xf32, #tpu.memory_space<vmem>>, vector<16xf32>,
      %parallel_loop3A_942 = arith.maximumf %parallel_loop3A_941, %parallel_loop3A_870 : vector<16xf32>
      %parallel_loop3A_943 = arith.constant 1024 : i32
      %parallel_loop3A_944 = arith.muli %parallel_loop3A_447, %parallel_loop3A_943 : i32
      %parallel_loop3A_945 = arith.constant 896 : i32
      %parallel_loop3A_946 = arith.addi %parallel_loop3A_944, %parallel_loop3A_945 : i32
      %parallel_loop3A_947 = arith.constant 80 : i32
      %parallel_loop3A_948 = arith.addi %parallel_loop3A_946, %parallel_loop3A_947 : i32
      %parallel_loop3A_949 = arith.index_cast %parallel_loop3A_948 : i32 to index
      %parallel_loop3A_950 = tpu.vector_load %arg6[%parallel_loop3A_949] {strides = array<i32>} : memref<32768xf32, #tpu.memory_space<vmem>>, vector<16xf32>,
      %parallel_loop3A_951 = arith.maximumf %parallel_loop3A_950, %parallel_loop3A_879 : vector<16xf32>
      %parallel_loop3A_952 = arith.constant 1024 : i32
      %parallel_loop3A_953 = arith.muli %parallel_loop3A_447, %parallel_loop3A_952 : i32
      %parallel_loop3A_954 = arith.constant 0 : i32
      %parallel_loop3A_955 = arith.addi %parallel_loop3A_953, %parallel_loop3A_954 : i32
      %parallel_loop3A_956 = arith.constant 96 : i32
      %parallel_loop3A_957 = arith.addi %parallel_loop3A_955, %parallel_loop3A_956 : i32
      %parallel_loop3A_958 = arith.index_cast %parallel_loop3A_957 : i32 to index
      %parallel_loop3A_959 = tpu.vector_load %arg6[%parallel_loop3A_958] {strides = array<i32>} : memref<32768xf32, #tpu.memory_space<vmem>>, vector<16xf32>,
      %parallel_loop3A_960 = arith.maximumf %parallel_loop3A_959, %parallel_loop3A_888 : vector<16xf32>
      %parallel_loop3A_961 = arith.constant 1024 : i32
      %parallel_loop3A_962 = arith.muli %parallel_loop3A_447, %parallel_loop3A_961 : i32
      %parallel_loop3A_963 = arith.constant 128 : i32
      %parallel_loop3A_964 = arith.addi %parallel_loop3A_962, %parallel_loop3A_963 : i32
      %parallel_loop3A_965 = arith.constant 96 : i32
      %parallel_loop3A_966 = arith.addi %parallel_loop3A_964, %parallel_loop3A_965 : i32
      %parallel_loop3A_967 = arith.index_cast %parallel_loop3A_966 : i32 to index
      %parallel_loop3A_968 = tpu.vector_load %arg6[%parallel_loop3A_967] {strides = array<i32>} : memref<32768xf32, #tpu.memory_space<vmem>>, vector<16xf32>,
      %parallel_loop3A_969 = arith.maximumf %parallel_loop3A_968, %parallel_loop3A_897 : vector<16xf32>
      %parallel_loop3A_970 = arith.constant 1024 : i32
      %parallel_loop3A_971 = arith.muli %parallel_loop3A_447, %parallel_loop3A_970 : i32
      %parallel_loop3A_972 = arith.constant 256 : i32
      %parallel_loop3A_973 = arith.addi %parallel_loop3A_971, %parallel_loop3A_972 : i32
      %parallel_loop3A_974 = arith.constant 96 : i32
      %parallel_loop3A_975 = arith.addi %parallel_loop3A_973, %parallel_loop3A_974 : i32
      %parallel_loop3A_976 = arith.index_cast %parallel_loop3A_975 : i32 to index
      %parallel_loop3A_977 = tpu.vector_load %arg6[%parallel_loop3A_976] {strides = array<i32>} : memref<32768xf32, #tpu.memory_space<vmem>>, vector<16xf32>,
      %parallel_loop3A_978 = arith.maximumf %parallel_loop3A_977, %parallel_loop3A_906 : vector<16xf32>
      %parallel_loop3A_979 = arith.constant 1024 : i32
      %parallel_loop3A_980 = arith.muli %parallel_loop3A_447, %parallel_loop3A_979 : i32
      %parallel_loop3A_981 = arith.constant 384 : i32
      %parallel_loop3A_982 = arith.addi %parallel_loop3A_980, %parallel_loop3A_981 : i32
      %parallel_loop3A_983 = arith.constant 96 : i32
      %parallel_loop3A_984 = arith.addi %parallel_loop3A_982, %parallel_loop3A_983 : i32
      %parallel_loop3A_985 = arith.index_cast %parallel_loop3A_984 : i32 to index
      %parallel_loop3A_986 = tpu.vector_load %arg6[%parallel_loop3A_985] {strides = array<i32>} : memref<32768xf32, #tpu.memory_space<vmem>>, vector<16xf32>,
      %parallel_loop3A_987 = arith.maximumf %parallel_loop3A_986, %parallel_loop3A_915 : vector<16xf32>
      %parallel_loop3A_988 = arith.constant 1024 : i32
      %parallel_loop3A_989 = arith.muli %parallel_loop3A_447, %parallel_loop3A_988 : i32
      %parallel_loop3A_990 = arith.constant 512 : i32
      %parallel_loop3A_991 = arith.addi %parallel_loop3A_989, %parallel_loop3A_990 : i32
      %parallel_loop3A_992 = arith.constant 96 : i32
      %parallel_loop3A_993 = arith.addi %parallel_loop3A_991, %parallel_loop3A_992 : i32
      %parallel_loop3A_994 = arith.index_cast %parallel_loop3A_993 : i32 to index
      %parallel_loop3A_995 = tpu.vector_load %arg6[%parallel_loop3A_994] {strides = array<i32>} : memref<32768xf32, #tpu.memory_space<vmem>>, vector<16xf32>,
      %parallel_loop3A_996 = arith.maximumf %parallel_loop3A_995, %parallel_loop3A_924 : vector<16xf32>
      %parallel_loop3A_997 = arith.constant 1024 : i32
      %parallel_loop3A_998 = arith.muli %parallel_loop3A_447, %parallel_loop3A_997 : i32
      %parallel_loop3A_999 = arith.constant 640 : i32
      %parallel_loop3A_1000 = arith.addi %parallel_loop3A_998, %parallel_loop3A_999 : i32
      %parallel_loop3A_1001 = arith.constant 96 : i32
      %parallel_loop3A_1002 = arith.addi %parallel_loop3A_1000, %parallel_loop3A_1001 : i32
      %parallel_loop3A_1003 = arith.index_cast %parallel_loop3A_1002 : i32 to index
      %parallel_loop3A_1004 = tpu.vector_load %arg6[%parallel_loop3A_1003] {strides = array<i32>} : memref<32768xf32, #tpu.memory_space<vmem>>, vector<16xf32>,
      %parallel_loop3A_1005 = arith.maximumf %parallel_loop3A_1004, %parallel_loop3A_933 : vector<16xf32>
      %parallel_loop3A_1006 = arith.constant 1024 : i32
      %parallel_loop3A_1007 = arith.muli %parallel_loop3A_447, %parallel_loop3A_1006 : i32
      %parallel_loop3A_1008 = arith.constant 768 : i32
      %parallel_loop3A_1009 = arith.addi %parallel_loop3A_1007, %parallel_loop3A_1008 : i32
      %parallel_loop3A_1010 = arith.constant 96 : i32
      %parallel_loop3A_1011 = arith.addi %parallel_loop3A_1009, %parallel_loop3A_1010 : i32
      %parallel_loop3A_1012 = arith.index_cast %parallel_loop3A_1011 : i32 to index
      %parallel_loop3A_1013 = tpu.vector_load %arg6[%parallel_loop3A_1012] {strides = array<i32>} : memref<32768xf32, #tpu.memory_space<vmem>>, vector<16xf32>,
      %parallel_loop3A_1014 = arith.maximumf %parallel_loop3A_1013, %parallel_loop3A_942 : vector<16xf32>
      %parallel_loop3A_1015 = arith.constant 1024 : i32
      %parallel_loop3A_1016 = arith.muli %parallel_loop3A_447, %parallel_loop3A_1015 : i32
      %parallel_loop3A_1017 = arith.constant 896 : i32
      %parallel_loop3A_1018 = arith.addi %parallel_loop3A_1016, %parallel_loop3A_1017 : i32
      %parallel_loop3A_1019 = arith.constant 96 : i32
      %parallel_loop3A_1020 = arith.addi %parallel_loop3A_1018, %parallel_loop3A_1019 : i32
      %parallel_loop3A_1021 = arith.index_cast %parallel_loop3A_1020 : i32 to index
      %parallel_loop3A_1022 = tpu.vector_load %arg6[%parallel_loop3A_1021] {strides = array<i32>} : memref<32768xf32, #tpu.memory_space<vmem>>, vector<16xf32>,
      %parallel_loop3A_1023 = arith.maximumf %parallel_loop3A_1022, %parallel_loop3A_951 : vector<16xf32>
      %parallel_loop3A_1024 = arith.constant 1024 : i32
      %parallel_loop3A_1025 = arith.muli %parallel_loop3A_447, %parallel_loop3A_1024 : i32
      %parallel_loop3A_1026 = arith.constant 0 : i32
      %parallel_loop3A_1027 = arith.addi %parallel_loop3A_1025, %parallel_loop3A_1026 : i32
      %parallel_loop3A_1028 = arith.constant 112 : i32
      %parallel_loop3A_1029 = arith.addi %parallel_loop3A_1027, %parallel_loop3A_1028 : i32
      %parallel_loop3A_1030 = arith.index_cast %parallel_loop3A_1029 : i32 to index
      %parallel_loop3A_1031 = tpu.vector_load %arg6[%parallel_loop3A_1030] {strides = array<i32>} : memref<32768xf32, #tpu.memory_space<vmem>>, vector<16xf32>,
      %parallel_loop3A_1032 = arith.maximumf %parallel_loop3A_1031, %parallel_loop3A_960 : vector<16xf32>
      %parallel_loop3A_1033 = arith.constant 1024 : i32
      %parallel_loop3A_1034 = arith.muli %parallel_loop3A_447, %parallel_loop3A_1033 : i32
      %parallel_loop3A_1035 = arith.constant 128 : i32
      %parallel_loop3A_1036 = arith.addi %parallel_loop3A_1034, %parallel_loop3A_1035 : i32
      %parallel_loop3A_1037 = arith.constant 112 : i32
      %parallel_loop3A_1038 = arith.addi %parallel_loop3A_1036, %parallel_loop3A_1037 : i32
      %parallel_loop3A_1039 = arith.index_cast %parallel_loop3A_1038 : i32 to index
      %parallel_loop3A_1040 = tpu.vector_load %arg6[%parallel_loop3A_1039] {strides = array<i32>} : memref<32768xf32, #tpu.memory_space<vmem>>, vector<16xf32>,
      %parallel_loop3A_1041 = arith.maximumf %parallel_loop3A_1040, %parallel_loop3A_969 : vector<16xf32>
      %parallel_loop3A_1042 = arith.constant 1024 : i32
      %parallel_loop3A_1043 = arith.muli %parallel_loop3A_447, %parallel_loop3A_1042 : i32
      %parallel_loop3A_1044 = arith.constant 256 : i32
      %parallel_loop3A_1045 = arith.addi %parallel_loop3A_1043, %parallel_loop3A_1044 : i32
      %parallel_loop3A_1046 = arith.constant 112 : i32
      %parallel_loop3A_1047 = arith.addi %parallel_loop3A_1045, %parallel_loop3A_1046 : i32
      %parallel_loop3A_1048 = arith.index_cast %parallel_loop3A_1047 : i32 to index
      %parallel_loop3A_1049 = tpu.vector_load %arg6[%parallel_loop3A_1048] {strides = array<i32>} : memref<32768xf32, #tpu.memory_space<vmem>>, vector<16xf32>,
      %parallel_loop3A_1050 = arith.maximumf %parallel_loop3A_1049, %parallel_loop3A_978 : vector<16xf32>
      %parallel_loop3A_1051 = arith.constant 1024 : i32
      %parallel_loop3A_1052 = arith.muli %parallel_loop3A_447, %parallel_loop3A_1051 : i32
      %parallel_loop3A_1053 = arith.constant 384 : i32
      %parallel_loop3A_1054 = arith.addi %parallel_loop3A_1052, %parallel_loop3A_1053 : i32
      %parallel_loop3A_1055 = arith.constant 112 : i32
      %parallel_loop3A_1056 = arith.addi %parallel_loop3A_1054, %parallel_loop3A_1055 : i32
      %parallel_loop3A_1057 = arith.index_cast %parallel_loop3A_1056 : i32 to index
      %parallel_loop3A_1058 = tpu.vector_load %arg6[%parallel_loop3A_1057] {strides = array<i32>} : memref<32768xf32, #tpu.memory_space<vmem>>, vector<16xf32>,
      %parallel_loop3A_1059 = arith.maximumf %parallel_loop3A_1058, %parallel_loop3A_987 : vector<16xf32>
      %parallel_loop3A_1060 = arith.constant 1024 : i32
      %parallel_loop3A_1061 = arith.muli %parallel_loop3A_447, %parallel_loop3A_1060 : i32
      %parallel_loop3A_1062 = arith.constant 512 : i32
      %parallel_loop3A_1063 = arith.addi %parallel_loop3A_1061, %parallel_loop3A_1062 : i32
      %parallel_loop3A_1064 = arith.constant 112 : i32
      %parallel_loop3A_1065 = arith.addi %parallel_loop3A_1063, %parallel_loop3A_1064 : i32
      %parallel_loop3A_1066 = arith.index_cast %parallel_loop3A_1065 : i32 to index
      %parallel_loop3A_1067 = tpu.vector_load %arg6[%parallel_loop3A_1066] {strides = array<i32>} : memref<32768xf32, #tpu.memory_space<vmem>>, vector<16xf32>,
      %parallel_loop3A_1068 = arith.maximumf %parallel_loop3A_1067, %parallel_loop3A_996 : vector<16xf32>
      %parallel_loop3A_1069 = arith.constant 1024 : i32
      %parallel_loop3A_1070 = arith.muli %parallel_loop3A_447, %parallel_loop3A_1069 : i32
      %parallel_loop3A_1071 = arith.constant 640 : i32
      %parallel_loop3A_1072 = arith.addi %parallel_loop3A_1070, %parallel_loop3A_1071 : i32
      %parallel_loop3A_1073 = arith.constant 112 : i32
      %parallel_loop3A_1074 = arith.addi %parallel_loop3A_1072, %parallel_loop3A_1073 : i32
      %parallel_loop3A_1075 = arith.index_cast %parallel_loop3A_1074 : i32 to index
      %parallel_loop3A_1076 = tpu.vector_load %arg6[%parallel_loop3A_1075] {strides = array<i32>} : memref<32768xf32, #tpu.memory_space<vmem>>, vector<16xf32>,
      %parallel_loop3A_1077 = arith.maximumf %parallel_loop3A_1076, %parallel_loop3A_1005 : vector<16xf32>
      %parallel_loop3A_1078 = arith.constant 1024 : i32
      %parallel_loop3A_1079 = arith.muli %parallel_loop3A_447, %parallel_loop3A_1078 : i32
      %parallel_loop3A_1080 = arith.constant 768 : i32
      %parallel_loop3A_1081 = arith.addi %parallel_loop3A_1079, %parallel_loop3A_1080 : i32
      %parallel_loop3A_1082 = arith.constant 112 : i32
      %parallel_loop3A_1083 = arith.addi %parallel_loop3A_1081, %parallel_loop3A_1082 : i32
      %parallel_loop3A_1084 = arith.index_cast %parallel_loop3A_1083 : i32 to index
      %parallel_loop3A_1085 = tpu.vector_load %arg6[%parallel_loop3A_1084] {strides = array<i32>} : memref<32768xf32, #tpu.memory_space<vmem>>, vector<16xf32>,
      %parallel_loop3A_1086 = arith.maximumf %parallel_loop3A_1085, %parallel_loop3A_1014 : vector<16xf32>
      %parallel_loop3A_1087 = arith.constant 1024 : i32
      %parallel_loop3A_1088 = arith.muli %parallel_loop3A_447, %parallel_loop3A_1087 : i32
      %parallel_loop3A_1089 = arith.constant 896 : i32
      %parallel_loop3A_1090 = arith.addi %parallel_loop3A_1088, %parallel_loop3A_1089 : i32
      %parallel_loop3A_1091 = arith.constant 112 : i32
      %parallel_loop3A_1092 = arith.addi %parallel_loop3A_1090, %parallel_loop3A_1091 : i32
      %parallel_loop3A_1093 = arith.index_cast %parallel_loop3A_1092 : i32 to index
      %parallel_loop3A_1094 = tpu.vector_load %arg6[%parallel_loop3A_1093] {strides = array<i32>} : memref<32768xf32, #tpu.memory_space<vmem>>, vector<16xf32>,
      %parallel_loop3A_1095 = arith.maximumf %parallel_loop3A_1094, %parallel_loop3A_1023 : vector<16xf32>
      scf.yield %parallel_loop3A_1032, %parallel_loop3A_449, %parallel_loop3A_1041, %parallel_loop3A_451, %parallel_loop3A_1050, %parallel_loop3A_453, %parallel_loop3A_1059, %parallel_loop3A_455, %parallel_loop3A_1068, %parallel_loop3A_457, %parallel_loop3A_1077, %parallel_loop3A_459, %parallel_loop3A_1086, %parallel_loop3A_461, %parallel_loop3A_1095, %parallel_loop3A_463 : vector<16xf32>, vector<16xi32>, vector<16xf32>, vector<16xi32>, vector<16xf32>, vector<16xi32>, vector<16xf32>, vector<16xi32>, vector<16xf32>, vector<16xi32>, vector<16xf32>, vector<16xi32>, vector<16xf32>, vector<16xi32>, vector<16xf32>, vector<16xi32>
    } {sc.loop_unroll_factor = 2 : i64, sc.parallel_access}
    %iota3A = tpu.iota {dimensions = array<i32: 0>} : vector<16xi32>
    %mul3A_57 = arith.constant 8 : i32
    %mul3A_58 = arith.muli %mul3A_57, %select_n3A : i32
    %add3A_59 = arith.constant 0 : i32
    %add3A_60 = arith.addi %mul3A_58, %add3A_59 : i32
    %mul3A_61 = arith.constant 32768 : i32
    %mul3A_62 = arith.muli %add3A_60, %mul3A_61 : i32
    %mul3A_63 = arith.constant 128 : i32
    %mul3A_64 = arith.muli %mul3A_34, %mul3A_63 : i32
    %add3A_65 = arith.addi %mul3A_62, %mul3A_64 : i32
    %broadcast_in_dim3A_66 = vector.broadcast %add3A_65 : i32 to vector<16xi32>
    %shift_right_arithmetic3A = arith.constant 3 : i32
    %shift_right_arithmetic3A_67 = vector.broadcast %shift_right_arithmetic3A : i32 to vector<16xi32>
    %shift_right_arithmetic3A_68 = arith.shrsi %parallel_loop3A_56#1, %shift_right_arithmetic3A_67 : vector<16xi32>
    %shift_left3A = arith.constant 7 : i32
    %shift_left3A_69 = vector.broadcast %shift_left3A : i32 to vector<16xi32>
    %shift_left3A_70 = arith.shli %shift_right_arithmetic3A_68, %shift_left3A_69 : vector<16xi32>
    %add3A_71 = arith.addi %broadcast_in_dim3A_66, %shift_left3A_70 : vector<16xi32>
    %and3A_72 = arith.constant 7 : i32
    %and3A_73 = vector.broadcast %and3A_72 : i32 to vector<16xi32>
    %and3A_74 = arith.andi %parallel_loop3A_56#1, %and3A_73 : vector<16xi32>
    %shift_left3A_75 = arith.constant 4 : i32
    %shift_left3A_76 = vector.broadcast %shift_left3A_75 : i32 to vector<16xi32>
    %shift_left3A_77 = arith.shli %and3A_74, %shift_left3A_76 : vector<16xi32>
    %add3A_78 = arith.addi %add3A_71, %shift_left3A_77 : vector<16xi32>
    %add3A_79 = arith.addi %add3A_78, %iota3A : vector<16xi32>
    %mul3A_80 = arith.constant 8 : i32
    %mul3A_81 = arith.muli %mul3A_80, %select_n3A : i32
    %add3A_82 = arith.constant 1 : i32
    %add3A_83 = arith.addi %mul3A_81, %add3A_82 : i32
    %mul3A_84 = arith.constant 32768 : i32
    %mul3A_85 = arith.muli %add3A_83, %mul3A_84 : i32
    %mul3A_86 = arith.constant 128 : i32
    %mul3A_87 = arith.muli %mul3A_34, %mul3A_86 : i32
    %add3A_88 = arith.addi %mul3A_85, %mul3A_87 : i32
    %broadcast_in_dim3A_89 = vector.broadcast %add3A_88 : i32 to vector<16xi32>
    %shift_right_arithmetic3A_90 = arith.constant 3 : i32
    %shift_right_arithmetic3A_91 = vector.broadcast %shift_right_arithmetic3A_90 : i32 to vector<16xi32>
    %shift_right_arithmetic3A_92 = arith.shrsi %parallel_loop3A_56#3, %shift_right_arithmetic3A_91 : vector<16xi32>
    %shift_left3A_93 = arith.constant 7 : i32
    %shift_left3A_94 = vector.broadcast %shift_left3A_93 : i32 to vector<16xi32>
    %shift_left3A_95 = arith.shli %shift_right_arithmetic3A_92, %shift_left3A_94 : vector<16xi32>
    %add3A_96 = arith.addi %broadcast_in_dim3A_89, %shift_left3A_95 : vector<16xi32>
    %and3A_97 = arith.constant 7 : i32
    %and3A_98 = vector.broadcast %and3A_97 : i32 to vector<16xi32>
    %and3A_99 = arith.andi %parallel_loop3A_56#3, %and3A_98 : vector<16xi32>
    %shift_left3A_100 = arith.constant 4 : i32
    %shift_left3A_101 = vector.broadcast %shift_left3A_100 : i32 to vector<16xi32>
    %shift_left3A_102 = arith.shli %and3A_99, %shift_left3A_101 : vector<16xi32>
    %add3A_103 = arith.addi %add3A_96, %shift_left3A_102 : vector<16xi32>
    %add3A_104 = arith.addi %add3A_103, %iota3A : vector<16xi32>
    %gt3A = arith.cmpf ogt, %parallel_loop3A_56#2, %parallel_loop3A_56#0 : vector<16xf32>
    %eq3A_105 = arith.cmpf oeq, %parallel_loop3A_56#2, %parallel_loop3A_56#0 : vector<16xf32>
    %lt3A_106 = arith.cmpi slt, %add3A_104, %add3A_79 : vector<16xi32>
    %and3A_107 = arith.andi %eq3A_105, %lt3A_106 : vector<16xi1>
    %or3A = arith.ori %gt3A, %and3A_107 : vector<16xi1>
    %select_n3A_108 = arith.select %or3A, %parallel_loop3A_56#2, %parallel_loop3A_56#0 : vector<16xi1>, vector<16xf32>
    %select_n3A_109 = arith.select %or3A, %add3A_104, %add3A_79 : vector<16xi1>, vector<16xi32>
    %mul3A_110 = arith.constant 8 : i32
    %mul3A_111 = arith.muli %mul3A_110, %select_n3A : i32
    %add3A_112 = arith.constant 2 : i32
    %add3A_113 = arith.addi %mul3A_111, %add3A_112 : i32
    %mul3A_114 = arith.constant 32768 : i32
    %mul3A_115 = arith.muli %add3A_113, %mul3A_114 : i32
    %mul3A_116 = arith.constant 128 : i32
    %mul3A_117 = arith.muli %mul3A_34, %mul3A_116 : i32
    %add3A_118 = arith.addi %mul3A_115, %mul3A_117 : i32
    %broadcast_in_dim3A_119 = vector.broadcast %add3A_118 : i32 to vector<16xi32>
    %shift_right_arithmetic3A_120 = arith.constant 3 : i32
    %shift_right_arithmetic3A_121 = vector.broadcast %shift_right_arithmetic3A_120 : i32 to vector<16xi32>
    %shift_right_arithmetic3A_122 = arith.shrsi %parallel_loop3A_56#5, %shift_right_arithmetic3A_121 : vector<16xi32>
    %shift_left3A_123 = arith.constant 7 : i32
    %shift_left3A_124 = vector.broadcast %shift_left3A_123 : i32 to vector<16xi32>
    %shift_left3A_125 = arith.shli %shift_right_arithmetic3A_122, %shift_left3A_124 : vector<16xi32>
    %add3A_126 = arith.addi %broadcast_in_dim3A_119, %shift_left3A_125 : vector<16xi32>
    %and3A_127 = arith.constant 7 : i32
    %and3A_128 = vector.broadcast %and3A_127 : i32 to vector<16xi32>
    %and3A_129 = arith.andi %parallel_loop3A_56#5, %and3A_128 : vector<16xi32>
    %shift_left3A_130 = arith.constant 4 : i32
    %shift_left3A_131 = vector.broadcast %shift_left3A_130 : i32 to vector<16xi32>
    %shift_left3A_132 = arith.shli %and3A_129, %shift_left3A_131 : vector<16xi32>
    %add3A_133 = arith.addi %add3A_126, %shift_left3A_132 : vector<16xi32>
    %add3A_134 = arith.addi %add3A_133, %iota3A : vector<16xi32>
    %gt3A_135 = arith.cmpf ogt, %parallel_loop3A_56#4, %select_n3A_108 : vector<16xf32>
    %eq3A_136 = arith.cmpf oeq, %parallel_loop3A_56#4, %select_n3A_108 : vector<16xf32>
    %lt3A_137 = arith.cmpi slt, %add3A_134, %select_n3A_109 : vector<16xi32>
    %and3A_138 = arith.andi %eq3A_136, %lt3A_137 : vector<16xi1>
    %or3A_139 = arith.ori %gt3A_135, %and3A_138 : vector<16xi1>
    %select_n3A_140 = arith.select %or3A_139, %parallel_loop3A_56#4, %select_n3A_108 : vector<16xi1>, vector<16xf32>
    %select_n3A_141 = arith.select %or3A_139, %add3A_134, %select_n3A_109 : vector<16xi1>, vector<16xi32>
    %mul3A_142 = arith.constant 8 : i32
    %mul3A_143 = arith.muli %mul3A_142, %select_n3A : i32
    %add3A_144 = arith.constant 3 : i32
    %add3A_145 = arith.addi %mul3A_143, %add3A_144 : i32
    %mul3A_146 = arith.constant 32768 : i32
    %mul3A_147 = arith.muli %add3A_145, %mul3A_146 : i32
    %mul3A_148 = arith.constant 128 : i32
    %mul3A_149 = arith.muli %mul3A_34, %mul3A_148 : i32
    %add3A_150 = arith.addi %mul3A_147, %mul3A_149 : i32
    %broadcast_in_dim3A_151 = vector.broadcast %add3A_150 : i32 to vector<16xi32>
    %shift_right_arithmetic3A_152 = arith.constant 3 : i32
    %shift_right_arithmetic3A_153 = vector.broadcast %shift_right_arithmetic3A_152 : i32 to vector<16xi32>
    %shift_right_arithmetic3A_154 = arith.shrsi %parallel_loop3A_56#7, %shift_right_arithmetic3A_153 : vector<16xi32>
    %shift_left3A_155 = arith.constant 7 : i32
    %shift_left3A_156 = vector.broadcast %shift_left3A_155 : i32 to vector<16xi32>
    %shift_left3A_157 = arith.shli %shift_right_arithmetic3A_154, %shift_left3A_156 : vector<16xi32>
    %add3A_158 = arith.addi %broadcast_in_dim3A_151, %shift_left3A_157 : vector<16xi32>
    %and3A_159 = arith.constant 7 : i32
    %and3A_160 = vector.broadcast %and3A_159 : i32 to vector<16xi32>
    %and3A_161 = arith.andi %parallel_loop3A_56#7, %and3A_160 : vector<16xi32>
    %shift_left3A_162 = arith.constant 4 : i32
    %shift_left3A_163 = vector.broadcast %shift_left3A_162 : i32 to vector<16xi32>
    %shift_left3A_164 = arith.shli %and3A_161, %shift_left3A_163 : vector<16xi32>
    %add3A_165 = arith.addi %add3A_158, %shift_left3A_164 : vector<16xi32>
    %add3A_166 = arith.addi %add3A_165, %iota3A : vector<16xi32>
    %gt3A_167 = arith.cmpf ogt, %parallel_loop3A_56#6, %select_n3A_140 : vector<16xf32>
    %eq3A_168 = arith.cmpf oeq, %parallel_loop3A_56#6, %select_n3A_140 : vector<16xf32>
    %lt3A_169 = arith.cmpi slt, %add3A_166, %select_n3A_141 : vector<16xi32>
    %and3A_170 = arith.andi %eq3A_168, %lt3A_169 : vector<16xi1>
    %or3A_171 = arith.ori %gt3A_167, %and3A_170 : vector<16xi1>
    %select_n3A_172 = arith.select %or3A_171, %parallel_loop3A_56#6, %select_n3A_140 : vector<16xi1>, vector<16xf32>
    %select_n3A_173 = arith.select %or3A_171, %add3A_166, %select_n3A_141 : vector<16xi1>, vector<16xi32>
    %mul3A_174 = arith.constant 8 : i32
    %mul3A_175 = arith.muli %mul3A_174, %select_n3A : i32
    %add3A_176 = arith.constant 4 : i32
    %add3A_177 = arith.addi %mul3A_175, %add3A_176 : i32
    %mul3A_178 = arith.constant 32768 : i32
    %mul3A_179 = arith.muli %add3A_177, %mul3A_178 : i32
    %mul3A_180 = arith.constant 128 : i32
    %mul3A_181 = arith.muli %mul3A_34, %mul3A_180 : i32
    %add3A_182 = arith.addi %mul3A_179, %mul3A_181 : i32
    %broadcast_in_dim3A_183 = vector.broadcast %add3A_182 : i32 to vector<16xi32>
    %shift_right_arithmetic3A_184 = arith.constant 3 : i32
    %shift_right_arithmetic3A_185 = vector.broadcast %shift_right_arithmetic3A_184 : i32 to vector<16xi32>
    %shift_right_arithmetic3A_186 = arith.shrsi %parallel_loop3A_56#9, %shift_right_arithmetic3A_185 : vector<16xi32>
    %shift_left3A_187 = arith.constant 7 : i32
    %shift_left3A_188 = vector.broadcast %shift_left3A_187 : i32 to vector<16xi32>
    %shift_left3A_189 = arith.shli %shift_right_arithmetic3A_186, %shift_left3A_188 : vector<16xi32>
    %add3A_190 = arith.addi %broadcast_in_dim3A_183, %shift_left3A_189 : vector<16xi32>
    %and3A_191 = arith.constant 7 : i32
    %and3A_192 = vector.broadcast %and3A_191 : i32 to vector<16xi32>
    %and3A_193 = arith.andi %parallel_loop3A_56#9, %and3A_192 : vector<16xi32>
    %shift_left3A_194 = arith.constant 4 : i32
    %shift_left3A_195 = vector.broadcast %shift_left3A_194 : i32 to vector<16xi32>
    %shift_left3A_196 = arith.shli %and3A_193, %shift_left3A_195 : vector<16xi32>
    %add3A_197 = arith.addi %add3A_190, %shift_left3A_196 : vector<16xi32>
    %add3A_198 = arith.addi %add3A_197, %iota3A : vector<16xi32>
    %gt3A_199 = arith.cmpf ogt, %parallel_loop3A_56#8, %select_n3A_172 : vector<16xf32>
    %eq3A_200 = arith.cmpf oeq, %parallel_loop3A_56#8, %select_n3A_172 : vector<16xf32>
    %lt3A_201 = arith.cmpi slt, %add3A_198, %select_n3A_173 : vector<16xi32>
    %and3A_202 = arith.andi %eq3A_200, %lt3A_201 : vector<16xi1>
    %or3A_203 = arith.ori %gt3A_199, %and3A_202 : vector<16xi1>
    %select_n3A_204 = arith.select %or3A_203, %parallel_loop3A_56#8, %select_n3A_172 : vector<16xi1>, vector<16xf32>
    %select_n3A_205 = arith.select %or3A_203, %add3A_198, %select_n3A_173 : vector<16xi1>, vector<16xi32>
    %mul3A_206 = arith.constant 8 : i32
    %mul3A_207 = arith.muli %mul3A_206, %select_n3A : i32
    %add3A_208 = arith.constant 5 : i32
    %add3A_209 = arith.addi %mul3A_207, %add3A_208 : i32
    %mul3A_210 = arith.constant 32768 : i32
    %mul3A_211 = arith.muli %add3A_209, %mul3A_210 : i32
    %mul3A_212 = arith.constant 128 : i32
    %mul3A_213 = arith.muli %mul3A_34, %mul3A_212 : i32
    %add3A_214 = arith.addi %mul3A_211, %mul3A_213 : i32
    %broadcast_in_dim3A_215 = vector.broadcast %add3A_214 : i32 to vector<16xi32>
    %shift_right_arithmetic3A_216 = arith.constant 3 : i32
    %shift_right_arithmetic3A_217 = vector.broadcast %shift_right_arithmetic3A_216 : i32 to vector<16xi32>
    %shift_right_arithmetic3A_218 = arith.shrsi %parallel_loop3A_56#11, %shift_right_arithmetic3A_217 : vector<16xi32>
    %shift_left3A_219 = arith.constant 7 : i32
    %shift_left3A_220 = vector.broadcast %shift_left3A_219 : i32 to vector<16xi32>
    %shift_left3A_221 = arith.shli %shift_right_arithmetic3A_218, %shift_left3A_220 : vector<16xi32>
    %add3A_222 = arith.addi %broadcast_in_dim3A_215, %shift_left3A_221 : vector<16xi32>
    %and3A_223 = arith.constant 7 : i32
    %and3A_224 = vector.broadcast %and3A_223 : i32 to vector<16xi32>
    %and3A_225 = arith.andi %parallel_loop3A_56#11, %and3A_224 : vector<16xi32>
    %shift_left3A_226 = arith.constant 4 : i32
    %shift_left3A_227 = vector.broadcast %shift_left3A_226 : i32 to vector<16xi32>
    %shift_left3A_228 = arith.shli %and3A_225, %shift_left3A_227 : vector<16xi32>
    %add3A_229 = arith.addi %add3A_222, %shift_left3A_228 : vector<16xi32>
    %add3A_230 = arith.addi %add3A_229, %iota3A : vector<16xi32>
    %gt3A_231 = arith.cmpf ogt, %parallel_loop3A_56#10, %select_n3A_204 : vector<16xf32>
    %eq3A_232 = arith.cmpf oeq, %parallel_loop3A_56#10, %select_n3A_204 : vector<16xf32>
    %lt3A_233 = arith.cmpi slt, %add3A_230, %select_n3A_205 : vector<16xi32>
    %and3A_234 = arith.andi %eq3A_232, %lt3A_233 : vector<16xi1>
    %or3A_235 = arith.ori %gt3A_231, %and3A_234 : vector<16xi1>
    %select_n3A_236 = arith.select %or3A_235, %parallel_loop3A_56#10, %select_n3A_204 : vector<16xi1>, vector<16xf32>
    %select_n3A_237 = arith.select %or3A_235, %add3A_230, %select_n3A_205 : vector<16xi1>, vector<16xi32>
    %mul3A_238 = arith.constant 8 : i32
    %mul3A_239 = arith.muli %mul3A_238, %select_n3A : i32
    %add3A_240 = arith.constant 6 : i32
    %add3A_241 = arith.addi %mul3A_239, %add3A_240 : i32
    %mul3A_242 = arith.constant 32768 : i32
    %mul3A_243 = arith.muli %add3A_241, %mul3A_242 : i32
    %mul3A_244 = arith.constant 128 : i32
    %mul3A_245 = arith.muli %mul3A_34, %mul3A_244 : i32
    %add3A_246 = arith.addi %mul3A_243, %mul3A_245 : i32
    %broadcast_in_dim3A_247 = vector.broadcast %add3A_246 : i32 to vector<16xi32>
    %shift_right_arithmetic3A_248 = arith.constant 3 : i32
    %shift_right_arithmetic3A_249 = vector.broadcast %shift_right_arithmetic3A_248 : i32 to vector<16xi32>
    %shift_right_arithmetic3A_250 = arith.shrsi %parallel_loop3A_56#13, %shift_right_arithmetic3A_249 : vector<16xi32>
    %shift_left3A_251 = arith.constant 7 : i32
    %shift_left3A_252 = vector.broadcast %shift_left3A_251 : i32 to vector<16xi32>
    %shift_left3A_253 = arith.shli %shift_right_arithmetic3A_250, %shift_left3A_252 : vector<16xi32>
    %add3A_254 = arith.addi %broadcast_in_dim3A_247, %shift_left3A_253 : vector<16xi32>
    %and3A_255 = arith.constant 7 : i32
    %and3A_256 = vector.broadcast %and3A_255 : i32 to vector<16xi32>
    %and3A_257 = arith.andi %parallel_loop3A_56#13, %and3A_256 : vector<16xi32>
    %shift_left3A_258 = arith.constant 4 : i32
    %shift_left3A_259 = vector.broadcast %shift_left3A_258 : i32 to vector<16xi32>
    %shift_left3A_260 = arith.shli %and3A_257, %shift_left3A_259 : vector<16xi32>
    %add3A_261 = arith.addi %add3A_254, %shift_left3A_260 : vector<16xi32>
    %add3A_262 = arith.addi %add3A_261, %iota3A : vector<16xi32>
    %gt3A_263 = arith.cmpf ogt, %parallel_loop3A_56#12, %select_n3A_236 : vector<16xf32>
    %eq3A_264 = arith.cmpf oeq, %parallel_loop3A_56#12, %select_n3A_236 : vector<16xf32>
    %lt3A_265 = arith.cmpi slt, %add3A_262, %select_n3A_237 : vector<16xi32>
    %and3A_266 = arith.andi %eq3A_264, %lt3A_265 : vector<16xi1>
    %or3A_267 = arith.ori %gt3A_263, %and3A_266 : vector<16xi1>
    %select_n3A_268 = arith.select %or3A_267, %parallel_loop3A_56#12, %select_n3A_236 : vector<16xi1>, vector<16xf32>
    %select_n3A_269 = arith.select %or3A_267, %add3A_262, %select_n3A_237 : vector<16xi1>, vector<16xi32>
    %mul3A_270 = arith.constant 8 : i32
    %mul3A_271 = arith.muli %mul3A_270, %select_n3A : i32
    %add3A_272 = arith.constant 7 : i32
    %add3A_273 = arith.addi %mul3A_271, %add3A_272 : i32
    %mul3A_274 = arith.constant 32768 : i32
    %mul3A_275 = arith.muli %add3A_273, %mul3A_274 : i32
    %mul3A_276 = arith.constant 128 : i32
    %mul3A_277 = arith.muli %mul3A_34, %mul3A_276 : i32
    %add3A_278 = arith.addi %mul3A_275, %mul3A_277 : i32
    %broadcast_in_dim3A_279 = vector.broadcast %add3A_278 : i32 to vector<16xi32>
    %shift_right_arithmetic3A_280 = arith.constant 3 : i32
    %shift_right_arithmetic3A_281 = vector.broadcast %shift_right_arithmetic3A_280 : i32 to vector<16xi32>
    %shift_right_arithmetic3A_282 = arith.shrsi %parallel_loop3A_56#15, %shift_right_arithmetic3A_281 : vector<16xi32>
    %shift_left3A_283 = arith.constant 7 : i32
    %shift_left3A_284 = vector.broadcast %shift_left3A_283 : i32 to vector<16xi32>
    %shift_left3A_285 = arith.shli %shift_right_arithmetic3A_282, %shift_left3A_284 : vector<16xi32>
    %add3A_286 = arith.addi %broadcast_in_dim3A_279, %shift_left3A_285 : vector<16xi32>
    %and3A_287 = arith.constant 7 : i32
    %and3A_288 = vector.broadcast %and3A_287 : i32 to vector<16xi32>
    %and3A_289 = arith.andi %parallel_loop3A_56#15, %and3A_288 : vector<16xi32>
    %shift_left3A_290 = arith.constant 4 : i32
    %shift_left3A_291 = vector.broadcast %shift_left3A_290 : i32 to vector<16xi32>
    %shift_left3A_292 = arith.shli %and3A_289, %shift_left3A_291 : vector<16xi32>
    %add3A_293 = arith.addi %add3A_286, %shift_left3A_292 : vector<16xi32>
    %add3A_294 = arith.addi %add3A_293, %iota3A : vector<16xi32>
    %gt3A_295 = arith.cmpf ogt, %parallel_loop3A_56#14, %select_n3A_268 : vector<16xf32>
    %eq3A_296 = arith.cmpf oeq, %parallel_loop3A_56#14, %select_n3A_268 : vector<16xf32>
    %lt3A_297 = arith.cmpi slt, %add3A_294, %select_n3A_269 : vector<16xi32>
    %and3A_298 = arith.andi %eq3A_296, %lt3A_297 : vector<16xi1>
    %or3A_299 = arith.ori %gt3A_295, %and3A_298 : vector<16xi1>
    %select_n3A_300 = arith.select %or3A_299, %parallel_loop3A_56#14, %select_n3A_268 : vector<16xi1>, vector<16xf32>
    %select_n3A_301 = arith.select %or3A_299, %add3A_294, %select_n3A_269 : vector<16xi1>, vector<16xi32>
    %swap3A = arith.constant 0 : index
    %swap3A_302 = tpu.vector_load %arg9[%swap3A] {strides = array<i32>} : memref<16xf32, #tpu.memory_space<vmem>>, vector<16xf32>,
    tpu.vector_store %arg9[%swap3A], %select_n3A_300 {strides = array<i32>} : memref<16xf32, #tpu.memory_space<vmem>>, vector<16xf32>,
    %swap3A_303 = arith.constant 0 : index
    %swap3A_304 = tpu.vector_load %arg10[%swap3A_303] {strides = array<i32>} : memref<16xi32, #tpu.memory_space<vmem>>, vector<16xi32>,
    tpu.vector_store %arg10[%swap3A_303], %select_n3A_301 {strides = array<i32>} : memref<16xi32, #tpu.memory_space<vmem>>, vector<16xi32>,
    %xor3A = arith.constant 8 : i32
    %xor3A_305 = vector.broadcast %xor3A : i32 to vector<16xi32>
    %xor3A_306 = arith.xori %iota3A, %xor3A_305 : vector<16xi32>
    %gather3A = tpu.vector_load_idx %arg9[%xor3A_306] : memref<16xf32, #tpu.memory_space<vmem>>[vector<16xi32>], vector<16xf32>,
    %gather3A_307 = tpu.vector_load_idx %arg10[%xor3A_306] : memref<16xi32, #tpu.memory_space<vmem>>[vector<16xi32>], vector<16xi32>,
    %gt3A_308 = arith.cmpf ogt, %gather3A, %select_n3A_300 : vector<16xf32>
    %eq3A_309 = arith.cmpf oeq, %gather3A, %select_n3A_300 : vector<16xf32>
    %lt3A_310 = arith.cmpi slt, %gather3A_307, %select_n3A_301 : vector<16xi32>
    %and3A_311 = arith.andi %eq3A_309, %lt3A_310 : vector<16xi1>
    %or3A_312 = arith.ori %gt3A_308, %and3A_311 : vector<16xi1>
    %select_n3A_313 = arith.select %or3A_312, %gather3A, %select_n3A_300 : vector<16xi1>, vector<16xf32>
    %select_n3A_314 = arith.select %or3A_312, %gather3A_307, %select_n3A_301 : vector<16xi1>, vector<16xi32>
    %swap3A_315 = arith.constant 0 : index
    %swap3A_316 = tpu.vector_load %arg9[%swap3A_315] {strides = array<i32>} : memref<16xf32, #tpu.memory_space<vmem>>, vector<16xf32>,
    tpu.vector_store %arg9[%swap3A_315], %select_n3A_313 {strides = array<i32>} : memref<16xf32, #tpu.memory_space<vmem>>, vector<16xf32>,
    %swap3A_317 = arith.constant 0 : index
    %swap3A_318 = tpu.vector_load %arg10[%swap3A_317] {strides = array<i32>} : memref<16xi32, #tpu.memory_space<vmem>>, vector<16xi32>,
    tpu.vector_store %arg10[%swap3A_317], %select_n3A_314 {strides = array<i32>} : memref<16xi32, #tpu.memory_space<vmem>>, vector<16xi32>,
    %xor3A_319 = arith.constant 4 : i32
    %xor3A_320 = vector.broadcast %xor3A_319 : i32 to vector<16xi32>
    %xor3A_321 = arith.xori %iota3A, %xor3A_320 : vector<16xi32>
    %gather3A_322 = tpu.vector_load_idx %arg9[%xor3A_321] : memref<16xf32, #tpu.memory_space<vmem>>[vector<16xi32>], vector<16xf32>,
    %gather3A_323 = tpu.vector_load_idx %arg10[%xor3A_321] : memref<16xi32, #tpu.memory_space<vmem>>[vector<16xi32>], vector<16xi32>,
    %gt3A_324 = arith.cmpf ogt, %gather3A_322, %select_n3A_313 : vector<16xf32>
    %eq3A_325 = arith.cmpf oeq, %gather3A_322, %select_n3A_313 : vector<16xf32>
    %lt3A_326 = arith.cmpi slt, %gather3A_323, %select_n3A_314 : vector<16xi32>
    %and3A_327 = arith.andi %eq3A_325, %lt3A_326 : vector<16xi1>
    %or3A_328 = arith.ori %gt3A_324, %and3A_327 : vector<16xi1>
    %select_n3A_329 = arith.select %or3A_328, %gather3A_322, %select_n3A_313 : vector<16xi1>, vector<16xf32>
    %select_n3A_330 = arith.select %or3A_328, %gather3A_323, %select_n3A_314 : vector<16xi1>, vector<16xi32>
    %swap3A_331 = arith.constant 0 : index
    %swap3A_332 = tpu.vector_load %arg9[%swap3A_331] {strides = array<i32>} : memref<16xf32, #tpu.memory_space<vmem>>, vector<16xf32>,
    tpu.vector_store %arg9[%swap3A_331], %select_n3A_329 {strides = array<i32>} : memref<16xf32, #tpu.memory_space<vmem>>, vector<16xf32>,
    %swap3A_333 = arith.constant 0 : index
    %swap3A_334 = tpu.vector_load %arg10[%swap3A_333] {strides = array<i32>} : memref<16xi32, #tpu.memory_space<vmem>>, vector<16xi32>,
    tpu.vector_store %arg10[%swap3A_333], %select_n3A_330 {strides = array<i32>} : memref<16xi32, #tpu.memory_space<vmem>>, vector<16xi32>,
    %xor3A_335 = arith.constant 2 : i32
    %xor3A_336 = vector.broadcast %xor3A_335 : i32 to vector<16xi32>
    %xor3A_337 = arith.xori %iota3A, %xor3A_336 : vector<16xi32>
    %gather3A_338 = tpu.vector_load_idx %arg9[%xor3A_337] : memref<16xf32, #tpu.memory_space<vmem>>[vector<16xi32>], vector<16xf32>,
    %gather3A_339 = tpu.vector_load_idx %arg10[%xor3A_337] : memref<16xi32, #tpu.memory_space<vmem>>[vector<16xi32>], vector<16xi32>,
    %gt3A_340 = arith.cmpf ogt, %gather3A_338, %select_n3A_329 : vector<16xf32>
    %eq3A_341 = arith.cmpf oeq, %gather3A_338, %select_n3A_329 : vector<16xf32>
    %lt3A_342 = arith.cmpi slt, %gather3A_339, %select_n3A_330 : vector<16xi32>
    %and3A_343 = arith.andi %eq3A_341, %lt3A_342 : vector<16xi1>
    %or3A_344 = arith.ori %gt3A_340, %and3A_343 : vector<16xi1>
    %select_n3A_345 = arith.select %or3A_344, %gather3A_338, %select_n3A_329 : vector<16xi1>, vector<16xf32>
    %select_n3A_346 = arith.select %or3A_344, %gather3A_339, %select_n3A_330 : vector<16xi1>, vector<16xi32>
    %swap3A_347 = arith.constant 0 : index
    %swap3A_348 = tpu.vector_load %arg9[%swap3A_347] {strides = array<i32>} : memref<16xf32, #tpu.memory_space<vmem>>, vector<16xf32>,
    tpu.vector_store %arg9[%swap3A_347], %select_n3A_345 {strides = array<i32>} : memref<16xf32, #tpu.memory_space<vmem>>, vector<16xf32>,
    %swap3A_349 = arith.constant 0 : index
    %swap3A_350 = tpu.vector_load %arg10[%swap3A_349] {strides = array<i32>} : memref<16xi32, #tpu.memory_space<vmem>>, vector<16xi32>,
    tpu.vector_store %arg10[%swap3A_349], %select_n3A_346 {strides = array<i32>} : memref<16xi32, #tpu.memory_space<vmem>>, vector<16xi32>,
    %xor3A_351 = arith.constant 1 : i32
    %xor3A_352 = vector.broadcast %xor3A_351 : i32 to vector<16xi32>
    %xor3A_353 = arith.xori %iota3A, %xor3A_352 : vector<16xi32>
    %gather3A_354 = tpu.vector_load_idx %arg9[%xor3A_353] : memref<16xf32, #tpu.memory_space<vmem>>[vector<16xi32>], vector<16xf32>,
    %gather3A_355 = tpu.vector_load_idx %arg10[%xor3A_353] : memref<16xi32, #tpu.memory_space<vmem>>[vector<16xi32>], vector<16xi32>,
    %gt3A_356 = arith.cmpf ogt, %gather3A_354, %select_n3A_345 : vector<16xf32>
    %eq3A_357 = arith.cmpf oeq, %gather3A_354, %select_n3A_345 : vector<16xf32>
    %lt3A_358 = arith.cmpi slt, %gather3A_355, %select_n3A_346 : vector<16xi32>
    %and3A_359 = arith.andi %eq3A_357, %lt3A_358 : vector<16xi1>
    %or3A_360 = arith.ori %gt3A_356, %and3A_359 : vector<16xi1>
    %select_n3A_361 = arith.select %or3A_360, %gather3A_354, %select_n3A_345 : vector<16xi1>, vector<16xf32>
    %select_n3A_362 = arith.select %or3A_360, %gather3A_355, %select_n3A_346 : vector<16xi1>, vector<16xi32>
    %swap3A_363 = arith.constant 0 : index
    %swap3A_364 = tpu.vector_load %arg9[%swap3A_363] {strides = array<i32>} : memref<16xf32, #tpu.memory_space<vmem>>, vector<16xf32>,
    tpu.vector_store %arg9[%swap3A_363], %select_n3A_361 {strides = array<i32>} : memref<16xf32, #tpu.memory_space<vmem>>, vector<16xf32>,
    %swap3A_365 = arith.constant 0 : index
    %swap3A_366 = tpu.vector_load %arg10[%swap3A_365] {strides = array<i32>} : memref<16xi32, #tpu.memory_space<vmem>>, vector<16xi32>,
    tpu.vector_store %arg10[%swap3A_365], %select_n3A_362 {strides = array<i32>} : memref<16xi32, #tpu.memory_space<vmem>>, vector<16xi32>,
    %mul3A_367 = arith.constant 16 : i32
    %mul3A_368 = arith.muli %arg1, %mul3A_367 : i32
    "tpu.region"() ({
      %run_scoped3A = tpu.sem_alloc : memref<!tpu.dma_semaphore, #tpu.memory_space<semaphore_mem>>
      %dma_start3A_447 = tpu.memref_slice %arg11[%mul3A_368] : memref<256xf32, #tpu.memory_space<vmem_shared>> -> memref<16xf32, #tpu.memory_space<vmem_shared>>
      %dma_start3A_448 = tpu.memref_slice %arg11[%mul3A_368] : memref<256xf32, #tpu.memory_space<vmem_shared>> -> memref<16xf32, #tpu.memory_space<vmem_shared>>
      tpu.enqueue_dma source(%arg9 : memref<16xf32, #tpu.memory_space<vmem>>) target(%dma_start3A_448 : memref<16xf32, #tpu.memory_space<vmem_shared>>) target_semaphore(%run_scoped3A : memref<!tpu.dma_semaphore, #tpu.memory_space<semaphore_mem>>)
      %dma_wait3A_449 = tpu.memref_slice %arg11[%mul3A_368] : memref<256xf32, #tpu.memory_space<vmem_shared>> -> memref<16xf32, #tpu.memory_space<vmem_shared>>
      %dma_wait3A_450 = tpu.memref_slice %arg11[%mul3A_368] : memref<256xf32, #tpu.memory_space<vmem_shared>> -> memref<16xf32, #tpu.memory_space<vmem_shared>>
      tpu.wait_dma2 semaphore(%run_scoped3A : memref<!tpu.dma_semaphore, #tpu.memory_space<semaphore_mem>>) src(%arg9 : memref<16xf32, #tpu.memory_space<vmem>>) dst(%dma_wait3A_450 : memref<16xf32, #tpu.memory_space<vmem_shared>>)
      tpu.yield
    }) : () -> ()
    %mul3A_369 = arith.constant 16 : i32
    %mul3A_370 = arith.muli %arg1, %mul3A_369 : i32
    "tpu.region"() ({
      %run_scoped3A = tpu.sem_alloc : memref<!tpu.dma_semaphore, #tpu.memory_space<semaphore_mem>>
      %dma_start3A_447 = tpu.memref_slice %arg12[%mul3A_370] : memref<256xi32, #tpu.memory_space<vmem_shared>> -> memref<16xi32, #tpu.memory_space<vmem_shared>>
      %dma_start3A_448 = tpu.memref_slice %arg12[%mul3A_370] : memref<256xi32, #tpu.memory_space<vmem_shared>> -> memref<16xi32, #tpu.memory_space<vmem_shared>>
      tpu.enqueue_dma source(%arg10 : memref<16xi32, #tpu.memory_space<vmem>>) target(%dma_start3A_448 : memref<16xi32, #tpu.memory_space<vmem_shared>>) target_semaphore(%run_scoped3A : memref<!tpu.dma_semaphore, #tpu.memory_space<semaphore_mem>>)
      %dma_wait3A_449 = tpu.memref_slice %arg12[%mul3A_370] : memref<256xi32, #tpu.memory_space<vmem_shared>> -> memref<16xi32, #tpu.memory_space<vmem_shared>>
      %dma_wait3A_450 = tpu.memref_slice %arg12[%mul3A_370] : memref<256xi32, #tpu.memory_space<vmem_shared>> -> memref<16xi32, #tpu.memory_space<vmem_shared>>
      tpu.wait_dma2 semaphore(%run_scoped3A : memref<!tpu.dma_semaphore, #tpu.memory_space<semaphore_mem>>) src(%arg10 : memref<16xi32, #tpu.memory_space<vmem>>) dst(%dma_wait3A_450 : memref<16xi32, #tpu.memory_space<vmem_shared>>)
      tpu.yield
    }) : () -> ()
    %barrier3A = arith.constant 0 : index
    tpu.barrier barrier_id(%barrier3A)
    "tpu.region"() ({
      %run_scoped3A = tpu.sem_alloc : memref<!tpu.dma_semaphore, #tpu.memory_space<semaphore_mem>>
      tpu.enqueue_dma source(%arg11 : memref<256xf32, #tpu.memory_space<vmem_shared>>) target(%arg13 : memref<256xf32, #tpu.memory_space<vmem>>) target_semaphore(%run_scoped3A : memref<!tpu.dma_semaphore, #tpu.memory_space<semaphore_mem>>)
      tpu.wait_dma2 semaphore(%run_scoped3A : memref<!tpu.dma_semaphore, #tpu.memory_space<semaphore_mem>>) src(%arg11 : memref<256xf32, #tpu.memory_space<vmem_shared>>) dst(%arg13 : memref<256xf32, #tpu.memory_space<vmem>>)
      tpu.yield
    }) : () -> ()
    "tpu.region"() ({
      %run_scoped3A = tpu.sem_alloc : memref<!tpu.dma_semaphore, #tpu.memory_space<semaphore_mem>>
      tpu.enqueue_dma source(%arg12 : memref<256xi32, #tpu.memory_space<vmem_shared>>) target(%arg14 : memref<256xi32, #tpu.memory_space<vmem>>) target_semaphore(%run_scoped3A : memref<!tpu.dma_semaphore, #tpu.memory_space<semaphore_mem>>)
      tpu.wait_dma2 semaphore(%run_scoped3A : memref<!tpu.dma_semaphore, #tpu.memory_space<semaphore_mem>>) src(%arg12 : memref<256xi32, #tpu.memory_space<vmem_shared>>) dst(%arg14 : memref<256xi32, #tpu.memory_space<vmem>>)
      tpu.yield
    }) : () -> ()
    %mul3A_371 = arith.constant 16 : i32
    %mul3A_372 = vector.broadcast %mul3A_371 : i32 to vector<16xi32>
    %mul3A_373 = arith.muli %iota3A, %mul3A_372 : vector<16xi32>
    %gather3A_374 = tpu.vector_load_idx %arg13[%mul3A_373] : memref<256xf32, #tpu.memory_space<vmem>>[vector<16xi32>], vector<16xf32>,
    %gather3A_375 = tpu.vector_load_idx %arg14[%mul3A_373] : memref<256xi32, #tpu.memory_space<vmem>>[vector<16xi32>], vector<16xi32>,
    %swap3A_376 = arith.constant 0 : index
    %swap3A_377 = tpu.vector_load %arg9[%swap3A_376] {strides = array<i32>} : memref<16xf32, #tpu.memory_space<vmem>>, vector<16xf32>,
    tpu.vector_store %arg9[%swap3A_376], %gather3A_374 {strides = array<i32>} : memref<16xf32, #tpu.memory_space<vmem>>, vector<16xf32>,
    %swap3A_378 = arith.constant 0 : index
    %swap3A_379 = tpu.vector_load %arg10[%swap3A_378] {strides = array<i32>} : memref<16xi32, #tpu.memory_space<vmem>>, vector<16xi32>,
    tpu.vector_store %arg10[%swap3A_378], %gather3A_375 {strides = array<i32>} : memref<16xi32, #tpu.memory_space<vmem>>, vector<16xi32>,
    %xor3A_380 = arith.constant 8 : i32
    %xor3A_381 = vector.broadcast %xor3A_380 : i32 to vector<16xi32>
    %xor3A_382 = arith.xori %iota3A, %xor3A_381 : vector<16xi32>
    %gather3A_383 = tpu.vector_load_idx %arg9[%xor3A_382] : memref<16xf32, #tpu.memory_space<vmem>>[vector<16xi32>], vector<16xf32>,
    %gather3A_384 = tpu.vector_load_idx %arg10[%xor3A_382] : memref<16xi32, #tpu.memory_space<vmem>>[vector<16xi32>], vector<16xi32>,
    %gt3A_385 = arith.cmpf ogt, %gather3A_383, %gather3A_374 : vector<16xf32>
    %eq3A_386 = arith.cmpf oeq, %gather3A_383, %gather3A_374 : vector<16xf32>
    %lt3A_387 = arith.cmpi slt, %gather3A_384, %gather3A_375 : vector<16xi32>
    %and3A_388 = arith.andi %eq3A_386, %lt3A_387 : vector<16xi1>
    %or3A_389 = arith.ori %gt3A_385, %and3A_388 : vector<16xi1>
    %select_n3A_390 = arith.select %or3A_389, %gather3A_383, %gather3A_374 : vector<16xi1>, vector<16xf32>
    %select_n3A_391 = arith.select %or3A_389, %gather3A_384, %gather3A_375 : vector<16xi1>, vector<16xi32>
    %swap3A_392 = arith.constant 0 : index
    %swap3A_393 = tpu.vector_load %arg9[%swap3A_392] {strides = array<i32>} : memref<16xf32, #tpu.memory_space<vmem>>, vector<16xf32>,
    tpu.vector_store %arg9[%swap3A_392], %select_n3A_390 {strides = array<i32>} : memref<16xf32, #tpu.memory_space<vmem>>, vector<16xf32>,
    %swap3A_394 = arith.constant 0 : index
    %swap3A_395 = tpu.vector_load %arg10[%swap3A_394] {strides = array<i32>} : memref<16xi32, #tpu.memory_space<vmem>>, vector<16xi32>,
    tpu.vector_store %arg10[%swap3A_394], %select_n3A_391 {strides = array<i32>} : memref<16xi32, #tpu.memory_space<vmem>>, vector<16xi32>,
    %xor3A_396 = arith.constant 4 : i32
    %xor3A_397 = vector.broadcast %xor3A_396 : i32 to vector<16xi32>
    %xor3A_398 = arith.xori %iota3A, %xor3A_397 : vector<16xi32>
    %gather3A_399 = tpu.vector_load_idx %arg9[%xor3A_398] : memref<16xf32, #tpu.memory_space<vmem>>[vector<16xi32>], vector<16xf32>,
    %gather3A_400 = tpu.vector_load_idx %arg10[%xor3A_398] : memref<16xi32, #tpu.memory_space<vmem>>[vector<16xi32>], vector<16xi32>,
    %gt3A_401 = arith.cmpf ogt, %gather3A_399, %select_n3A_390 : vector<16xf32>
    %eq3A_402 = arith.cmpf oeq, %gather3A_399, %select_n3A_390 : vector<16xf32>
    %lt3A_403 = arith.cmpi slt, %gather3A_400, %select_n3A_391 : vector<16xi32>
    %and3A_404 = arith.andi %eq3A_402, %lt3A_403 : vector<16xi1>
    %or3A_405 = arith.ori %gt3A_401, %and3A_404 : vector<16xi1>
    %select_n3A_406 = arith.select %or3A_405, %gather3A_399, %select_n3A_390 : vector<16xi1>, vector<16xf32>
    %select_n3A_407 = arith.select %or3A_405, %gather3A_400, %select_n3A_391 : vector<16xi1>, vector<16xi32>
    %swap3A_408 = arith.constant 0 : index
    %swap3A_409 = tpu.vector_load %arg9[%swap3A_408] {strides = array<i32>} : memref<16xf32, #tpu.memory_space<vmem>>, vector<16xf32>,
    tpu.vector_store %arg9[%swap3A_408], %select_n3A_406 {strides = array<i32>} : memref<16xf32, #tpu.memory_space<vmem>>, vector<16xf32>,
    %swap3A_410 = arith.constant 0 : index
    %swap3A_411 = tpu.vector_load %arg10[%swap3A_410] {strides = array<i32>} : memref<16xi32, #tpu.memory_space<vmem>>, vector<16xi32>,
    tpu.vector_store %arg10[%swap3A_410], %select_n3A_407 {strides = array<i32>} : memref<16xi32, #tpu.memory_space<vmem>>, vector<16xi32>,
    %xor3A_412 = arith.constant 2 : i32
    %xor3A_413 = vector.broadcast %xor3A_412 : i32 to vector<16xi32>
    %xor3A_414 = arith.xori %iota3A, %xor3A_413 : vector<16xi32>
    %gather3A_415 = tpu.vector_load_idx %arg9[%xor3A_414] : memref<16xf32, #tpu.memory_space<vmem>>[vector<16xi32>], vector<16xf32>,
    %gather3A_416 = tpu.vector_load_idx %arg10[%xor3A_414] : memref<16xi32, #tpu.memory_space<vmem>>[vector<16xi32>], vector<16xi32>,
    %gt3A_417 = arith.cmpf ogt, %gather3A_415, %select_n3A_406 : vector<16xf32>
    %eq3A_418 = arith.cmpf oeq, %gather3A_415, %select_n3A_406 : vector<16xf32>
    %lt3A_419 = arith.cmpi slt, %gather3A_416, %select_n3A_407 : vector<16xi32>
    %and3A_420 = arith.andi %eq3A_418, %lt3A_419 : vector<16xi1>
    %or3A_421 = arith.ori %gt3A_417, %and3A_420 : vector<16xi1>
    %select_n3A_422 = arith.select %or3A_421, %gather3A_415, %select_n3A_406 : vector<16xi1>, vector<16xf32>
    %select_n3A_423 = arith.select %or3A_421, %gather3A_416, %select_n3A_407 : vector<16xi1>, vector<16xi32>
    %swap3A_424 = arith.constant 0 : index
    %swap3A_425 = tpu.vector_load %arg9[%swap3A_424] {strides = array<i32>} : memref<16xf32, #tpu.memory_space<vmem>>, vector<16xf32>,
    tpu.vector_store %arg9[%swap3A_424], %select_n3A_422 {strides = array<i32>} : memref<16xf32, #tpu.memory_space<vmem>>, vector<16xf32>,
    %swap3A_426 = arith.constant 0 : index
    %swap3A_427 = tpu.vector_load %arg10[%swap3A_426] {strides = array<i32>} : memref<16xi32, #tpu.memory_space<vmem>>, vector<16xi32>,
    tpu.vector_store %arg10[%swap3A_426], %select_n3A_423 {strides = array<i32>} : memref<16xi32, #tpu.memory_space<vmem>>, vector<16xi32>,
    %xor3A_428 = arith.constant 1 : i32
    %xor3A_429 = vector.broadcast %xor3A_428 : i32 to vector<16xi32>
    %xor3A_430 = arith.xori %iota3A, %xor3A_429 : vector<16xi32>
    %gather3A_431 = tpu.vector_load_idx %arg9[%xor3A_430] : memref<16xf32, #tpu.memory_space<vmem>>[vector<16xi32>], vector<16xf32>,
    %gather3A_432 = tpu.vector_load_idx %arg10[%xor3A_430] : memref<16xi32, #tpu.memory_space<vmem>>[vector<16xi32>], vector<16xi32>,
    %gt3A_433 = arith.cmpf ogt, %gather3A_431, %select_n3A_422 : vector<16xf32>
    %eq3A_434 = arith.cmpf oeq, %gather3A_431, %select_n3A_422 : vector<16xf32>
    %lt3A_435 = arith.cmpi slt, %gather3A_432, %select_n3A_423 : vector<16xi32>
    %and3A_436 = arith.andi %eq3A_434, %lt3A_435 : vector<16xi1>
    %or3A_437 = arith.ori %gt3A_433, %and3A_436 : vector<16xi1>
    %select_n3A_438 = arith.select %or3A_437, %gather3A_431, %select_n3A_422 : vector<16xi1>, vector<16xf32>
    %select_n3A_439 = arith.select %or3A_437, %gather3A_432, %select_n3A_423 : vector<16xi1>, vector<16xi32>
    %swap3A_440 = arith.constant 0 : index
    %swap3A_441 = tpu.vector_load %arg9[%swap3A_440] {strides = array<i32>} : memref<16xf32, #tpu.memory_space<vmem>>, vector<16xf32>,
    tpu.vector_store %arg9[%swap3A_440], %select_n3A_438 {strides = array<i32>} : memref<16xf32, #tpu.memory_space<vmem>>, vector<16xf32>,
    %swap3A_442 = arith.constant 0 : index
    %swap3A_443 = tpu.vector_load %arg10[%swap3A_442] {strides = array<i32>} : memref<16xi32, #tpu.memory_space<vmem>>, vector<16xi32>,
    tpu.vector_store %arg10[%swap3A_442], %select_n3A_439 {strides = array<i32>} : memref<16xi32, #tpu.memory_space<vmem>>, vector<16xi32>,
    %eq3A_444 = arith.constant 0 : i32
    %eq3A_445 = arith.cmpi eq, %arg1, %eq3A_444 : i32
    %convert_element_type3A = arith.extui %eq3A_445 : i1 to i32
    %cond3A = arith.constant 0 : i32
    %cond3A_446 = arith.cmpi ne, %convert_element_type3A, %cond3A : i32
    scf.if %cond3A_446 {
      "tpu.region"() ({
        %run_scoped3A = tpu.sem_alloc : memref<!tpu.dma_semaphore, #tpu.memory_space<semaphore_mem>>
        %dma_start3A_447 = arith.constant 0 : i32
        %dma_start3A_448 = tpu.memref_slice %arg3[%arg0, %dma_start3A_447] : memref<2x16xf32, #tpu.memory_space<hbm>> -> memref<1x16xf32, #tpu.memory_space<hbm>>
        %dma_start3A_449 = tpu.memref_squeeze %dma_start3A_448 : memref<1x16xf32, #tpu.memory_space<hbm>> -> memref<16xf32, #tpu.memory_space<hbm>>
        %dma_start3A_450 = arith.constant 0 : i32
        %dma_start3A_451 = tpu.memref_slice %arg3[%arg0, %dma_start3A_450] : memref<2x16xf32, #tpu.memory_space<hbm>> -> memref<1x16xf32, #tpu.memory_space<hbm>>
        %dma_start3A_452 = tpu.memref_squeeze %dma_start3A_451 : memref<1x16xf32, #tpu.memory_space<hbm>> -> memref<16xf32, #tpu.memory_space<hbm>>
        tpu.enqueue_dma source(%arg9 : memref<16xf32, #tpu.memory_space<vmem>>) target(%dma_start3A_452 : memref<16xf32, #tpu.memory_space<hbm>>) target_semaphore(%run_scoped3A : memref<!tpu.dma_semaphore, #tpu.memory_space<semaphore_mem>>)
        %dma_wait3A_453 = arith.constant 0 : i32
        %dma_wait3A_454 = tpu.memref_slice %arg3[%arg0, %dma_wait3A_453] : memref<2x16xf32, #tpu.memory_space<hbm>> -> memref<1x16xf32, #tpu.memory_space<hbm>>
        %dma_wait3A_455 = tpu.memref_squeeze %dma_wait3A_454 : memref<1x16xf32, #tpu.memory_space<hbm>> -> memref<16xf32, #tpu.memory_space<hbm>>
        %dma_wait3A_456 = arith.constant 0 : i32
        %dma_wait3A_457 = tpu.memref_slice %arg3[%arg0, %dma_wait3A_456] : memref<2x16xf32, #tpu.memory_space<hbm>> -> memref<1x16xf32, #tpu.memory_space<hbm>>
        %dma_wait3A_458 = tpu.memref_squeeze %dma_wait3A_457 : memref<1x16xf32, #tpu.memory_space<hbm>> -> memref<16xf32, #tpu.memory_space<hbm>>
        tpu.wait_dma2 semaphore(%run_scoped3A : memref<!tpu.dma_semaphore, #tpu.memory_space<semaphore_mem>>) src(%arg9 : memref<16xf32, #tpu.memory_space<vmem>>) dst(%dma_wait3A_458 : memref<16xf32, #tpu.memory_space<hbm>>)
        tpu.yield
      }) : () -> ()
      "tpu.region"() ({
        %run_scoped3A = tpu.sem_alloc : memref<!tpu.dma_semaphore, #tpu.memory_space<semaphore_mem>>
        %dma_start3A_447 = arith.constant 0 : i32
        %dma_start3A_448 = tpu.memref_slice %arg4[%arg0, %dma_start3A_447] : memref<2x16xi32, #tpu.memory_space<hbm>> -> memref<1x16xi32, #tpu.memory_space<hbm>>
        %dma_start3A_449 = tpu.memref_squeeze %dma_start3A_448 : memref<1x16xi32, #tpu.memory_space<hbm>> -> memref<16xi32, #tpu.memory_space<hbm>>
        %dma_start3A_450 = arith.constant 0 : i32
        %dma_start3A_451 = tpu.memref_slice %arg4[%arg0, %dma_start3A_450] : memref<2x16xi32, #tpu.memory_space<hbm>> -> memref<1x16xi32, #tpu.memory_space<hbm>>
        %dma_start3A_452 = tpu.memref_squeeze %dma_start3A_451 : memref<1x16xi32, #tpu.memory_space<hbm>> -> memref<16xi32, #tpu.memory_space<hbm>>
        tpu.enqueue_dma source(%arg10 : memref<16xi32, #tpu.memory_space<vmem>>) target(%dma_start3A_452 : memref<16xi32, #tpu.memory_space<hbm>>) target_semaphore(%run_scoped3A : memref<!tpu.dma_semaphore, #tpu.memory_space<semaphore_mem>>)
        %dma_wait3A_453 = arith.constant 0 : i32
        %dma_wait3A_454 = tpu.memref_slice %arg4[%arg0, %dma_wait3A_453] : memref<2x16xi32, #tpu.memory_space<hbm>> -> memref<1x16xi32, #tpu.memory_space<hbm>>
        %dma_wait3A_455 = tpu.memref_squeeze %dma_wait3A_454 : memref<1x16xi32, #tpu.memory_space<hbm>> -> memref<16xi32, #tpu.memory_space<hbm>>
        %dma_wait3A_456 = arith.constant 0 : i32
        %dma_wait3A_457 = tpu.memref_slice %arg4[%arg0, %dma_wait3A_456] : memref<2x16xi32, #tpu.memory_space<hbm>> -> memref<1x16xi32, #tpu.memory_space<hbm>>
        %dma_wait3A_458 = tpu.memref_squeeze %dma_wait3A_457 : memref<1x16xi32, #tpu.memory_space<hbm>> -> memref<16xi32, #tpu.memory_space<hbm>>
        tpu.wait_dma2 semaphore(%run_scoped3A : memref<!tpu.dma_semaphore, #tpu.memory_space<semaphore_mem>>) src(%arg10 : memref<16xi32, #tpu.memory_space<vmem>>) dst(%dma_wait3A_458 : memref<16xi32, #tpu.memory_space<hbm>>)
        tpu.yield
      }) : () -> ()
    } else {
    }
    return
  }
}

</mosaic_0001>

<sc_bundles>
// kernel: kernel.3.cloned.1.call-start
scs
__scs_entry_jumppad:
0x0: {  	(pc) =	sbr.rel $0x88, $3  }
0x1: {  	(tag) =	ssettag $0x0;
	lr =	simm.s32 $0x1  }
0x2: {  	[smem:$0x3FA0] =	sst lr;
	_ =	strace $0xD0000000  }
0x3: {  	_ = 	snop  }
0x4: {  	_ = 	snop  }
0x5: {  	_ = 	snop  }
0x6: {  	_ = 	snop  }
0x7: {  	_ = 	snop  }
__scs_overlays_trampoline_lowered:
0x8: {  	[smem:$0x3FAF] =	sst s0  }
0x9: {  	[smem:$0x3FB0] =	sst s1  }
0xa: {  	[smem:$0x3FB1] =	sst s2  }
0xb: {  	[smem:$0x3FB2] =	sst s3  }
0xc: {  	[smem:$0x3FB3] =	sst s4  }
0xd: {  	[smem:$0x3FB4] =	sst s5  }
0xe: {  	[smem:$0x3FB5] =	sst s6  }
0xf: {  	[smem:$0x3FB6] =	sst s7  }
0x10: {  	[smem:$0x3FB7] =	sst s8  }
0x11: {  	[smem:$0x3FB8] =	sst s9;
	s0 =	simm.s32 @!p0 $0x0  }
0x12: {  	s1 =	sld [smem:$0x3F9E];
	s0 =	simm.s32 @p0 $0x1  }
0x13: {  	[smem:$0x3FB9] =	sst s0;
	s0 =	simm.s32 @!p1 $0x0  }
0x14: {  	s2 =	sld [smem:$0x3F9D];
	s0 =	simm.s32 @p1 $0x1  }
0x15: {  	[smem:$0x3FBA] =	sst s0;
	s0 =	simm.s32 @!p2 $0x0  }
0x16: {  	s3 =	sld [smem:$0x3FDB];
	s0 =	simm.s32 @p2 $0x1  }
0x17: {  	s4 =	simm.s32 $0x1BF5;
	[smem:$0x3FBC] =	sst s0  }
0x18: {  	s0 =	sld [smem:$0x3F9F];
	_ =	swait.ge [sflag:s4], $0x0  }
0x19: {  	s7 =	sld [smem:$0x3FA0]  }
0x1a: {  	s8 =	sadd.s32 $0xFFFFE003, lr  }
0x1b: {  	s9 =	sadd.s32 $0xFFFFFEF7, lr;
	s5 =	simm.s32 $0xFFFFFFFF;
	p2 =	slt.u32 s8, $0xFFFFF086  }
0x1c: {  	p1 =	slt.u32 s9, $0xF7A;
	s5 =	simm.s32 @!p2 $0x0  }
0x1d: {  	s5 =	simm.s32 @p1 $0x1;
	p0 =	seq.s32 s7, s2  }
0x1e: {  	s7 =	smul.u32 @!p0 $0xF7A, s2;
	p2 =	seq.s32 @!p0 s5, $0x0  }
0x1f: {  	s9 =	smul.u32 $0xF7A, s1;
	s8 =	simm.s32 @!p0 $0x1BF5;
	p2 =	por !p2, p0  }
0x20: {  	[sflag:s8] =	ssyncset.s32 @!p0 $0xFFFFF086;
	s6 =	sadd.s32 @!p0 s3, s7;
	s7 =	simm.s32 @!p0 $0x108  }
0x21: {  	s3 =	sadd.s32 s3, s9;
	s6 =	sadd.s32 @!p0 $0x88, s6;
	s7 =	simm.s32 @p2 $0x1082  }
0x22: {  	[simem:s7], [sflag:s8] =	dma.local @!p0 [hbm:s6], $0xF7A  }
0x23: {  	s9 =	sor.u32 $0xD0000000, s2;
	s6 =	simm.s32 $0x108;
	_ =	swait.ge @!p0 [sflag:s8], $0x0  }
0x24: {  	s3 =	sadd.s32 $0x88, s3;
	s6 =	simm.s32 @!p1 $0x1082;
	[sflag:s4] =	ssyncset.s32 $0xFFFFF086  }
0x25: {  	[simem:s6], [sflag:s4] =	dma.local [hbm:s3], $0xF7A  }
0x26: {  	[smem:$0x3FA0] =	sst s1;
	(tag) =	ssettag s2;
	_ =	strace s9  }
0x27: {  	s1 =	sld [smem:$0x3FB0]  }
0x28: {  	s2 =	sld [smem:$0x3FB1]  }
0x29: {  	s4 =	sld [smem:$0x3FB3]  }
0x2a: {  	p0 =	seq.s32 s5, $0x0;
	s5 =	sld [smem:$0x3FB4]  }
0x2b: {  	s6 =	sld [smem:$0x3FB5]  }
0x2c: {  	s7 =	sld [smem:$0x3FB6]  }
0x2d: {  	s3 =	simm.s32 $0x108;
	s8 =	sld [smem:$0x3FB7]  }
0x2e: {  	s3 =	simm.s32 @!p0 $0x1082;
	s9 =	sld [smem:$0x3FB8]  }
0x2f: {  	lr =	sadd.s32 s0, s3;
	s0 =	sld [smem:$0x3FAF]  }
0x30: {  	s3 =	sld [smem:$0x3FB2]  }
0x31: {  	[smem:$0x3FBB] =	sst s10  }
0x32: {  	s10 =	sld [smem:$0x3FB9];
	_ =	sdelay $0x3  }
0x33: {  	p0 =	seq.s32 s10, $0x1;
	s10 =	sld [smem:$0x3FBB];
	_ =	sdelay $0x3  }
0x34: {  	[smem:$0x3FBB] =	sst s10  }
0x35: {  	s10 =	sld [smem:$0x3FBA];
	_ =	sdelay $0x3  }
0x36: {  	p1 =	seq.s32 s10, $0x1;
	s10 =	sld [smem:$0x3FBB];
	_ =	sdelay $0x3  }
0x37: {  	[smem:$0x3FBB] =	sst s10  }
0x38: {  	s10 =	sld [smem:$0x3FBC]  }
0x39: {  	_ = 	snop;
	(pc) =	sbr.ind lr, $3  }
0x3a: {  	_ = 	snop  }
0x3b: {  	_ = 	snop  }
0x3c: {  	p2 =	seq.s32 s10, $0x1;
	s10 =	sld [smem:$0x3FBB]  }
0x3d: {  	_ =	shalt  }
0x3e: {  	_ =	shalt  }
0x3f: {  	_ =	shalt  }
0x40: {  	_ =	shalt  }
0x41: {  	_ =	shalt  }
0x42: {  	_ =	shalt  }
0x43: {  	_ =	shalt  }
0x44: {  	_ =	shalt  }
0x45: {  	_ =	shalt  }
0x46: {  	_ =	shalt  }
0x47: {  	_ =	shalt  }
0x48: {  	_ =	shalt  }
0x49: {  	_ =	shalt  }
0x4a: {  	_ =	shalt  }
0x4b: {  	_ =	shalt  }
0x4c: {  	_ =	shalt  }
0x4d: {  	_ =	shalt  }
0x4e: {  	_ =	shalt  }
0x4f: {  	_ =	shalt  }
0x50: {  	_ =	shalt  }
0x51: {  	_ =	shalt  }
0x52: {  	_ =	shalt  }
0x53: {  	_ =	shalt  }
0x54: {  	_ =	shalt  }
0x55: {  	_ =	shalt  }
0x56: {  	_ =	shalt  }
0x57: {  	_ =	shalt  }
0x58: {  	_ =	shalt  }
0x59: {  	_ =	shalt  }
0x5a: {  	_ =	shalt  }
0x5b: {  	_ =	shalt  }
0x5c: {  	_ =	shalt  }
0x5d: {  	_ =	shalt  }
0x5e: {  	_ =	shalt  }
0x5f: {  	_ =	shalt  }
0x60: {  	_ =	shalt  }
0x61: {  	_ =	shalt  }
0x62: {  	_ =	shalt  }
0x63: {  	_ =	shalt  }
0x64: {  	_ =	shalt  }
0x65: {  	_ =	shalt  }
0x66: {  	_ =	shalt  }
0x67: {  	_ =	shalt  }
0x68: {  	_ =	shalt  }
0x69: {  	_ =	shalt  }
0x6a: {  	_ =	shalt  }
0x6b: {  	_ =	shalt  }
0x6c: {  	_ =	shalt  }
0x6d: {  	_ =	shalt  }
0x6e: {  	_ =	shalt  }
0x6f: {  	_ =	shalt  }
0x70: {  	_ =	shalt  }
0x71: {  	_ =	shalt  }
0x72: {  	_ =	shalt  }
0x73: {  	_ =	shalt  }
0x74: {  	_ =	shalt  }
0x75: {  	_ =	shalt  }
0x76: {  	_ =	shalt  }
0x77: {  	_ =	shalt  }
0x78: {  	_ =	shalt  }
0x79: {  	_ =	shalt  }
0x7a: {  	_ =	shalt  }
0x7b: {  	_ =	shalt  }
0x7c: {  	_ =	shalt  }
0x7d: {  	_ =	shalt  }
0x7e: {  	_ =	shalt  }
0x7f: {  	_ =	shalt  }
0x80: {  	_ =	shalt  }
0x81: {  	_ =	shalt  }
0x82: {  	_ =	shalt  }
0x83: {  	_ =	shalt  }
0x84: {  	_ =	shalt  }
0x85: {  	_ =	shalt  }
0x86: {  	_ =	shalt  }
0x87: {  	_ =	shalt  }
.Lfunc_end0:
.L_simem_size_0:
called_computation_lowered:
.L_overlay_start_0:
0x88: {  	s2 =	sld [smem:$0x3FD9]  }
0x89: {  	s3 =	sld [smem:$0x3FFE];
	_ =	sdelay $0x1  }
0x8a: {  	s1 =	srdreg.scid  }
0x8b: {  	s0 =	sand.u32 $0x1, s1  }
0x8c: {  	s17 =	sshll.u32 s0, $0xA;
	s2 =	sadd.s32 s3, s2  }
0x8d: {  	s2 =	sadd.s32 s2, s17  }
0x8e: {  	[smem:$0x3FC7] =	sst s2  }
0x8f: {  	_ = 	snop  }
0x90: {  	s2 =	sld [smem:$0x3FC9];
	(tm) =	ssettm $0x1  }
0x91: {  	s18 =	sld [smem:$0x3FFB];
	_ =	sdelay $0x3  }
0x92: {  	_ =	strace s18  }
0x93: {  	s3 =	sld [smem:$0x3FFC];
	_ =	sdelay $0x3  }
0x94: {  	_ =	strace s3  }
0x95: {  	s3 =	sld [smem:$0x3FFD];
	_ =	sdelay $0x3  }
0x96: {  	_ =	strace s3  }
0x97: {  	_ =	strace $0x8FFFFFFF  }
0x98: {  	s19 =	sld [smem:$0x3FDB];
	_ =	sdelay $0x1  }
0x99: {  	s4 =	simm.s32 $_scs_section_size  }
0x9a: {  	s5 =	simm.s32 $_size__tile_overlayer_lowered;
	s6 =	simm.s32 $_tile_overlayer_lowered  }
0x9b: {  	s22 =	simm.s32 $0x1BFF;
	s21 =	sshll.u32 s6, $0x1;
	s3 =	sadd.s32 s4, s19  }
0x9c: {  	s7 =	simm.s32 $0x0;
	s20 =	sshll.u32 s5, $0x1;
	s5 =	sadd.s32 s21, s3  }
0x9d: {  	[timem:s7], [sflag:s22] =	dma.local [hbm:s5], s20  }
0x9e: {  	_ =	swait.ge [sflag:s22], s20  }
0x9f: {  	s4 =	ssub.s32 $0x0, s20;
	[sflag:s22] =	ssyncset.done $0x0  }
0xa0: {  	[sflag:s22] =	ssyncadd.s32 s4;
	_ =	sdelay $0x1  }
0xa1: {  	s23 =	simm.s32 $0x1B8B  }
0xa2: {  	_ =	swait.ge [sflag:s23], $0x1  }
0xa3: {  	[sflag:s23] =	ssyncset.done $0x0  }
0xa4: {  	s25 =	simm.s32 $0x1B8E;
	s24 =	sld [smem:$0x3FFE];
	[sflag:s23] =	ssyncadd.s32 $0xFFFFFFFF  }
0xa5: {  	s26 =	simm.s32 $execute0_lowered;
	[smem:$0x3FD2] =	sst s25  }
0xa6: {  	s5 =	sshll.u32 s26, $0x1;
	_ =	strace $0x80000046;
	[dreg:$0x1] =	wrdreg $0xFFFFFFFF  }
0xa7: {  	s28 =	simm.s32 $_size_execute0_lowered;
	s3 =	sadd.s32 s3, s5;
	[dreg:$0x0] =	wrdreg $0x0  }
0xa8: {  	s5 =	sshll.u32 s28, $0x1;
	[dreg:$0x2] =	wrdreg s3  }
0xa9: {  	[dreg:$0x3] =	wrdreg s5  }
0xaa: {  	[dreg:$0x4] =	wrdreg $0xC0  }
0xab: {  	_ =	task [dreg:s7], $0x5FFFF  }
0xac: {  	[dreg:$0x1] =	wrdreg $0xFFFFFFFF  }
0xad: {  	[dreg:$0x0] =	wrdreg $0x60  }
0xae: {  	[dreg:$0x2] =	wrdreg s2  }
0xaf: {  	[dreg:$0x3] =	wrdreg s24  }
0xb0: {  	[dreg:$0x4] =	wrdreg $0x101000  }
0xb1: {  	[dreg:$0x5] =	wrdreg $0x101100  }
0xb2: {  	[dreg:$0x6] =	wrdreg $0x9  }
0xb3: {  	_ =	task.clear_ibuf [dreg:s7], $0x7FFFF;
	_ =	strace $0x90000046  }
0xb4: {  	s29 =	simm.s32 $0x9;
	_ =	strace $0x80000048  }
0xb5: {  	_ =	swait.ge [sflag:s29], $0x1  }
0xb6: {  	[sflag:s29] =	ssyncadd.s32 $0xFFFFFFFF  }
0xb7: {  	_ =	strace $0x90000048  }
0xb8: {  	_ =	sfence  }
0xb9: {  	s30 =	sld [smem:$0x0];
	_ =	sdelay $0x2  }
0xba: {  	s31 =	sshll.u32 s1, $0xD;
	s1 =	sshrl.u32 s1, $0x2  }
0xbb: {  	s3 =	sand.u32 $0x4000, s31;
	s1 =	sadd.s32 s1, s30  }
0xbc: {  	s0 =	sor.u32 s3, s0;
	s1 =	sshll.u32 s1, $0x11  }
0xbd: {  	s0 =	sor.u32 s1, s0  }
0xbe: {  	s0 =	sadd.s32 $0x8F2B, s0  }
0xbf: {  	[sflag:s0] =	ssyncadd.remote.s32 $0x1  }
0xc0: {  	_ =	sfence.sel $0xFFFF  }
0xc1: {  	[dreg:$0x0] =	wrdreg $0xFFFFFFFF;
	(pc) =	sbr.abs _section_cstart, $3  }
0xc2: {  	[dreg:$0x1] =	wrdreg $0xFFFFFFFF  }
0xc3: {  	_ =	task.clear_ibuf [dreg:s7], $0x2FFFF;
	_ =	strace $0x9FFFFFFF  }
0xc4: {  	(tm) =	ssettm $0x7FFFFFFF  }
0xc5: {  	_ =	shalt  }
tec
execute0_lowered:
.L_overlay_start_1:
0x0: {  	(tag) =	ssettag $0x1  }
0x1: {  	s0 =	srdreg.scid  }
0x2: {  	s4 =	sand.u32 $0x1, s0  }
0x3: {  	s14 =	stileid.u32;
	s5 =	sshll.u32 s4, $0x4  }
0x4: {  	s24 =	sand.u32 $0x3, s14;
	s6 =	sor.u32 s14, s5  }
0x5: {  	p1 =	sne.s32 s24, $0x0;
	p0 =	seq.s32 s6, $0x0  }
0x6: {  	p0 =	por !p1, !p0  }
0x7: {  	s1 =	simm.s32 $0x1;
	p0 =	por !p0, !p0  }
0x8: {  	s2 =	sshrl.u32 s6, $0x2;
	s1 =	simm.s32 @!p0 $0x0  }
0x9: {  	v0 =	vimm.s32 $0xBA98FEDC;
	s1 =	ssub.s32 s2, s1  }
0xa: {  	v1 =	vimm.s32 $0x32107654;
	v55 =	vimm.s32 $0x76543210;
	s0 =	sshll.u32 s24, $0xD;
	s1 =	sshll.u32 s1, $0x12  }
0xb: {  	v3 =	vimm.s32 $0xFEDCBA98;
	v4 =	vimm.s32 $0xDCFE98BA;
	v57 =	vimm.s32 $0x54761032;
	s8 =	sor.u32 s0, s1  }
0xc: {  	v5 =	vimm.s32 $0xEFCDAB89;
	v6 =	vimm.s32 $0x67452301;
	v0 =	vunpack.c.l.s4.s8 v0;
	s25 =	sor.u32 $0x10000, s8  }
0xd: {  	v1 =	vunpack.c.l.s4.s8 v1;
	v56 =	vunpack.c.l.s4.s8 v4;
	s3 =	sor.u32 $0x18000, s8;
	v2 =	vmov s25  }
0xe: {  	s7 =	rddreg [dreg:$0x0];
	v4 =	vunpack.c.l.s4.s8 v57;
	v3 =	vunpack.c.l.s4.s8 v3;
	s10 =	sor.u32 $0x20000, s8;
	v51 =	vmov s3;
	[tilespmem:$0x1FF30] =	vst v2  }
0xf: {  	s9 =	rddreg [dreg:$0x1];
	v0 =	vunpack.c.0.s8.s32 v0;
	v1 =	vunpack.c.0.s8.s32 v1;
	s2 =	simm.s32 $0x0;
	s11 =	sor.u32 $0x28000, s8;
	v52 =	vmov s10;
	[tilespmem:$0x1FF40] =	vst v51  }
0x10: {  	v5 =	vunpack.c.l.s4.s8 v5;
	v6 =	vunpack.c.l.s4.s8 v6;
	[smem:$0x7FF] =	sst s2;
	s26 =	sor.u32 $0x30000, s8;
	v53 =	vmov s11;
	[tilespmem:$0x1FF50] =	vst v52  }
0x11: {  	v4 =	vunpack.c.0.s8.s32 v4;
	v0 =	vcombine.low v1, v0;
	s0 =	rddreg [dreg:$0x2];
	s1 =	sor.u32 $0x8000, s8;
	s31 =	sor.u32 $0x38000, s8;
	v54 =	vmov s26;
	[tilespmem:$0x1FF60] =	vst v53  }
0x12: {  	s13 =	simm.s32 $0x2;
	v1 =	vunpack.c.0.s8.s32 v56;
	v8 =	vmov s1;
	s1 =	rddreg [dreg:$0x3];
	v58 =	vmov s31;
	[tilespmem:$0x1FF70] =	vst v54  }
0x13: {  	s15 =	simm.s32 $0x10080;
	v5 =	vunpack.c.0.s8.s32 v5;
	v6 =	vunpack.c.0.s8.s32 v6;
	v7 =	vmov s8;
	s3 =	rddreg [dreg:$0x4];
	_ =	strace $0x80000047;
	[tilespmem:$0x1FF80] =	vst v58  }
0x14: {  	s16 =	simm.s32 $0x3;
	s17 =	simm.s32 $0x10120;
	s18 =	simm.s32 $0x10220;
	v1 =	vcombine.low v4, v1;
	v2 =	vunpack.c.l.s4.s8 v55;
	[tilespmem:$0x1FF90] =	vst v7  }
0x15: {  	s19 =	simm.s32 $0x0;
	s30 =	sshll.u32 s14, $0x4;
	s4 =	ssub.s32 $0x2, s4;
	v3 =	vunpack.c.0.s8.s32 v3;
	v59 =	vcombine.low v6, v5;
	v0 =	vand.u32 $0xF, v0;
	[tilespmem:$0x1FFA0] =	vst v8  }
0x16: {  	v60 =	vlaneseq.u32;
	s28 =	sshrl.u32 s4, $0x1;
	s29 =	sadd.s32 s5, s9;
	s6 =	sshll.u32 s6, $0xD;
	v61 =	vand.u32 $0xF, v1;
	[tilespmem:$0x1FFC0] =	vst v0;
	v2 =	vunpack.c.0.s8.s32 v2  }
0x17: {  	v63 =	vmul.u32 $0x10, v60;
	s5 =	simm.s32 $0x1;
	s12 =	ssub.s32 s4, s28;
	s4 =	sadd.s32 s7, s6;
	v3 =	vand.u32 $0xF, v3;
	v62 =	vand.u32 $0xF, v59;
	[tilespmem:$0x1FFD0] =	vst v61  }
0x18: {  	s9 =	sadd.s32 $0xC00, s29;
	s6 =	sadd.s32 $0x1000, s4;
	p0 =	sne.s32 s14, $0x0;
	[tilespmem:$0x1FFE0] =	vst v62;
	v2 =	vcombine.low v3, v2  }
0x19: {  	s14 =	simm.s32 $0x10000;
	s7 =	sadd.s32 s30, s0;
	s10 =	sadd.s32 $0xE00, s29;
	[tilespmem:$0x1FFF0] =	vst v63  }
0x1a: {  	s11 =	smax.u32 s12, $0x1;
	s12 =	simm.s32 $0x8000;
	s8 =	sadd.s32 s30, s1;
	vm0 =	vlt.s32 v8, v7;
	[tilespmem:$0x1FFB0] =	vst v2  }
.LBB2_1:
0x1b: {  	[tilespmem:s2], [sflag:$0x1] =	stream.linear.gather [hbm4b:s4+s2], $0x8000, $0x38;
	[tilespmem:$0x10320] =	vst v63  }
0x1c: {  	_ =	swait.ge [sflag:s5], $0x8000  }
0x1d: {  	[sflag:s5] =	ssyncset.done $0x0  }
0x1e: {  	s21 =	simm.s32 $0x400;
	[sflag:s5] =	ssyncadd.s32 $0xFFFF8000  }
0x1f: {  	[tilespmem:s12], [sflag:$0x2] =	stream.linear.gather [hbm4b:s6+s2], $0x8000, $0x38;
	[tilespmem:$0x10320] =	vst v63  }
0x20: {  	v0 =	vld [tilespmem:s21+$0x170];
	_ =	sdelay $0x3  }
0x21: {  	v17 =	vld [tilespmem:s21+$0x70]  }
0x22: {  	v22 =	vld [tilespmem:s21+$0xF0];
	[tilespmem:$0x1FEB0] =	vst v0  }
0x23: {  	v0 =	vld [tilespmem:s21+$0x1F0];
	_ =	sdelay $0x4  }
0x24: {  	[tilespmem:$0x1FEC0] =	vst v0  }
0x25: {  	v0 =	vld [tilespmem:s21+$0x270];
	_ =	sdelay $0x4  }
0x26: {  	[tilespmem:$0x1FED0] =	vst v0  }
0x27: {  	v0 =	vld [tilespmem:s21+$0x2F0];
	_ =	sdelay $0x4  }
0x28: {  	[tilespmem:$0x1FDA0] =	vst v0  }
0x29: {  	v0 =	vld [tilespmem:s21+$0x370];
	_ =	sdelay $0x4  }
0x2a: {  	[tilespmem:$0x1FDB0] =	vst v0  }
0x2b: {  	v0 =	vld [tilespmem:s21+$0x160];
	_ =	sdelay $0x3  }
0x2c: {  	v34 =	vld [tilespmem:s21+$0x60]  }
0x2d: {  	v35 =	vld [tilespmem:s21+$0xE0];
	[tilespmem:$0x1FE80] =	vst v0  }
0x2e: {  	v0 =	vld [tilespmem:s21+$0x1E0];
	_ =	sdelay $0x4  }
0x2f: {  	[tilespmem:$0x1FE90] =	vst v0  }
0x30: {  	v0 =	vld [tilespmem:s21+$0x260];
	_ =	sdelay $0x4  }
0x31: {  	[tilespmem:$0x1FEA0] =	vst v0  }
0x32: {  	v0 =	vld [tilespmem:s21+$0x2E0];
	_ =	sdelay $0x4  }
0x33: {  	[tilespmem:$0x1FDC0] =	vst v0  }
0x34: {  	v0 =	vld [tilespmem:s21+$0x360];
	_ =	sdelay $0x4  }
0x35: {  	[tilespmem:$0x1FDD0] =	vst v0  }
0x36: {  	v0 =	vld [tilespmem:s21+$0x150];
	_ =	sdelay $0x3  }
0x37: {  	v36 =	vld [tilespmem:s21+$0x50]  }
0x38: {  	v37 =	vld [tilespmem:s21+$0xD0];
	[tilespmem:$0x1FE50] =	vst v0  }
0x39: {  	v0 =	vld [tilespmem:s21+$0x1D0];
	_ =	sdelay $0x4  }
0x3a: {  	[tilespmem:$0x1FE60] =	vst v0  }
0x3b: {  	v0 =	vld [tilespmem:s21+$0x250];
	_ =	sdelay $0x4  }
0x3c: {  	[tilespmem:$0x1FE70] =	vst v0  }
0x3d: {  	v0 =	vld [tilespmem:s21+$0x2D0];
	_ =	sdelay $0x4  }
0x3e: {  	[tilespmem:$0x1FDE0] =	vst v0  }
0x3f: {  	v0 =	vld [tilespmem:s21+$0x350];
	_ =	sdelay $0x4  }
0x40: {  	[tilespmem:$0x1FDF0] =	vst v0  }
0x41: {  	v0 =	vld [tilespmem:s21+$0x2C0]  }
0x42: {  	v38 =	vld [tilespmem:s21+$0x40]  }
0x43: {  	v39 =	vld [tilespmem:s21+$0xC0]  }
0x44: {  	v25 =	vld [tilespmem:s21+$0x140]  }
0x45: {  	v27 =	vld [tilespmem:s21+$0x1C0]  }
0x46: {  	v28 =	vld [tilespmem:s21+$0x240];
	[tilespmem:$0x1FE00] =	vst v0  }
0x47: {  	v0 =	vld [tilespmem:s21+$0x340];
	_ =	sdelay $0x4  }
0x48: {  	[tilespmem:$0x1FE10] =	vst v0  }
0x49: {  	v0 =	vld [tilespmem:s21+$0x2B0]  }
0x4a: {  	v40 =	vld [tilespmem:s21+$0x30]  }
0x4b: {  	v41 =	vld [tilespmem:s21+$0xB0]  }
0x4c: {  	v18 =	vld [tilespmem:s21+$0x130]  }
0x4d: {  	v23 =	vld [tilespmem:s21+$0x1B0]  }
0x4e: {  	v30 =	vld [tilespmem:s21+$0x230];
	[tilespmem:$0x1FE20] =	vst v0  }
0x4f: {  	v0 =	vld [tilespmem:s21+$0x330];
	_ =	sdelay $0x4  }
0x50: {  	[tilespmem:$0x1FE30] =	vst v0  }
0x51: {  	v42 =	vld [tilespmem:s21+$0x20]  }
0x52: {  	v43 =	vld [tilespmem:s21+$0xA0]  }
0x53: {  	v16 =	vld [tilespmem:s21+$0x120]  }
0x54: {  	v19 =	vld [tilespmem:s21+$0x1A0]  }
0x55: {  	v31 =	vld [tilespmem:s21+$0x220]  }
0x56: {  	v32 =	vld [tilespmem:s21+$0x2A0]  }
0x57: {  	v33 =	vld [tilespmem:s21+$0x320]  }
0x58: {  	v0 =	vld [tilespmem:s21+$0x290]  }
0x59: {  	v44 =	vld [tilespmem:s21+$0x10]  }
0x5a: {  	v45 =	vld [tilespmem:s21+$0x90]  }
0x5b: {  	v46 =	vld [tilespmem:s21+$0x110]  }
0x5c: {  	v47 =	vld [tilespmem:s21+$0x190]  }
0x5d: {  	v48 =	vld [tilespmem:s21+$0x210];
	[tilespmem:$0x1FF10] =	vst v0  }
0x5e: {  	v0 =	vld [tilespmem:s21+$0x310];
	_ =	sdelay $0x4  }
0x5f: {  	[tilespmem:$0x1FF20] =	vst v0  }
0x60: {  	v0 =	vld [tilespmem:s21+$0x280]  }
0x61: {  	v49 =	vld [tilespmem:s21+$0x0]  }
0x62: {  	v50 =	vld [tilespmem:s21+$0x80]  }
0x63: {  	v51 =	vld [tilespmem:s21+$0x100]  }
0x64: {  	v52 =	vld [tilespmem:s21+$0x180]  }
0x65: {  	v53 =	vld [tilespmem:s21+$0x200];
	[tilespmem:$0x1FEF0] =	vst v0  }
0x66: {  	v0 =	vld [tilespmem:s21+$0x300];
	_ =	sdelay $0x4  }
0x67: {  	[tilespmem:$0x1FF00] =	vst v0  }
0x68: {  	v0 =	vld [tilespmem:s21+$0xFFFFFEF0]  }
0x69: {  	v54 =	vld [tilespmem:s21+$0xFFFFFC70]  }
0x6a: {  	v55 =	vld [tilespmem:s21+$0xFFFFFCF0]  }
0x6b: {  	v56 =	vld [tilespmem:s21+$0xFFFFFD70]  }
0x6c: {  	v57 =	vld [tilespmem:s21+$0xFFFFFDF0]  }
0x6d: {  	v58 =	vld [tilespmem:s21+$0xFFFFFE70];
	[tilespmem:$0x1FEE0] =	vst v0  }
0x6e: {  	v26 =	vld [tilespmem:s21+$0xFFFFFF70]  }
0x6f: {  	v59 =	vld [tilespmem:s21+$0xFFFFFC60]  }
0x70: {  	v60 =	vld [tilespmem:s21+$0xFFFFFCE0]  }
0x71: {  	v61 =	vld [tilespmem:s21+$0xFFFFFD60]  }
0x72: {  	v62 =	vld [tilespmem:s21+$0xFFFFFDE0]  }
0x73: {  	v63 =	vld [tilespmem:s21+$0xFFFFFE60]  }
0x74: {  	v24 =	vld [tilespmem:s21+$0xFFFFFEE0]  }
0x75: {  	v21 =	vld [tilespmem:s21+$0xFFFFFF60]  }
0x76: {  	v10 =	vld [tilespmem:s21+$0xFFFFFC50]  }
0x77: {  	v9 =	vld [tilespmem:s21+$0xFFFFFCD0]  }
0x78: {  	v14 =	vld [tilespmem:s21+$0xFFFFFD50]  }
0x79: {  	v12 =	vld [tilespmem:s21+$0xFFFFFDD0]  }
0x7a: {  	v13 =	vld [tilespmem:s21+$0xFFFFFE50]  }
0x7b: {  	v8 =	vld [tilespmem:s21+$0xFFFFFC40]  }
0x7c: {  	v7 =	vld [tilespmem:s21+$0xFFFFFC30]  }
0x7d: {  	v6 =	vld [tilespmem:s21+$0xFFFFFC20]  }
0x7e: {  	v2 =	vld [tilespmem:s21+$0xFFFFFC10]  }
0x7f: {  	v15 =	vld [tilespmem:s21+$0xFFFFFC00]  }
0x80: {  	v0 =	vld [tilespmem:s21+$0xFFFFFC80]  }
0x81: {  	v1 =	vld [tilespmem:s21+$0xFFFFFC90]  }
0x82: {  	v3 =	vld [tilespmem:s21+$0xFFFFFCA0]  }
0x83: {  	v4 =	vld [tilespmem:s21+$0xFFFFFCB0]  }
0x84: {  	v5 =	vld [tilespmem:s21+$0xFFFFFCC0]  }
0x85: {  	v11 =	vimm.f32 $-Inf;
	v29 =	vld [tilespmem:s21+$0xFFFFFE00]  }
0x86: {  	v20 =	vmax.f32 v15, v11;
	v0 =	vmax.f32 v0, v11;
	v15 =	vld [tilespmem:s21+$0xFFFFFED0]  }
0x87: {  	v0 =	vmax.f32 v1, v0;
	v1 =	vld [tilespmem:s21+$0xFFFFFD40]  }
0x88: {  	v2 =	vmax.f32 v2, v20;
	v20 =	vld [tilespmem:$0x1FE50]  }
0x89: {  	v0 =	vmax.f32 v3, v0;
	v3 =	vld [tilespmem:s21+$0xFFFFFDC0]  }
0x8a: {  	v2 =	vmax.f32 v6, v2;
	v6 =	vld [tilespmem:s21+$0xFFFFFD20]  }
0x8b: {  	v0 =	vmax.f32 v4, v0;
	v4 =	vld [tilespmem:s21+$0xFFFFFD30]  }
0x8c: {  	v2 =	vmax.f32 v7, v2;
	v7 =	vld [tilespmem:s21+$0xFFFFFDA0];
	v0 =	vmax.f32 v5, v0  }
0x8d: {  	v2 =	vmax.f32 v8, v2;
	v5 =	vld [tilespmem:s21+$0xFFFFFDB0];
	v0 =	vmax.f32 v9, v0  }
0x8e: {  	v8 =	vld [tilespmem:s21+$0xFFFFFD10];
	v2 =	vmax.f32 v10, v2;
	v0 =	vmax.f32 v60, v0  }
0x8f: {  	v9 =	vld [tilespmem:s21+$0xFFFFFD90];
	v2 =	vmax.f32 v59, v2;
	v0 =	vmax.f32 v55, v0  }
0x90: {  	v10 =	vld [tilespmem:s21+$0xFFFFFD00];
	v2 =	vmax.f32 v54, v2;
	v0 =	vmax.f32 v50, v0  }
0x91: {  	v59 =	vld [tilespmem:s21+$0xFFFFFE10];
	v2 =	vmax.f32 v49, v2;
	v0 =	vmax.f32 v45, v0  }
0x92: {  	v60 =	vld [tilespmem:s21+$0xFFFFFE20];
	v2 =	vmax.f32 v44, v2;
	v0 =	vmax.f32 v43, v0  }
0x93: {  	v55 =	vld [tilespmem:s21+$0xFFFFFD80];
	v2 =	vmax.f32 v42, v2;
	v0 =	vmax.f32 v41, v0  }
0x94: {  	v42 =	vmax.f32 v29, v11;
	v29 =	vld [tilespmem:$0x1FE90];
	v2 =	vmax.f32 v40, v2;
	v0 =	vmax.f32 v39, v0  }
0x95: {  	v40 =	vld [tilespmem:s21+$0xFFFFFE30];
	v2 =	vmax.f32 v38, v2;
	v0 =	vmax.f32 v37, v0  }
0x96: {  	v2 =	vmax.f32 v36, v2;
	v36 =	vld [tilespmem:$0x1FED0];
	v0 =	vmax.f32 v35, v0  }
0x97: {  	v2 =	vmax.f32 v34, v2;
	v34 =	vld [tilespmem:$0x1FEB0];
	v0 =	vmax.f32 v22, v0  }
0x98: {  	v35 =	vld [tilespmem:$0x1FEC0];
	[tilespmem:$0x1FE40] =	vst v0  }
0x99: {  	v0 =	vld [tilespmem:s21+$0xFFFFFE40]  }
0x9a: {  	v41 =	vmax.f32 v10, v11;
	v10 =	vmax.f32 v55, v11;
	v22 =	vld [tilespmem:s21+$0xFFFFFF50]  }
0x9b: {  	v50 =	vmax.f32 v17, v2;
	v2 =	vmax.f32 v8, v41;
	v8 =	vmax.f32 v9, v10;
	v10 =	vld [tilespmem:s21+$0xFFFFFEC0]  }
0x9c: {  	v43 =	vmax.f32 v7, v8;
	v8 =	vld [tilespmem:s21+$0xFFFFFF40]  }
0x9d: {  	v54 =	vld [tilespmem:s21+$0xFFFFFEB0]  }
0x9e: {  	v9 =	vmax.f32 v59, v42;
	v59 =	vld [tilespmem:s21+$0xFFFFFF30]  }
0x9f: {  	v44 =	vmax.f32 v60, v9;
	v60 =	vld [tilespmem:s21+$0xFFFFFEA0]  }
0xa0: {  	v9 =	vld [tilespmem:s21+$0xFFFFFF10]  }
0xa1: {  	v2 =	vmax.f32 v6, v2;
	v45 =	vmax.f32 v5, v43;
	v37 =	vld [tilespmem:s21+$0xFFFFFFC0]  }
0xa2: {  	v2 =	vmax.f32 v4, v2;
	v43 =	vld [tilespmem:s21+$0xFFFFFFF0];
	v55 =	vmax.f32 v3, v45  }
0xa3: {  	v1 =	vmax.f32 v1, v2;
	v2 =	vmax.f32 v12, v55;
	v12 =	vld [tilespmem:s21+$0xFFFFFE80]  }
0xa4: {  	v1 =	vmax.f32 v14, v1;
	v14 =	vld [tilespmem:s21+$0xFFFFFF80]  }
0xa5: {  	v49 =	vmax.f32 v40, v44;
	v1 =	vmax.f32 v61, v1;
	v2 =	vmax.f32 v62, v2;
	v61 =	vld [tilespmem:s21+$0xFFFFFF20]  }
0xa6: {  	v62 =	vld [tilespmem:s21+$0xFFFFFE90];
	v1 =	vmax.f32 v56, v1;
	v2 =	vmax.f32 v57, v2;
	v0 =	vmax.f32 v0, v49  }
0xa7: {  	v1 =	vmax.f32 v51, v1;
	v2 =	vmax.f32 v52, v2;
	v0 =	vmax.f32 v13, v0;
	v13 =	vld [tilespmem:s21+$0xFFFFFF00]  }
0xa8: {  	v1 =	vmax.f32 v46, v1;
	v2 =	vmax.f32 v47, v2;
	v47 =	vld [tilespmem:s21+$0x380];
	v0 =	vmax.f32 v63, v0  }
0xa9: {  	v1 =	vmax.f32 v16, v1;
	v63 =	vld [tilespmem:s21+$0xFFFFFF90];
	v0 =	vmax.f32 v58, v0  }
0xaa: {  	v2 =	vmax.f32 v19, v2;
	v39 =	vmax.f32 v12, v11;
	v12 =	vld [tilespmem:s21+$0xFFFFFFD0];
	v0 =	vmax.f32 v53, v0  }
0xab: {  	v1 =	vmax.f32 v18, v1;
	v2 =	vmax.f32 v23, v2;
	v23 =	vld [tilespmem:$0x1FE60];
	v0 =	vmax.f32 v48, v0  }
0xac: {  	v1 =	vmax.f32 v25, v1;
	v25 =	vld [tilespmem:$0x1FE70];
	v0 =	vmax.f32 v31, v0  }
0xad: {  	v2 =	vmax.f32 v27, v2;
	v27 =	vld [tilespmem:s21+$0xFFFFFFA0];
	v0 =	vmax.f32 v30, v0  }
0xae: {  	v0 =	vmax.f32 v28, v0;
	v28 =	vld [tilespmem:$0x1FE80]  }
0xaf: {  	v48 =	vld [tilespmem:s21+$0x390]  }
0xb0: {  	v40 =	vmax.f32 v13, v11;
	v11 =	vmax.f32 v14, v11;
	v30 =	vld [tilespmem:$0x1FEA0]  }
0xb1: {  	v1 =	vmax.f32 v20, v1;
	v31 =	vld [tilespmem:s21+$0xFFFFFFB0];
	v41 =	vmax.f32 v63, v11;
	v2 =	vmax.f32 v23, v2  }
0xb2: {  	v63 =	vld [tilespmem:$0x1FF20];
	v0 =	vmax.f32 v25, v0;
	v2 =	vmax.f32 v29, v2;
	v42 =	vmax.f32 v27, v41  }
0xb3: {  	v46 =	vmax.f32 v35, v2;
	v2 =	vmax.f32 v9, v40;
	v9 =	vld [tilespmem:s21+$0xFFFFFFE0];
	v1 =	vmax.f32 v28, v1  }
0xb4: {  	v2 =	vmax.f32 v61, v2;
	v61 =	vld [tilespmem:$0x1FF00];
	v45 =	vmax.f32 v34, v1;
	v1 =	vmax.f32 v62, v39  }
0xb5: {  	v0 =	vmax.f32 v30, v0;
	v2 =	vmax.f32 v59, v2;
	v59 =	vld [tilespmem:$0x1FEE0];
	v1 =	vmax.f32 v60, v1  }
0xb6: {  	v44 =	vmax.f32 v31, v42;
	v38 =	vmax.f32 v36, v0;
	v60 =	vld [tilespmem:$0x1FEF0];
	v1 =	vmax.f32 v54, v1  }
0xb7: {  	v2 =	vmax.f32 v8, v2;
	v0 =	vmax.f32 v37, v44;
	v62 =	vld [tilespmem:$0x1FF10];
	v1 =	vmax.f32 v10, v1  }
0xb8: {  	v49 =	vld [tilespmem:s21+$0x3A0];
	v2 =	vmax.f32 v22, v2;
	v0 =	vmax.f32 v12, v0;
	v1 =	vmax.f32 v15, v1  }
0xb9: {  	v52 =	vld [tilespmem:s21+$0x3E0];
	v2 =	vmax.f32 v21, v2;
	v0 =	vmax.f32 v9, v0;
	v1 =	vmax.f32 v24, v1  }
0xba: {  	v14 =	vld [tilespmem:s21+$0x3B0];
	v2 =	vmax.f32 v26, v2;
	v0 =	vmax.f32 v43, v0;
	v1 =	vmax.f32 v59, v1  }
0xbb: {  	v13 =	vld [tilespmem:s21+$0x3D0];
	v2 =	vmax.f32 v61, v2;
	v0 =	vmax.f32 v47, v0;
	v1 =	vmax.f32 v60, v1  }
0xbc: {  	v10 =	vld [tilespmem:s21+$0x3C0];
	v2 =	vmax.f32 v63, v2;
	v0 =	vmax.f32 v48, v0;
	v1 =	vmax.f32 v62, v1  }
0xbd: {  	s20 =	simm.s32 $0x0;
	v58 =	vmax.f32 v33, v2;
	v57 =	vmax.f32 v49, v0;
	v49 =	vld [tilespmem:s21+$0x3F0];
	s21 =	simm.s32 $0xC00;
	v59 =	vmax.f32 v32, v1  }
.LBB2_2:
0xbe: {  	v37 =	vmov v50;
	v50 =	vld [tilespmem:s21+$0x70]  }
0xbf: {  	v0 =	vld [tilespmem:$0x1FE20]  }
0xc0: {  	v1 =	vld [tilespmem:$0x1FE30]  }
0xc1: {  	v51 =	vld [tilespmem:s21+$0xF0]  }
0xc2: {  	v3 =	vld [tilespmem:$0x1FE00]  }
0xc3: {  	v42 =	vld [tilespmem:$0x1FE10]  }
0xc4: {  	v43 =	vld [tilespmem:s21+$0x170]  }
0xc5: {  	v44 =	vld [tilespmem:$0x1FDE0]  }
0xc6: {  	v47 =	vld [tilespmem:$0x1FDF0]  }
0xc7: {  	v48 =	vld [tilespmem:s21+$0x1F0]  }
0xc8: {  	v53 =	vld [tilespmem:$0x1FDC0]  }
0xc9: {  	v54 =	vld [tilespmem:$0x1FDD0]  }
0xca: {  	v55 =	vld [tilespmem:s21+$0x270]  }
0xcb: {  	v56 =	vld [tilespmem:$0x1FDA0]  }
0xcc: {  	v60 =	vld [tilespmem:s21+$0x370]  }
0xcd: {  	v61 =	vld [tilespmem:s21+$0x160]  }
0xce: {  	v62 =	vld [tilespmem:s21+$0x1E0]  }
0xcf: {  	v63 =	vld [tilespmem:s21+$0x260]  }
0xd0: {  	v4 =	vld [tilespmem:s21+$0x2E0]  }
0xd1: {  	v5 =	vld [tilespmem:s21+$0x360]  }
0xd2: {  	v8 =	vld [tilespmem:s21+$0x50]  }
0xd3: {  	v6 =	vld [tilespmem:s21+$0x150]  }
0xd4: {  	v7 =	vld [tilespmem:s21+$0x1D0]  }
0xd5: {  	v16 =	vld [tilespmem:s21+$0x250]  }
0xd6: {  	v17 =	vld [tilespmem:s21+$0x2D0]  }
0xd7: {  	v18 =	vld [tilespmem:s21+$0x350]  }
0xd8: {  	v19 =	vld [tilespmem:s21+$0x140]  }
0xd9: {  	v20 =	vld [tilespmem:s21+$0x1C0]  }
0xda: {  	v21 =	vld [tilespmem:s21+$0x2C0]  }
0xdb: {  	v22 =	vld [tilespmem:s21+$0x340]  }
0xdc: {  	v11 =	vld [tilespmem:s21+$0xB0]  }
0xdd: {  	v23 =	vld [tilespmem:s21+$0x2B0]  }
0xde: {  	v24 =	vld [tilespmem:s21+$0x330]  }
0xdf: {  	v25 =	vld [tilespmem:s21+$0x2A0]  }
0xe0: {  	v26 =	vld [tilespmem:s21+$0x320]  }
0xe1: {  	v27 =	vld [tilespmem:s21+$0x310]  }
0xe2: {  	v12 =	vld [tilespmem:s21+$0xFFFFFD70]  }
0xe3: {  	v15 =	vld [tilespmem:s21+$0xFFFFFE70]  }
0xe4: {  	v28 =	vld [tilespmem:s21+$0xFFFFFCE0]  }
0xe5: {  	v34 =	vld [tilespmem:s21+$0xFFFFFC50]  }
0xe6: {  	v29 =	vld [tilespmem:s21+$0xFFFFFCD0]  }
0xe7: {  	v35 =	vld [tilespmem:s21+$0xFFFFFD50]  }
0xe8: {  	v30 =	vld [tilespmem:s21+$0xFFFFFDD0]  }
0xe9: {  	v31 =	vld [tilespmem:s21+$0xFFFFFE50]  }
0xea: {  	v39 =	vld [tilespmem:s21+$0xFFFFFC40]  }
0xeb: {  	v40 =	vld [tilespmem:s21+$0xFFFFFC30]  }
0xec: {  	v41 =	vld [tilespmem:s21+$0xFFFFFC20]  }
0xed: {  	v32 =	vld [tilespmem:s21+$0xFFFFFC10]  }
0xee: {  	v9 =	vld [tilespmem:s21+$0xFFFFFC00]  }
0xef: {  	v33 =	vld [tilespmem:s21+$0xFFFFFCA0]  }
0xf0: {  	v36 =	vld [tilespmem:s21+$0xFFFFFCC0]  }
0xf1: {  	v2 =	vmax.f32 v14, v57;
	v57 =	vld [tilespmem:$0x1FDB0]  }
0xf2: {  	v14 =	vld [tilespmem:s21+$0xFFFFFDF0]  }
0xf3: {  	v0 =	vmax.f32 v0, v59;
	v59 =	vld [tilespmem:s21+$0x2F0]  }
0xf4: {  	[tilespmem:$0x1FDC0] =	vst v4;
	v4 =	vld [tilespmem:s21+$0x40]  }
0xf5: {  	[tilespmem:$0x1FDD0] =	vst v5;
	v5 =	vld [tilespmem:s21+$0xC0]  }
0xf6: {  	[tilespmem:$0x1FD10] =	vst v48;
	v48 =	vld [tilespmem:s21+$0x240]  }
0xf7: {  	v2 =	vmax.f32 v10, v2;
	v10 =	vld [tilespmem:s21+$0x30]  }
0xf8: {  	[tilespmem:$0x1FCC0] =	vst v16;
	v16 =	vld [tilespmem:s21+$0x20]  }
0xf9: {  	[tilespmem:$0x1FC80] =	vst v19;
	v19 =	vld [tilespmem:s21+$0xA0]  }
0xfa: {  	[tilespmem:$0x1FCD0] =	vst v61;
	v61 =	vld [tilespmem:s21+$0x1A0]  }
0xfb: {  	[tilespmem:$0x1FCF0] =	vst v63;
	v63 =	vld [tilespmem:s21+$0x220]  }
0xfc: {  	[tilespmem:$0x1FC90] =	vst v20;
	v20 =	vld [tilespmem:s21+$0x10]  }
0xfd: {  	[tilespmem:$0x1FE20] =	vst v23;
	v23 =	vld [tilespmem:s21+$0x90]  }
0xfe: {  	[tilespmem:$0x1FCA0] =	vst v6;
	v6 =	vld [tilespmem:s21+$0x290]  }
0xff: {  	[tilespmem:$0x1FD70] =	vst v27;
	v27 =	vld [tilespmem:s21+$0x0]  }
0x100: {  	[tilespmem:$0x1FE00] =	vst v21;
	v21 =	vld [tilespmem:s21+$0x80]  }
0x101: {  	[tilespmem:$0x1FCB0] =	vst v7;
	v7 =	vld [tilespmem:s21+$0x180]  }
0x102: {  	[tilespmem:$0x1FE30] =	vst v24;
	v24 =	vld [tilespmem:s21+$0xFFFFFC70]  }
0x103: {  	[tilespmem:$0x1FD80] =	vst v25;
	v25 =	vld [tilespmem:s21+$0xFFFFFCF0]  }
0x104: {  	[tilespmem:$0x1FD20] =	vst v55;
	v55 =	vld [tilespmem:s21+$0xFFFFFF70]  }
0x105: {  	[tilespmem:$0x1FD90] =	vst v26;
	v26 =	vld [tilespmem:s21+$0xFFFFFC60]  }
0x106: {  	[tilespmem:$0x1FDF0] =	vst v18;
	v18 =	vld [tilespmem:s21+$0xFFFFFD60]  }
0x107: {  	[tilespmem:$0x1FE10] =	vst v22;
	v22 =	vld [tilespmem:s21+$0xFFFFFDE0]  }
0x108: {  	[tilespmem:$0x1FDE0] =	vst v17;
	v17 =	vld [tilespmem:s21+$0xFFFFFE60]  }
0x109: {  	[tilespmem:$0x1FDB0] =	vst v60;
	v60 =	vld [tilespmem:s21+$0xFFFFFEE0]  }
0x10a: {  	[tilespmem:$0x1FCE0] =	vst v62;
	v62 =	vld [tilespmem:s21+$0xFFFFFF60]  }
0x10b: {  	[tilespmem:$0x1FD00] =	vst v43;
	v43 =	vld [tilespmem:s21+$0xFFFFFC90]  }
0x10c: {  	v37 =	vmax.f32 v9, v37;
	v9 =	vld [tilespmem:$0x1FE40]  }
0x10d: {  	v0 =	vmax.f32 v3, v0;
	v3 =	vld [tilespmem:s21+$0x210]  }
0x10e: {  	v1 =	vmax.f32 v1, v58;
	v2 =	vmax.f32 v13, v2;
	v13 =	vld [tilespmem:s21+$0x200]  }
0x10f: {  	v1 =	vmax.f32 v42, v1;
	v42 =	vld [tilespmem:s21+$0xFFFFFC80]  }
0x110: {  	v2 =	vmax.f32 v52, v2;
	v52 =	vld [tilespmem:s21+$0x130]  }
0x111: {  	v1 =	vmax.f32 v47, v1;
	v47 =	vld [tilespmem:s21+$0x280]  }
0x112: {  	v32 =	vmax.f32 v32, v37;
	v0 =	vmax.f32 v44, v0;
	v44 =	vld [tilespmem:s21+$0xFFFFFCB0]  }
0x113: {  	v32 =	vmax.f32 v41, v32;
	v41 =	vld [tilespmem:s21+$0xFFFFFDB0]  }
0x114: {  	v1 =	vmax.f32 v54, v1;
	v54 =	vld [tilespmem:s21+$0x1B0]  }
0x115: {  	v58 =	vmax.f32 v49, v2;
	v2 =	vld [tilespmem:s21+$0x190]  }
0x116: {  	v49 =	vld [tilespmem:s21+$0x300]  }
0x117: {  	v0 =	vmax.f32 v53, v0;
	v53 =	vld [tilespmem:s21+$0xFFFFFEF0]  }
0x118: {  	v32 =	vmax.f32 v40, v32;
	v40 =	vld [tilespmem:s21+$0xFFFFFD30]  }
0x119: {  	[tilespmem:$0x1FD50] =	vst v58;
	v58 =	vld [tilespmem:s21+$0xE0]  }
0x11a: {  	v0 =	vmax.f32 v56, v0;
	v56 =	vld [tilespmem:s21+$0x230]  }
0x11b: {  	v32 =	vmax.f32 v39, v32;
	v39 =	vld [tilespmem:s21+$0xFFFFFE00]  }
0x11c: {  	[tilespmem:$0x1FD30] =	vst v0;
	v0 =	vmax.f32 v57, v1;
	v57 =	vld [tilespmem:s21+$0x60]  }
0x11d: {  	[tilespmem:$0x1FDA0] =	vst v59;
	v59 =	vld [tilespmem:s21+$0x120]  }
0x11e: {  	v1 =	vld [tilespmem:s21+$0x110]  }
0x11f: {  	[tilespmem:$0x1FD60] =	vst v6;
	v6 =	vld [tilespmem:s21+$0x100]  }
0x120: {  	v32 =	vmax.f32 v34, v32;
	v34 =	vld [tilespmem:s21+$0xFFFFFD80]  }
0x121: {  	[tilespmem:$0x1FD40] =	vst v0;
	v0 =	vld [tilespmem:s21+$0xD0]  }
0x122: {  	v42 =	vmax.f32 v42, v9;
	v9 =	vld [tilespmem:s21+$0xFFFFFED0]  }
0x123: {  	v26 =	vmax.f32 v26, v32;
	v32 =	vld [tilespmem:s21+$0xFFFFFD00]  }
0x124: {  	v37 =	vmax.f32 v43, v42;
	v42 =	vld [tilespmem:s21+$0xFFFFFD40]  }
0x125: {  	v43 =	vld [tilespmem:s21+$0xFFFFFE10]  }
0x126: {  	v24 =	vmax.f32 v24, v26;
	v33 =	vmax.f32 v33, v37;
	v37 =	vld [tilespmem:s21+$0xFFFFFDC0]  }
0x127: {  	v24 =	vmax.f32 v27, v24;
	v33 =	vmax.f32 v44, v33;
	v44 =	vld [tilespmem:s21+$0xFFFFFE30]  }
0x128: {  	v20 =	vmax.f32 v20, v24;
	v24 =	vld [tilespmem:s21+$0xFFFFFE90]  }
0x129: {  	v33 =	vmax.f32 v36, v33;
	v36 =	vld [tilespmem:s21+$0xFFFFFD20]  }
0x12a: {  	v46 =	vmax.f32 v34, v46;
	v34 =	vld [tilespmem:$0x1FD10]  }
0x12b: {  	v29 =	vmax.f32 v29, v33;
	v33 =	vld [tilespmem:s21+$0xFFFFFDA0]  }
0x12c: {  	v16 =	vmax.f32 v16, v20;
	v45 =	vmax.f32 v32, v45;
	v32 =	vld [tilespmem:$0x1FC90]  }
0x12d: {  	v10 =	vmax.f32 v10, v16;
	v28 =	vmax.f32 v28, v29;
	v29 =	vld [tilespmem:s21+$0xFFFFFD10]  }
0x12e: {  	v4 =	vmax.f32 v4, v10;
	v10 =	vld [tilespmem:s21+$0xFFFFFE20]  }
0x12f: {  	v25 =	vmax.f32 v25, v28;
	v28 =	vld [tilespmem:s21+$0xFFFFFD90]  }
0x130: {  	v4 =	vmax.f32 v8, v4;
	v8 =	vld [tilespmem:s21+$0xFFFFFE40];
	v21 =	vmax.f32 v21, v25  }
0x131: {  	v4 =	vmax.f32 v57, v4;
	v57 =	vld [tilespmem:s21+$0xFFFFFF30];
	v21 =	vmax.f32 v23, v21  }
0x132: {  	v25 =	vld [tilespmem:s21+$0xFFFFFE80];
	v19 =	vmax.f32 v19, v21  }
0x133: {  	v11 =	vmax.f32 v11, v19;
	v19 =	vld [tilespmem:s21+$0xFFFFFF50]  }
0x134: {  	v50 =	vmax.f32 v50, v4;
	v5 =	vmax.f32 v5, v11;
	v4 =	vmax.f32 v28, v46;
	v28 =	vld [tilespmem:s21+$0xFFFFFF00]  }
0x135: {  	v11 =	vmax.f32 v39, v38;
	v39 =	vld [tilespmem:$0x1FD50];
	v0 =	vmax.f32 v0, v5  }
0x136: {  	v4 =	vmax.f32 v33, v4;
	v33 =	vld [tilespmem:s21+$0xFFFFFFA0];
	v0 =	vmax.f32 v58, v0  }
0x137: {  	v11 =	vmax.f32 v43, v11;
	v43 =	vld [tilespmem:s21+$0x380];
	v0 =	vmax.f32 v51, v0  }
0x138: {  	v10 =	vmax.f32 v10, v11;
	v11 =	vld [tilespmem:s21+$0xFFFFFF40];
	[tilespmem:$0x1FE40] =	vst v0;
	v0 =	vmax.f32 v29, v45  }
0x139: {  	v58 =	vld [tilespmem:s21+$0xFFFFFF20];
	v0 =	vmax.f32 v36, v0  }
0x13a: {  	v4 =	vmax.f32 v41, v4;
	v41 =	vld [tilespmem:s21+$0xFFFFFFE0];
	v5 =	vmax.f32 v44, v10;
	v0 =	vmax.f32 v40, v0  }
0x13b: {  	v51 =	vld [tilespmem:s21+$0xFFFFFEC0];
	v5 =	vmax.f32 v8, v5;
	v0 =	vmax.f32 v42, v0  }
0x13c: {  	v10 =	vld [tilespmem:s21+$0xFFFFFEB0];
	v5 =	vmax.f32 v31, v5;
	v0 =	vmax.f32 v35, v0  }
0x13d: {  	v4 =	vmax.f32 v37, v4;
	v37 =	vld [tilespmem:$0x1FD40];
	v5 =	vmax.f32 v17, v5;
	v0 =	vmax.f32 v18, v0  }
0x13e: {  	v4 =	vmax.f32 v30, v4;
	v31 =	vld [tilespmem:$0x1FC80];
	v5 =	vmax.f32 v15, v5;
	v0 =	vmax.f32 v12, v0  }
0x13f: {  	v4 =	vmax.f32 v22, v4;
	v5 =	vmax.f32 v13, v5;
	v13 =	vld [tilespmem:$0x1FCA0];
	v0 =	vmax.f32 v6, v0  }
0x140: {  	v4 =	vmax.f32 v14, v4;
	v14 =	vld [tilespmem:$0x1FCD0];
	v0 =	vmax.f32 v1, v0  }
0x141: {  	v44 =	vld [tilespmem:s21+$0x390];
	v0 =	vmax.f32 v59, v0  }
0x142: {  	v8 =	vld [tilespmem:s21+$0xFFFFFEA0];
	v0 =	vmax.f32 v52, v0  }
0x143: {  	v29 =	vld [tilespmem:s21+$0xFFFFFF80];
	v0 =	vmax.f32 v31, v0  }
0x144: {  	v4 =	vmax.f32 v7, v4;
	v0 =	vmax.f32 v13, v0;
	v13 =	vld [tilespmem:$0x1FCB0]  }
0x145: {  	v26 =	vmax.f32 v2, v4;
	v0 =	vmax.f32 v14, v0;
	v14 =	vld [tilespmem:$0x1FCE0]  }
0x146: {  	v36 =	vld [tilespmem:$0x1FD30];
	v1 =	vmax.f32 v61, v26  }
0x147: {  	v15 =	vld [tilespmem:$0x1FD00];
	v1 =	vmax.f32 v54, v1  }
0x148: {  	v35 =	vld [tilespmem:$0x1FD20];
	v1 =	vmax.f32 v32, v1  }
0x149: {  	v1 =	vmax.f32 v13, v1;
	v13 =	vld [tilespmem:$0x1FCC0]  }
0x14a: {  	v27 =	vmax.f32 v3, v5;
	v1 =	vmax.f32 v14, v1;
	v14 =	vld [tilespmem:$0x1FCF0]  }
0x14b: {  	v12 =	vld [tilespmem:s21+$0xFFFFFF10];
	v2 =	vmax.f32 v63, v27  }
0x14c: {  	v30 =	vld [tilespmem:s21+$0xFFFFFF90];
	v2 =	vmax.f32 v56, v2;
	v45 =	vmax.f32 v15, v0;
	v0 =	vmax.f32 v25, v36  }
0x14d: {  	v40 =	vld [tilespmem:s21+$0xFFFFFFD0];
	v2 =	vmax.f32 v48, v2;
	v0 =	vmax.f32 v24, v0  }
0x14e: {  	v0 =	vmax.f32 v8, v0;
	v2 =	vmax.f32 v13, v2;
	v13 =	vld [tilespmem:s21+$0xFFFFFFB0]  }
0x14f: {  	v46 =	vmax.f32 v34, v1;
	v1 =	vmax.f32 v28, v37;
	v2 =	vmax.f32 v14, v2;
	v14 =	vld [tilespmem:s21+$0xFFFFFFC0]  }
0x150: {  	v42 =	vld [tilespmem:s21+$0xFFFFFFF0];
	v1 =	vmax.f32 v12, v1;
	v38 =	vmax.f32 v35, v2;
	v2 =	vmax.f32 v29, v39  }
0x151: {  	v63 =	vld [tilespmem:$0x1FD90];
	v0 =	vmax.f32 v10, v0;
	v1 =	vmax.f32 v58, v1;
	v2 =	vmax.f32 v30, v2  }
0x152: {  	v48 =	vld [tilespmem:s21+$0x3A0];
	v0 =	vmax.f32 v51, v0;
	v1 =	vmax.f32 v57, v1;
	v2 =	vmax.f32 v33, v2  }
0x153: {  	v61 =	vld [tilespmem:$0x1FD70];
	v0 =	vmax.f32 v9, v0;
	v1 =	vmax.f32 v11, v1;
	v2 =	vmax.f32 v13, v2  }
0x154: {  	s20 =	sadd.s32 $0x2, s20;
	v0 =	vmax.f32 v60, v0;
	v60 =	vld [tilespmem:$0x1FD60];
	v1 =	vmax.f32 v19, v1;
	v2 =	vmax.f32 v14, v2  }
0x155: {  	p1 =	slt.u32 s20, $0x1E;
	v1 =	vmax.f32 v62, v1;
	v62 =	vld [tilespmem:$0x1FD80];
	v2 =	vmax.f32 v40, v2  }
.Ltmp0:
0x156: {  	v52 =	vld [tilespmem:s21+$0x3E0];
	v2 =	vmax.f32 v41, v2;
	(pc) =	sbr.rel @p1 .LBB2_2-.Ltmp0, $4  }
0x157: {  	v10 =	vld [tilespmem:s21+$0x3C0];
	v0 =	vmax.f32 v53, v0;
	v1 =	vmax.f32 v55, v1;
	v2 =	vmax.f32 v42, v2  }
0x158: {  	v0 =	vmax.f32 v47, v0;
	v1 =	vmax.f32 v49, v1;
	v13 =	vld [tilespmem:s21+$0x3D0];
	v2 =	vmax.f32 v43, v2  }
0x159: {  	v0 =	vmax.f32 v60, v0;
	v49 =	vld [tilespmem:s21+$0x3F0];
	v1 =	vmax.f32 v61, v1;
	v2 =	vmax.f32 v44, v2  }
0x15a: {  	v14 =	vld [tilespmem:s21+$0x3B0];
	s21 =	sadd.s32 $0x800, s21;
	v58 =	vmax.f32 v63, v1;
	v59 =	vmax.f32 v62, v0;
	v57 =	vmax.f32 v48, v2  }
0x15b: {  	_ =	swait.ge [sflag:s13], $0x8000  }
0x15c: {  	[sflag:s13] =	ssyncset.done $0x0  }
0x15d: {  	s21 =	simm.s32 $0x8400;
	[sflag:s13] =	ssyncadd.s32 $0xFFFF8000  }
0x15e: {  	v0 =	vld [tilespmem:s21+$0x170];
	_ =	sdelay $0x3  }
0x15f: {  	v54 =	vld [tilespmem:s21+$0x70]  }
0x160: {  	v55 =	vld [tilespmem:s21+$0xF0];
	[tilespmem:$0x1FBA0] =	vst v0  }
0x161: {  	v0 =	vld [tilespmem:s21+$0x1F0];
	_ =	sdelay $0x4  }
0x162: {  	[tilespmem:$0x1FBB0] =	vst v0  }
0x163: {  	v0 =	vld [tilespmem:s21+$0x270];
	_ =	sdelay $0x4  }
0x164: {  	[tilespmem:$0x1FBC0] =	vst v0  }
0x165: {  	v0 =	vld [tilespmem:s21+$0x160];
	_ =	sdelay $0x1  }
0x166: {  	v41 =	vld [tilespmem:s21+$0x2F0]  }
0x167: {  	v40 =	vld [tilespmem:s21+$0x370]  }
0x168: {  	v48 =	vld [tilespmem:s21+$0x60]  }
0x169: {  	v30 =	vld [tilespmem:s21+$0xE0];
	[tilespmem:$0x1FB70] =	vst v0  }
0x16a: {  	v0 =	vld [tilespmem:s21+$0x1E0];
	_ =	sdelay $0x4  }
0x16b: {  	[tilespmem:$0x1FB80] =	vst v0  }
0x16c: {  	v0 =	vld [tilespmem:s21+$0x260];
	_ =	sdelay $0x4  }
0x16d: {  	[tilespmem:$0x1FB90] =	vst v0  }
0x16e: {  	v0 =	vld [tilespmem:s21+$0x150];
	_ =	sdelay $0x1  }
0x16f: {  	v43 =	vld [tilespmem:s21+$0x2E0]  }
0x170: {  	v42 =	vld [tilespmem:s21+$0x360]  }
0x171: {  	v34 =	vld [tilespmem:s21+$0x50]  }
0x172: {  	v36 =	vld [tilespmem:s21+$0xD0];
	[tilespmem:$0x1FB40] =	vst v0  }
0x173: {  	v0 =	vld [tilespmem:s21+$0x1D0];
	_ =	sdelay $0x4  }
0x174: {  	[tilespmem:$0x1FB50] =	vst v0  }
0x175: {  	v0 =	vld [tilespmem:s21+$0x250];
	_ =	sdelay $0x4  }
0x176: {  	[tilespmem:$0x1FB60] =	vst v0  }
0x177: {  	v0 =	vld [tilespmem:s21+$0x2D0];
	_ =	sdelay $0x4  }
0x178: {  	[tilespmem:$0x1FA60] =	vst v0  }
0x179: {  	v0 =	vld [tilespmem:s21+$0x140];
	_ =	sdelay $0x2  }
0x17a: {  	v44 =	vld [tilespmem:s21+$0x350]  }
0x17b: {  	v31 =	vld [tilespmem:s21+$0x40]  }
0x17c: {  	v37 =	vld [tilespmem:s21+$0xC0];
	[tilespmem:$0x1FB10] =	vst v0  }
0x17d: {  	v0 =	vld [tilespmem:s21+$0x1C0];
	_ =	sdelay $0x4  }
0x17e: {  	[tilespmem:$0x1FB20] =	vst v0  }
0x17f: {  	v0 =	vld [tilespmem:s21+$0x240];
	_ =	sdelay $0x4  }
0x180: {  	[tilespmem:$0x1FB30] =	vst v0  }
0x181: {  	v0 =	vld [tilespmem:s21+$0x2C0];
	_ =	sdelay $0x4  }
0x182: {  	[tilespmem:$0x1FA70] =	vst v0  }
0x183: {  	v0 =	vld [tilespmem:s21+$0x340];
	_ =	sdelay $0x4  }
0x184: {  	[tilespmem:$0x1FA80] =	vst v0  }
0x185: {  	v0 =	vld [tilespmem:s21+$0x130];
	_ =	sdelay $0x3  }
0x186: {  	v60 =	vld [tilespmem:s21+$0x30]  }
0x187: {  	v61 =	vld [tilespmem:s21+$0xB0];
	[tilespmem:$0x1FAE0] =	vst v0  }
0x188: {  	v0 =	vld [tilespmem:s21+$0x1B0];
	_ =	sdelay $0x4  }
0x189: {  	[tilespmem:$0x1FAF0] =	vst v0  }
0x18a: {  	v0 =	vld [tilespmem:s21+$0x230];
	_ =	sdelay $0x4  }
0x18b: {  	[tilespmem:$0x1FB00] =	vst v0  }
0x18c: {  	v0 =	vld [tilespmem:s21+$0x2B0];
	_ =	sdelay $0x4  }
0x18d: {  	[tilespmem:$0x1FA90] =	vst v0  }
0x18e: {  	v0 =	vld [tilespmem:s21+$0x330];
	_ =	sdelay $0x4  }
0x18f: {  	[tilespmem:$0x1FAA0] =	vst v0  }
0x190: {  	v0 =	vld [tilespmem:s21+$0x120];
	_ =	sdelay $0x3  }
0x191: {  	v62 =	vld [tilespmem:s21+$0x20]  }
0x192: {  	v63 =	vld [tilespmem:s21+$0xA0];
	[tilespmem:$0x1FAB0] =	vst v0  }
0x193: {  	v0 =	vld [tilespmem:s21+$0x1A0];
	_ =	sdelay $0x4  }
0x194: {  	[tilespmem:$0x1FAC0] =	vst v0  }
0x195: {  	v0 =	vld [tilespmem:s21+$0x220];
	_ =	sdelay $0x4  }
0x196: {  	[tilespmem:$0x1FAD0] =	vst v0  }
0x197: {  	v0 =	vld [tilespmem:s21+$0x2A0];
	_ =	sdelay $0x4  }
0x198: {  	[tilespmem:$0x1FC60] =	vst v0  }
0x199: {  	v0 =	vld [tilespmem:s21+$0x320];
	_ =	sdelay $0x4  }
0x19a: {  	[tilespmem:$0x1FC70] =	vst v0  }
0x19b: {  	v0 =	vld [tilespmem:s21+$0x290]  }
0x19c: {  	v21 =	vld [tilespmem:s21+$0x10]  }
0x19d: {  	v20 =	vld [tilespmem:s21+$0x90]  }
0x19e: {  	v51 =	vld [tilespmem:s21+$0x110]  }
0x19f: {  	v53 =	vld [tilespmem:s21+$0x190]  }
0x1a0: {  	v39 =	vld [tilespmem:s21+$0x210];
	[tilespmem:$0x1FC40] =	vst v0  }
0x1a1: {  	v0 =	vld [tilespmem:s21+$0x310];
	_ =	sdelay $0x4  }
0x1a2: {  	[tilespmem:$0x1FC50] =	vst v0  }
0x1a3: {  	v0 =	vld [tilespmem:s21+$0x280]  }
0x1a4: {  	v19 =	vld [tilespmem:s21+$0x0]  }
0x1a5: {  	v18 =	vld [tilespmem:s21+$0x80]  }
0x1a6: {  	v35 =	vld [tilespmem:s21+$0x100]  }
0x1a7: {  	v29 =	vld [tilespmem:s21+$0x180]  }
0x1a8: {  	v56 =	vld [tilespmem:s21+$0x200];
	[tilespmem:$0x1FC20] =	vst v0  }
0x1a9: {  	v0 =	vld [tilespmem:s21+$0x300];
	_ =	sdelay $0x4  }
0x1aa: {  	[tilespmem:$0x1FC30] =	vst v0  }
0x1ab: {  	v0 =	vld [tilespmem:s21+$0xFFFFFEF0]  }
0x1ac: {  	v17 =	vld [tilespmem:s21+$0xFFFFFC70]  }
0x1ad: {  	v16 =	vld [tilespmem:s21+$0xFFFFFCF0]  }
0x1ae: {  	v33 =	vld [tilespmem:s21+$0xFFFFFD70]  }
0x1af: {  	v26 =	vld [tilespmem:s21+$0xFFFFFDF0]  }
0x1b0: {  	v28 =	vld [tilespmem:s21+$0xFFFFFE70];
	[tilespmem:$0x1FC00] =	vst v0  }
0x1b1: {  	v0 =	vld [tilespmem:s21+$0xFFFFFF70];
	_ =	sdelay $0x4  }
0x1b2: {  	[tilespmem:$0x1FC10] =	vst v0  }
0x1b3: {  	v0 =	vld [tilespmem:s21+$0xFFFFFEE0]  }
0x1b4: {  	v15 =	vld [tilespmem:s21+$0xFFFFFC60]  }
0x1b5: {  	v12 =	vld [tilespmem:s21+$0xFFFFFCE0]  }
0x1b6: {  	v32 =	vld [tilespmem:s21+$0xFFFFFD60]  }
0x1b7: {  	v25 =	vld [tilespmem:s21+$0xFFFFFDE0]  }
0x1b8: {  	v27 =	vld [tilespmem:s21+$0xFFFFFE60];
	[tilespmem:$0x1FBE0] =	vst v0  }
0x1b9: {  	v0 =	vld [tilespmem:s21+$0xFFFFFF60];
	_ =	sdelay $0x4  }
0x1ba: {  	[tilespmem:$0x1FBF0] =	vst v0  }
0x1bb: {  	v11 =	vld [tilespmem:s21+$0xFFFFFC50]  }
0x1bc: {  	v9 =	vld [tilespmem:s21+$0xFFFFFCD0]  }
0x1bd: {  	v47 =	vld [tilespmem:s21+$0xFFFFFC00]  }
0x1be: {  	v23 =	vld [tilespmem:s21+$0xFFFFFD50]  }
0x1bf: {  	v24 =	vld [tilespmem:s21+$0xFFFFFDD0]  }
0x1c0: {  	v22 =	vld [tilespmem:s21+$0xFFFFFE50]  }
0x1c1: {  	v0 =	vld [tilespmem:s21+$0xFFFFFC80]  }
0x1c2: {  	v47 =	vmax.f32 v47, v50;
	v50 =	vld [tilespmem:$0x1FE40]  }
0x1c3: {  	v8 =	vld [tilespmem:s21+$0xFFFFFC40]  }
0x1c4: {  	v7 =	vld [tilespmem:s21+$0xFFFFFC30]  }
0x1c5: {  	v5 =	vld [tilespmem:s21+$0xFFFFFC20]  }
0x1c6: {  	v2 =	vld [tilespmem:s21+$0xFFFFFC10]  }
0x1c7: {  	v0 =	vmax.f32 v0, v50;
	v50 =	vld [tilespmem:s21+$0xFFFFFED0]  }
0x1c8: {  	v1 =	vld [tilespmem:s21+$0xFFFFFC90]  }
0x1c9: {  	v3 =	vld [tilespmem:s21+$0xFFFFFCA0]  }
0x1ca: {  	v4 =	vld [tilespmem:s21+$0xFFFFFCB0]  }
0x1cb: {  	v6 =	vld [tilespmem:s21+$0xFFFFFCC0];
	v2 =	vmax.f32 v2, v47  }
0x1cc: {  	v2 =	vmax.f32 v5, v2;
	[tilespmem:$0x1FBD0] =	vst v50;
	v50 =	vld [tilespmem:$0x1FE20]  }
0x1cd: {  	v2 =	vmax.f32 v7, v2;
	v7 =	vld [tilespmem:$0x1FE00];
	_ =	sdelay $0x3  }
0x1ce: {  	v59 =	vmax.f32 v50, v59  }
0x1cf: {  	v0 =	vmax.f32 v1, v0;
	v7 =	vmax.f32 v7, v59;
	v59 =	vld [tilespmem:$0x1FDE0]  }
0x1d0: {  	v5 =	vmax.f32 v14, v57;
	v14 =	vld [tilespmem:$0x1FDC0];
	v0 =	vmax.f32 v3, v0  }
0x1d1: {  	v0 =	vmax.f32 v4, v0  }
0x1d2: {  	v0 =	vmax.f32 v6, v0;
	v50 =	vld [tilespmem:$0x1FE30]  }
0x1d3: {  	v2 =	vmax.f32 v8, v2;
	v8 =	vld [tilespmem:$0x1FE10];
	v0 =	vmax.f32 v9, v0  }
0x1d4: {  	v0 =	vmax.f32 v12, v0;
	v12 =	vld [tilespmem:$0x1FDF0];
	v7 =	vmax.f32 v59, v7  }
0x1d5: {  	v2 =	vmax.f32 v11, v2;
	v7 =	vmax.f32 v14, v7;
	v14 =	vld [tilespmem:$0x1FDD0]  }
0x1d6: {  	v2 =	vmax.f32 v15, v2  }
0x1d7: {  	v2 =	vmax.f32 v17, v2;
	v1 =	vld [tilespmem:s21+$0xFFFFFD40];
	v47 =	vmax.f32 v50, v58  }
0x1d8: {  	v5 =	vmax.f32 v10, v5;
	v2 =	vmax.f32 v19, v2;
	v3 =	vld [tilespmem:s21+$0xFFFFFDC0];
	v8 =	vmax.f32 v8, v47  }
0x1d9: {  	v5 =	vmax.f32 v13, v5;
	v2 =	vmax.f32 v21, v2;
	v13 =	vld [tilespmem:s21+$0xFFFFFD00];
	v8 =	vmax.f32 v12, v8  }
0x1da: {  	v2 =	vmax.f32 v62, v2;
	v8 =	vmax.f32 v14, v8;
	v14 =	vld [tilespmem:$0x1FDA0]  }
0x1db: {  	v2 =	vmax.f32 v60, v2;
	v47 =	vld [tilespmem:s21+$0xFFFFFD10]  }
0x1dc: {  	v57 =	vld [tilespmem:s21+$0xFFFFFD20];
	v2 =	vmax.f32 v31, v2  }
0x1dd: {  	v4 =	vld [tilespmem:s21+$0xFFFFFD30];
	v2 =	vmax.f32 v34, v2  }
0x1de: {  	v0 =	vmax.f32 v16, v0;
	v16 =	vld [tilespmem:s21+$0xFFFFFD80];
	v2 =	vmax.f32 v48, v2  }
0x1df: {  	v50 =	vmax.f32 v54, v2;
	v2 =	vmax.f32 v13, v45;
	v7 =	vmax.f32 v14, v7;
	v14 =	vld [tilespmem:$0x1FDB0]  }
0x1e0: {  	v0 =	vmax.f32 v18, v0;
	v12 =	vld [tilespmem:s21+$0xFFFFFD90];
	v2 =	vmax.f32 v47, v2  }
0x1e1: {  	v0 =	vmax.f32 v20, v0;
	v58 =	vld [tilespmem:s21+$0xFFFFFDA0];
	v2 =	vmax.f32 v57, v2  }
0x1e2: {  	v5 =	vmax.f32 v52, v5;
	v6 =	vld [tilespmem:s21+$0xFFFFFDB0];
	v0 =	vmax.f32 v63, v0;
	v2 =	vmax.f32 v4, v2  }
0x1e3: {  	v5 =	vmax.f32 v49, v5;
	v17 =	vld [tilespmem:s21+$0xFFFFFE00];
	v0 =	vmax.f32 v61, v0;
	v1 =	vmax.f32 v1, v2  }
0x1e4: {  	v13 =	vmax.f32 v16, v46;
	v1 =	vmax.f32 v23, v1;
	v8 =	vmax.f32 v14, v8;
	v14 =	vld [tilespmem:$0x1FAB0]  }
0x1e5: {  	v18 =	vld [tilespmem:s21+$0xFFFFFE10];
	v0 =	vmax.f32 v37, v0;
	v49 =	vmax.f32 v12, v13;
	v1 =	vmax.f32 v32, v1  }
0x1e6: {  	v19 =	vld [tilespmem:s21+$0xFFFFFE20];
	v0 =	vmax.f32 v36, v0;
	v52 =	vmax.f32 v58, v49;
	v1 =	vmax.f32 v33, v1  }
0x1e7: {  	v20 =	vld [tilespmem:s21+$0xFFFFFE30];
	v0 =	vmax.f32 v30, v0;
	v4 =	vmax.f32 v6, v52;
	v1 =	vmax.f32 v35, v1  }
0x1e8: {  	v15 =	vmax.f32 v55, v0;
	v0 =	vld [tilespmem:s21+$0xFFFFFE40];
	v2 =	vmax.f32 v3, v4;
	v1 =	vmax.f32 v51, v1  }
0x1e9: {  	v16 =	vmax.f32 v17, v38;
	v2 =	vmax.f32 v24, v2;
	v1 =	vmax.f32 v14, v1;
	v14 =	vld [tilespmem:$0x1FAC0]  }
0x1ea: {  	v12 =	vmax.f32 v18, v16;
	v2 =	vmax.f32 v25, v2  }
0x1eb: {  	v54 =	vmax.f32 v19, v12;
	v2 =	vmax.f32 v26, v2  }
0x1ec: {  	v6 =	vmax.f32 v20, v54;
	v2 =	vmax.f32 v29, v2  }
0x1ed: {  	v0 =	vmax.f32 v0, v6;
	v2 =	vmax.f32 v53, v2  }
0x1ee: {  	v0 =	vmax.f32 v22, v0;
	v2 =	vmax.f32 v14, v2;
	v14 =	vld [tilespmem:$0x1FAD0]  }
0x1ef: {  	v0 =	vmax.f32 v27, v0  }
0x1f0: {  	v0 =	vmax.f32 v28, v0  }
0x1f1: {  	v0 =	vmax.f32 v56, v0  }
0x1f2: {  	v0 =	vmax.f32 v39, v0  }
0x1f3: {  	v0 =	vmax.f32 v14, v0;
	v14 =	vld [tilespmem:$0x1FAE0];
	_ =	sdelay $0x4  }
0x1f4: {  	v1 =	vmax.f32 v14, v1;
	v14 =	vld [tilespmem:$0x1FAF0];
	_ =	sdelay $0x4  }
0x1f5: {  	v2 =	vmax.f32 v14, v2;
	v14 =	vld [tilespmem:$0x1FB00];
	_ =	sdelay $0x4  }
0x1f6: {  	v0 =	vmax.f32 v14, v0;
	v14 =	vld [tilespmem:$0x1FB10];
	_ =	sdelay $0x4  }
0x1f7: {  	v1 =	vmax.f32 v14, v1;
	v14 =	vld [tilespmem:$0x1FB20];
	_ =	sdelay $0x4  }
0x1f8: {  	v2 =	vmax.f32 v14, v2;
	v14 =	vld [tilespmem:$0x1FB30];
	_ =	sdelay $0x4  }
0x1f9: {  	v0 =	vmax.f32 v14, v0;
	v14 =	vld [tilespmem:$0x1FB40];
	_ =	sdelay $0x4  }
0x1fa: {  	v1 =	vmax.f32 v14, v1;
	v14 =	vld [tilespmem:$0x1FB50];
	_ =	sdelay $0x4  }
0x1fb: {  	v2 =	vmax.f32 v14, v2;
	v14 =	vld [tilespmem:$0x1FB60];
	_ =	sdelay $0x4  }
0x1fc: {  	v0 =	vmax.f32 v14, v0;
	v14 =	vld [tilespmem:$0x1FB70];
	_ =	sdelay $0x4  }
0x1fd: {  	v1 =	vmax.f32 v14, v1;
	v14 =	vld [tilespmem:$0x1FB80];
	_ =	sdelay $0x4  }
0x1fe: {  	v2 =	vmax.f32 v14, v2;
	v14 =	vld [tilespmem:$0x1FB90];
	_ =	sdelay $0x4  }
0x1ff: {  	v0 =	vmax.f32 v14, v0;
	v14 =	vld [tilespmem:$0x1FBA0];
	_ =	sdelay $0x1  }
0x200: {  	v60 =	vld [tilespmem:s21+$0xFFFFFF90]  }
0x201: {  	v62 =	vld [tilespmem:s21+$0xFFFFFFB0]  }
0x202: {  	v61 =	vld [tilespmem:s21+$0xFFFFFFA0]  }
0x203: {  	v18 =	vmax.f32 v14, v1;
	v1 =	vld [tilespmem:$0x1FBB0]  }
0x204: {  	v59 =	vld [tilespmem:s21+$0xFFFFFF80]  }
0x205: {  	v58 =	vld [tilespmem:s21+$0xFFFFFE90]  }
0x206: {  	v12 =	vld [tilespmem:s21+$0xFFFFFF10]  }
0x207: {  	v19 =	vld [tilespmem:s21+$0xFFFFFE80]  }
0x208: {  	v17 =	vmax.f32 v1, v2;
	v1 =	vld [tilespmem:$0x1FBC0]  }
0x209: {  	v20 =	vld [tilespmem:s21+$0xFFFFFF00]  }
0x20a: {  	v4 =	vld [tilespmem:s21+$0xFFFFFEA0]  }
0x20b: {  	v6 =	vld [tilespmem:s21+$0xFFFFFF20]  }
0x20c: {  	v3 =	vld [tilespmem:s21+$0xFFFFFF30]  }
0x20d: {  	v16 =	vmax.f32 v1, v0;
	v0 =	vld [tilespmem:s21+$0xFFFFFFC0]  }
0x20e: {  	v5 =	vmax.f32 v59, v5;
	v2 =	vmax.f32 v20, v8;
	v1 =	vmax.f32 v19, v7  }
0x20f: {  	v13 =	vld [tilespmem:s21+$0xFFFFFEC0];
	v5 =	vmax.f32 v60, v5;
	v2 =	vmax.f32 v12, v2;
	v1 =	vmax.f32 v58, v1  }
0x210: {  	v57 =	vld [tilespmem:s21+$0xFFFFFEB0];
	v2 =	vmax.f32 v6, v2;
	v1 =	vmax.f32 v4, v1;
	v4 =	vmax.f32 v61, v5  }
0x211: {  	v2 =	vmax.f32 v3, v2;
	v7 =	vld [tilespmem:s21+$0xFFFFFFD0];
	v3 =	vmax.f32 v62, v4  }
0x212: {  	v0 =	vmax.f32 v0, v3;
	v3 =	vld [tilespmem:$0x1FBD0]  }
0x213: {  	v8 =	vld [tilespmem:s21+$0xFFFFFFE0]  }
0x214: {  	v5 =	vld [tilespmem:s21+$0xFFFFFFF0]  }
0x215: {  	v1 =	vmax.f32 v57, v1  }
0x216: {  	v48 =	vld [tilespmem:s21+$0xFFFFFF50];
	v1 =	vmax.f32 v13, v1  }
0x217: {  	v0 =	vmax.f32 v7, v0;
	v1 =	vmax.f32 v3, v1;
	v3 =	vld [tilespmem:$0x1FBE0]  }
0x218: {  	v7 =	vld [tilespmem:$0x1FC00];
	v0 =	vmax.f32 v8, v0  }
0x219: {  	v0 =	vmax.f32 v5, v0;
	v5 =	vld [tilespmem:$0x1FC20]  }
0x21a: {  	v55 =	vld [tilespmem:s21+$0xFFFFFF40]  }
0x21b: {  	v4 =	vld [tilespmem:s21+$0x380]  }
0x21c: {  	v1 =	vmax.f32 v3, v1;
	v3 =	vld [tilespmem:$0x1FBF0]  }
0x21d: {  	v1 =	vmax.f32 v7, v1;
	v7 =	vld [tilespmem:$0x1FC10]  }
0x21e: {  	v1 =	vmax.f32 v5, v1;
	v5 =	vld [tilespmem:$0x1FC30]  }
0x21f: {  	v6 =	vld [tilespmem:s21+$0x390];
	v2 =	vmax.f32 v55, v2  }
0x220: {  	v2 =	vmax.f32 v48, v2  }
0x221: {  	v2 =	vmax.f32 v3, v2  }
0x222: {  	v7 =	vmax.f32 v7, v2  }
0x223: {  	v4 =	vmax.f32 v4, v0;
	v5 =	vmax.f32 v5, v7;
	v7 =	vld [tilespmem:$0x1FC40]  }
0x224: {  	v4 =	vmax.f32 v6, v4;
	v6 =	vld [tilespmem:$0x1FC60];
	_ =	sdelay $0x2  }
0x225: {  	v63 =	vld [tilespmem:s21+$0x3A0]  }
0x226: {  	v7 =	vmax.f32 v7, v1;
	v1 =	vld [tilespmem:$0x1FC50]  }
0x227: {  	v7 =	vmax.f32 v6, v7;
	v6 =	vld [tilespmem:$0x1FC70]  }
0x228: {  	v0 =	vld [tilespmem:s21+$0x3D0]  }
0x229: {  	v3 =	vld [tilespmem:s21+$0x3B0]  }
0x22a: {  	v2 =	vld [tilespmem:s21+$0x3C0]  }
0x22b: {  	v5 =	vmax.f32 v1, v5;
	v1 =	vld [tilespmem:s21+$0x3E0]  }
0x22c: {  	s20 =	simm.s32 $0x0;
	v6 =	vmax.f32 v6, v5;
	v5 =	vmax.f32 v63, v4;
	v4 =	vld [tilespmem:s21+$0x3F0];
	s21 =	simm.s32 $0x8C00  }
.LBB2_4:
0x22d: {  	v8 =	vld [tilespmem:s21+$0x70]  }
0x22e: {  	v51 =	vld [tilespmem:s21+$0x2F0]  }
0x22f: {  	v57 =	vld [tilespmem:s21+$0x60]  }
0x230: {  	v58 =	vld [tilespmem:s21+$0xE0]  }
0x231: {  	v46 =	vld [tilespmem:s21+$0x2E0]  }
0x232: {  	v45 =	vld [tilespmem:s21+$0x360]  }
0x233: {  	v38 =	vld [tilespmem:s21+$0x350]  }
0x234: {  	v10 =	vld [tilespmem:s21+$0x30]  }
0x235: {  	v11 =	vld [tilespmem:s21+$0xB0]  }
0x236: {  	v52 =	vld [tilespmem:s21+$0x130]  }
0x237: {  	v54 =	vld [tilespmem:s21+$0x1B0]  }
0x238: {  	v56 =	vld [tilespmem:s21+$0x230]  }
0x239: {  	v24 =	vld [tilespmem:s21+$0x20]  }
0x23a: {  	v3 =	vmax.f32 v3, v5;
	v5 =	vld [tilespmem:s21+$0xF0]  }
0x23b: {  	v19 =	vld [tilespmem:s21+$0xA0]  }
0x23c: {  	v27 =	vld [tilespmem:s21+$0x10]  }
0x23d: {  	[tilespmem:$0x1F8E0] =	vst v8;
	v8 =	vld [tilespmem:$0x1FA90]  }
0x23e: {  	v2 =	vmax.f32 v2, v3;
	v3 =	vld [tilespmem:s21+$0x170]  }
0x23f: {  	[tilespmem:$0x1F8F0] =	vst v5;
	v5 =	vld [tilespmem:$0x1FA70]  }
0x240: {  	v32 =	vld [tilespmem:s21+$0x90]  }
0x241: {  	v33 =	vld [tilespmem:s21+$0x0]  }
0x242: {  	v7 =	vmax.f32 v8, v7;
	v8 =	vld [tilespmem:$0x1FAA0]  }
0x243: {  	[tilespmem:$0x1F9A0] =	vst v3;
	v3 =	vld [tilespmem:$0x1FA60]  }
0x244: {  	v5 =	vmax.f32 v5, v7;
	v7 =	vld [tilespmem:$0x1FA80]  }
0x245: {  	v0 =	vmax.f32 v0, v2;
	v2 =	vld [tilespmem:s21+$0x1F0]  }
0x246: {  	v0 =	vmax.f32 v1, v0;
	v1 =	vld [tilespmem:s21+$0x270]  }
0x247: {  	v34 =	vld [tilespmem:s21+$0x80]  }
0x248: {  	v13 =	vld [tilespmem:s21+$0x200];
	v6 =	vmax.f32 v8, v6  }
0x249: {  	v9 =	vld [tilespmem:s21+$0x280];
	v3 =	vmax.f32 v3, v5;
	v6 =	vmax.f32 v7, v6  }
0x24a: {  	v31 =	vld [tilespmem:s21+$0x300];
	[tilespmem:$0x1F9B0] =	vst v2;
	v2 =	vmax.f32 v43, v3;
	v5 =	vmax.f32 v44, v6  }
0x24b: {  	v26 =	vld [tilespmem:s21+$0xFFFFFC70];
	[tilespmem:$0x1F9C0] =	vst v1;
	v1 =	vmax.f32 v41, v2;
	v3 =	vmax.f32 v42, v5  }
0x24c: {  	v28 =	vld [tilespmem:s21+$0xFFFFFCF0];
	[tilespmem:$0x1F9D0] =	vst v1;
	v1 =	vmax.f32 v40, v3  }
0x24d: {  	[tilespmem:$0x1F9E0] =	vst v1;
	v1 =	vld [tilespmem:s21+$0x150]  }
0x24e: {  	v12 =	vld [tilespmem:s21+$0xFFFFFD70]  }
0x24f: {  	v20 =	vld [tilespmem:s21+$0xFFFFFDF0]  }
0x250: {  	v21 =	vld [tilespmem:s21+$0xFFFFFE70]  }
0x251: {  	v35 =	vld [tilespmem:s21+$0xFFFFFC60]  }
0x252: {  	[tilespmem:$0x1F940] =	vst v1;
	v1 =	vld [tilespmem:s21+$0x1D0]  }
0x253: {  	v36 =	vld [tilespmem:s21+$0xFFFFFCE0]  }
0x254: {  	v25 =	vld [tilespmem:s21+$0xFFFFFD60]  }
0x255: {  	v22 =	vld [tilespmem:s21+$0xFFFFFDE0]  }
0x256: {  	v37 =	vld [tilespmem:s21+$0xFFFFFC50]  }
0x257: {  	[tilespmem:$0x1F950] =	vst v1;
	v1 =	vld [tilespmem:s21+$0x250]  }
0x258: {  	v39 =	vld [tilespmem:s21+$0xFFFFFCD0]  }
0x259: {  	v29 =	vld [tilespmem:s21+$0xFFFFFD50]  }
0x25a: {  	v30 =	vld [tilespmem:s21+$0xFFFFFDD0]  }
0x25b: {  	v14 =	vld [tilespmem:s21+$0xFFFFFC90]  }
0x25c: {  	[tilespmem:$0x1F960] =	vst v1;
	v1 =	vld [tilespmem:s21+$0x2D0]  }
0x25d: {  	v47 =	vld [tilespmem:s21+$0xFFFFFCA0]  }
0x25e: {  	v48 =	vld [tilespmem:s21+$0xFFFFFCB0]  }
0x25f: {  	v49 =	vld [tilespmem:s21+$0xFFFFFCC0];
	v0 =	vmax.f32 v4, v0  }
0x260: {  	[tilespmem:$0x1F9F0] =	vst v0;
	v0 =	vld [tilespmem:s21+$0x370]  }
0x261: {  	[tilespmem:$0x1FA60] =	vst v1;
	v1 =	vld [tilespmem:s21+$0x140]  }
0x262: {  	[tilespmem:$0x1FA10] =	vst v31;
	v31 =	vld [tilespmem:s21+$0xFFFFFC20]  }
0x263: {  	[tilespmem:$0x1FA00] =	vst v9;
	v9 =	vld [tilespmem:s21+$0xFFFFFC00]  }
0x264: {  	v4 =	vld [tilespmem:s21+$0x40]  }
0x265: {  	[tilespmem:$0x1F900] =	vst v0;
	v0 =	vld [tilespmem:s21+$0x160]  }
0x266: {  	[tilespmem:$0x1F910] =	vst v1;
	v1 =	vld [tilespmem:s21+$0x1C0]  }
0x267: {  	v8 =	vld [tilespmem:s21+$0x50]  }
0x268: {  	v43 =	vld [tilespmem:s21+$0xFFFFFC10]  }
0x269: {  	v41 =	vld [tilespmem:s21+$0xFFFFFC40]  }
0x26a: {  	[tilespmem:$0x1F970] =	vst v0;
	v0 =	vld [tilespmem:s21+$0x1E0]  }
0x26b: {  	[tilespmem:$0x1F920] =	vst v1;
	v1 =	vld [tilespmem:s21+$0x240]  }
0x26c: {  	v6 =	vld [tilespmem:s21+$0x290]  }
0x26d: {  	v44 =	vld [tilespmem:s21+$0xFFFFFC80]  }
0x26e: {  	v5 =	vld [tilespmem:s21+$0xC0]  }
0x26f: {  	v42 =	vld [tilespmem:s21+$0xFFFFFC30]  }
0x270: {  	[tilespmem:$0x1F930] =	vst v1;
	v1 =	vld [tilespmem:s21+$0x2C0]  }
0x271: {  	[tilespmem:$0x1F980] =	vst v0;
	v0 =	vld [tilespmem:s21+$0x260]  }
0x272: {  	v50 =	vmax.f32 v9, v50;
	[tilespmem:$0x1FA20] =	vst v6;
	v6 =	vld [tilespmem:s21+$0x310]  }
0x273: {  	v43 =	vmax.f32 v43, v50;
	v15 =	vmax.f32 v44, v15;
	v44 =	vld [tilespmem:s21+$0xFFFFFD40]  }
0x274: {  	v14 =	vmax.f32 v14, v15;
	v15 =	vmax.f32 v31, v43;
	v31 =	vld [tilespmem:s21+$0xFFFFFDC0]  }
0x275: {  	[tilespmem:$0x1FA70] =	vst v1;
	v1 =	vld [tilespmem:s21+$0x340]  }
0x276: {  	v43 =	vld [tilespmem:s21+$0xFFFFFDB0]  }
0x277: {  	v15 =	vmax.f32 v42, v15;
	v42 =	vld [tilespmem:s21+$0xFFFFFD30]  }
0x278: {  	v15 =	vmax.f32 v41, v15;
	v41 =	vld [tilespmem:s21+$0xFFFFFD20]  }
0x279: {  	[tilespmem:$0x1F990] =	vst v0;
	v0 =	vld [tilespmem:s21+$0xD0];
	v15 =	vmax.f32 v37, v15  }
0x27a: {  	v14 =	vmax.f32 v47, v14;
	v15 =	vmax.f32 v35, v15;
	[tilespmem:$0x1FA80] =	vst v1;
	v1 =	vld [tilespmem:s21+$0x2B0]  }
0x27b: {  	v14 =	vmax.f32 v48, v14;
	v37 =	vld [tilespmem:s21+$0xFFFFFDA0];
	v15 =	vmax.f32 v26, v15  }
0x27c: {  	v14 =	vmax.f32 v49, v14;
	v35 =	vld [tilespmem:s21+$0xFFFFFD10];
	v15 =	vmax.f32 v33, v15  }
0x27d: {  	v14 =	vmax.f32 v39, v14;
	v39 =	vld [tilespmem:$0x1F8E0];
	v15 =	vmax.f32 v27, v15  }
0x27e: {  	v26 =	vld [tilespmem:s21+$0xFFFFFD90];
	v15 =	vmax.f32 v24, v15  }
0x27f: {  	v10 =	vmax.f32 v10, v15;
	[tilespmem:$0x1FA90] =	vst v1;
	v1 =	vld [tilespmem:s21+$0x330]  }
0x280: {  	v14 =	vmax.f32 v36, v14;
	v36 =	vld [tilespmem:s21+$0xFFFFFE20];
	v4 =	vmax.f32 v4, v10  }
0x281: {  	v14 =	vmax.f32 v28, v14;
	v33 =	vld [tilespmem:s21+$0xFFFFFD00];
	v4 =	vmax.f32 v8, v4  }
0x282: {  	v14 =	vmax.f32 v34, v14;
	v34 =	vld [tilespmem:s21+$0xFFFFFD80];
	v4 =	vmax.f32 v57, v4  }
0x283: {  	v14 =	vmax.f32 v32, v14;
	v50 =	vmax.f32 v39, v4;
	v4 =	vld [tilespmem:$0x1F8F0]  }
0x284: {  	v14 =	vmax.f32 v19, v14;
	[tilespmem:$0x1FAA0] =	vst v1;
	v1 =	vld [tilespmem:s21+$0x2A0]  }
0x285: {  	v19 =	vld [tilespmem:s21+$0xFFFFFE00];
	v11 =	vmax.f32 v11, v14  }
0x286: {  	v14 =	vld [tilespmem:s21+$0xFFFFFE10];
	v5 =	vmax.f32 v5, v11  }
0x287: {  	v8 =	vld [tilespmem:s21+$0xFFFFFE40];
	v0 =	vmax.f32 v0, v5  }
0x288: {  	v5 =	vld [tilespmem:s21+$0xFFFFFE30];
	v0 =	vmax.f32 v58, v0  }
0x289: {  	v15 =	vmax.f32 v4, v0;
	v4 =	vmax.f32 v34, v17;
	[tilespmem:$0x1FA40] =	vst v1;
	v1 =	vld [tilespmem:s21+$0x320]  }
0x28a: {  	v40 =	vld [tilespmem:s21+$0xFFFFFE50];
	v47 =	vmax.f32 v19, v16;
	v0 =	vmax.f32 v33, v18;
	v4 =	vmax.f32 v26, v4  }
0x28b: {  	v23 =	vld [tilespmem:s21+$0xFFFFFE60];
	v11 =	vmax.f32 v14, v47;
	v0 =	vmax.f32 v35, v0;
	v4 =	vmax.f32 v37, v4  }
0x28c: {  	v7 =	vld [tilespmem:s21+$0x180];
	v10 =	vmax.f32 v36, v11;
	v0 =	vmax.f32 v41, v0;
	v4 =	vmax.f32 v43, v4  }
0x28d: {  	[tilespmem:$0x1FA30] =	vst v6;
	v6 =	vld [tilespmem:s21+$0x100];
	v5 =	vmax.f32 v5, v10;
	v0 =	vmax.f32 v42, v0;
	v4 =	vmax.f32 v31, v4  }
0x28e: {  	v5 =	vmax.f32 v8, v5;
	v0 =	vmax.f32 v44, v0;
	v4 =	vmax.f32 v30, v4;
	[tilespmem:$0x1FA50] =	vst v1;
	v1 =	vld [tilespmem:s21+$0x110]  }
0x28f: {  	v59 =	vld [tilespmem:s21+$0x120];
	v5 =	vmax.f32 v40, v5;
	v0 =	vmax.f32 v29, v0;
	v4 =	vmax.f32 v22, v4  }
0x290: {  	v2 =	vld [tilespmem:s21+$0x190];
	v5 =	vmax.f32 v23, v5;
	v0 =	vmax.f32 v25, v0;
	v4 =	vmax.f32 v20, v4  }
0x291: {  	v5 =	vmax.f32 v21, v5;
	v0 =	vmax.f32 v12, v0;
	v4 =	vmax.f32 v7, v4;
	v7 =	vld [tilespmem:$0x1F910]  }
0x292: {  	v5 =	vmax.f32 v13, v5;
	v13 =	vld [tilespmem:$0x1F940];
	v0 =	vmax.f32 v6, v0  }
0x293: {  	v16 =	vld [tilespmem:$0x1F970];
	v0 =	vmax.f32 v1, v0  }
0x294: {  	v61 =	vld [tilespmem:s21+$0x1A0];
	v0 =	vmax.f32 v59, v0  }
0x295: {  	v3 =	vld [tilespmem:s21+$0x210];
	v0 =	vmax.f32 v52, v0  }
0x296: {  	v0 =	vmax.f32 v7, v0;
	v7 =	vld [tilespmem:$0x1F920]  }
0x297: {  	v0 =	vmax.f32 v13, v0;
	v13 =	vld [tilespmem:$0x1F950]  }
0x298: {  	v1 =	vmax.f32 v2, v4;
	v0 =	vmax.f32 v16, v0;
	v16 =	vld [tilespmem:$0x1F980]  }
0x299: {  	v63 =	vld [tilespmem:s21+$0x220];
	v1 =	vmax.f32 v61, v1  }
0x29a: {  	v53 =	vld [tilespmem:s21+$0xFFFFFEF0];
	v1 =	vmax.f32 v54, v1  }
0x29b: {  	v1 =	vmax.f32 v7, v1;
	v7 =	vld [tilespmem:$0x1F930]  }
0x29c: {  	v1 =	vmax.f32 v13, v1;
	v13 =	vld [tilespmem:$0x1F960]  }
0x29d: {  	v2 =	vmax.f32 v3, v5;
	v1 =	vmax.f32 v16, v1;
	v16 =	vld [tilespmem:$0x1F990]  }
0x29e: {  	v55 =	vld [tilespmem:s21+$0xFFFFFF70];
	v2 =	vmax.f32 v63, v2  }
0x29f: {  	v60 =	vld [tilespmem:s21+$0xFFFFFEE0];
	v2 =	vmax.f32 v56, v2  }
0x2a0: {  	v62 =	vld [tilespmem:s21+$0xFFFFFF60];
	v2 =	vmax.f32 v7, v2  }
0x2a1: {  	v9 =	vld [tilespmem:s21+$0xFFFFFED0];
	v2 =	vmax.f32 v13, v2  }
0x2a2: {  	v2 =	vmax.f32 v16, v2;
	v16 =	vld [tilespmem:$0x1F9A0]  }
0x2a3: {  	v48 =	vld [tilespmem:s21+$0xFFFFFF40]  }
0x2a4: {  	v49 =	vld [tilespmem:s21+$0xFFFFFEB0]  }
0x2a5: {  	v57 =	vld [tilespmem:s21+$0xFFFFFF20]  }
0x2a6: {  	v58 =	vld [tilespmem:s21+$0xFFFFFE90]  }
0x2a7: {  	v18 =	vmax.f32 v16, v0;
	v0 =	vld [tilespmem:$0x1F9B0]  }
0x2a8: {  	v19 =	vld [tilespmem:s21+$0xFFFFFF50]  }
0x2a9: {  	v14 =	vld [tilespmem:s21+$0xFFFFFEC0]  }
0x2aa: {  	v8 =	vld [tilespmem:s21+$0xFFFFFEA0]  }
0x2ab: {  	v6 =	vld [tilespmem:s21+$0xFFFFFE80]  }
0x2ac: {  	v17 =	vmax.f32 v0, v1;
	v0 =	vld [tilespmem:$0x1F9C0]  }
0x2ad: {  	v3 =	vld [tilespmem:s21+$0xFFFFFF00]  }
0x2ae: {  	v4 =	vld [tilespmem:s21+$0xFFFFFF80]  }
0x2af: {  	v5 =	vld [tilespmem:s21+$0xFFFFFF90]  }
0x2b0: {  	v1 =	vld [tilespmem:$0x1F9E0]  }
0x2b1: {  	v16 =	vmax.f32 v0, v2;
	v2 =	vld [tilespmem:$0x1F9F0]  }
0x2b2: {  	v7 =	vld [tilespmem:s21+$0xFFFFFFA0]  }
0x2b3: {  	v13 =	vld [tilespmem:s21+$0xFFFFFFB0]  }
0x2b4: {  	v0 =	vld [tilespmem:$0x1F9D0]  }
0x2b5: {  	v20 =	vld [tilespmem:s21+$0xFFFFFFC0]  }
0x2b6: {  	v1 =	vmax.f32 v3, v1;
	v3 =	vld [tilespmem:s21+$0xFFFFFFD0];
	v2 =	vmax.f32 v4, v2  }
0x2b7: {  	v4 =	vld [tilespmem:s21+$0xFFFFFFE0];
	v2 =	vmax.f32 v5, v2  }
0x2b8: {  	v5 =	vld [tilespmem:s21+$0xFFFFFFF0];
	v2 =	vmax.f32 v7, v2  }
0x2b9: {  	v0 =	vmax.f32 v6, v0;
	v6 =	vld [tilespmem:s21+$0x380];
	v2 =	vmax.f32 v13, v2  }
0x2ba: {  	v7 =	vld [tilespmem:s21+$0x390];
	v2 =	vmax.f32 v20, v2  }
0x2bb: {  	v12 =	vld [tilespmem:s21+$0xFFFFFF10];
	v0 =	vmax.f32 v58, v0;
	v2 =	vmax.f32 v3, v2  }
0x2bc: {  	v41 =	vmov v51;
	v51 =	vld [tilespmem:s21+$0xFFFFFF30];
	v0 =	vmax.f32 v8, v0;
	v2 =	vmax.f32 v4, v2  }
0x2bd: {  	v0 =	vmax.f32 v49, v0;
	v4 =	vmax.f32 v5, v2;
	v5 =	vld [tilespmem:$0x1FA00]  }
0x2be: {  	v0 =	vmax.f32 v14, v0;
	v4 =	vmax.f32 v6, v4;
	v6 =	vld [tilespmem:$0x1FA20]  }
0x2bf: {  	v0 =	vmax.f32 v9, v0;
	v4 =	vmax.f32 v7, v4;
	v7 =	vld [tilespmem:$0x1FA40]  }
0x2c0: {  	v40 =	vld [tilespmem:$0x1F900];
	v1 =	vmax.f32 v12, v1;
	v0 =	vmax.f32 v60, v0  }
0x2c1: {  	v1 =	vmax.f32 v57, v1;
	v8 =	vld [tilespmem:s21+$0x3A0];
	v0 =	vmax.f32 v53, v0  }
0x2c2: {  	v1 =	vmax.f32 v51, v1;
	v5 =	vmax.f32 v5, v0;
	v0 =	vld [tilespmem:$0x1FA10]  }
0x2c3: {  	s20 =	sadd.s32 $0x2, s20;
	v1 =	vmax.f32 v48, v1;
	v5 =	vmax.f32 v6, v5;
	v6 =	vld [tilespmem:$0x1FA30]  }
0x2c4: {  	p1 =	slt.u32 s20, $0x1E;
	v1 =	vmax.f32 v19, v1;
	v7 =	vmax.f32 v7, v5;
	v5 =	vld [tilespmem:$0x1FA50]  }
.Ltmp1:
0x2c5: {  	v1 =	vmax.f32 v62, v1;
	v3 =	vld [tilespmem:s21+$0x3B0];
	(pc) =	sbr.rel @p1 .LBB2_4-.Ltmp1, $4  }
0x2c6: {  	v1 =	vmax.f32 v55, v1;
	v2 =	vld [tilespmem:s21+$0x3C0]  }
0x2c7: {  	v1 =	vmax.f32 v0, v1;
	v0 =	vld [tilespmem:s21+$0x3D0]  }
0x2c8: {  	v6 =	vmax.f32 v6, v1;
	v1 =	vld [tilespmem:s21+$0x3E0]  }
0x2c9: {  	v42 =	vmovc v45;
	v43 =	vmovc v46;
	v44 =	vmov v38;
	v6 =	vmax.f32 v5, v6;
	v5 =	vmax.f32 v8, v4;
	v4 =	vld [tilespmem:s21+$0x3F0];
	s21 =	sadd.s32 $0x800, s21  }
0x2ca: {  	v9 =	vld [tilespmem:$0x1FF90]  }
0x2cb: {  	v10 =	vld [tilespmem:$0x1FFA0]  }
0x2cc: {  	v25 =	vld [tilespmem:$0x1FF30]  }
0x2cd: {  	vm1 =	veq.f32 v15, v50  }
0x2ce: {  	vm2 =	vgt.f32 v15, v50;
	vm1 =	vmand vm0, vm1  }
0x2cf: {  	vm1 =	vmor vm2, vm1  }
0x2d0: {  	v26 =	vld [tilespmem:$0x1FF40];
	v8 =	vsel vm1, v15, v50;
	v9 =	vsel vm1, v10, v9  }
0x2d1: {  	vm1 =	veq.f32 v18, v8;
	vm2 =	vlt.s32 v25, v9  }
0x2d2: {  	v11 =	vld [tilespmem:$0x1FA90];
	vm1 =	vmand vm1, vm2;
	vm2 =	vgt.f32 v18, v8  }
0x2d3: {  	v27 =	vld [tilespmem:$0x1FA70];
	vm1 =	vmor vm2, vm1  }
0x2d4: {  	v28 =	vld [tilespmem:$0x1FF50];
	v8 =	vsel vm1, v18, v8;
	v9 =	vsel vm1, v25, v9  }
0x2d5: {  	v29 =	vld [tilespmem:$0x1FA60];
	vm1 =	veq.f32 v17, v8;
	vm2 =	vlt.s32 v26, v9  }
0x2d6: {  	v30 =	vld [tilespmem:$0x1FAA0];
	vm1 =	vmand vm1, vm2;
	vm2 =	vgt.f32 v17, v8  }
0x2d7: {  	v31 =	vld [tilespmem:$0x1FA80];
	vm1 =	vmor vm2, vm1  }
0x2d8: {  	v32 =	vld [tilespmem:$0x1FF60];
	v7 =	vmax.f32 v11, v7;
	v8 =	vsel vm1, v17, v8;
	v9 =	vsel vm1, v26, v9  }
0x2d9: {  	v7 =	vmax.f32 v27, v7;
	vm1 =	veq.f32 v16, v8;
	vm2 =	vlt.s32 v28, v9  }
0x2da: {  	v7 =	vmax.f32 v29, v7;
	vm3 =	vgt.f32 v16, v8;
	vm1 =	vmand vm1, vm2  }
0x2db: {  	v6 =	vmax.f32 v30, v6;
	v7 =	vmax.f32 v43, v7;
	vm1 =	vmor vm3, vm1  }
0x2dc: {  	v36 =	vld [tilespmem:$0x1FF70];
	v7 =	vmax.f32 v41, v7;
	v8 =	vsel vm1, v16, v8;
	v9 =	vsel vm1, v28, v9  }
0x2dd: {  	v6 =	vmax.f32 v31, v6;
	vm1 =	veq.f32 v7, v8;
	vm2 =	vlt.s32 v32, v9  }
0x2de: {  	v6 =	vmax.f32 v44, v6;
	vm3 =	vgt.f32 v7, v8;
	vm1 =	vmand vm1, vm2  }
0x2df: {  	v3 =	vmax.f32 v3, v5;
	v33 =	vmax.f32 v42, v6;
	vm1 =	vmor vm3, vm1  }
0x2e0: {  	v39 =	vld [tilespmem:$0x1FF80];
	v5 =	vmax.f32 v40, v33;
	v34 =	vsel vm1, v7, v8;
	v35 =	vsel vm1, v32, v9  }
0x2e1: {  	v2 =	vmax.f32 v2, v3;
	vm1 =	veq.f32 v5, v34;
	vm2 =	vlt.s32 v36, v35  }
0x2e2: {  	v0 =	vmax.f32 v0, v2;
	vm3 =	vgt.f32 v5, v34;
	vm1 =	vmand vm1, vm2  }
0x2e3: {  	v0 =	vmax.f32 v1, v0;
	v42 =	vld [tilespmem:$0x1FFB0];
	vm1 =	vmor vm3, vm1  }
0x2e4: {  	v0 =	vmax.f32 v4, v0;
	v37 =	vsel vm1, v5, v34;
	v38 =	vsel vm1, v36, v35  }
0x2e5: {  	vm1 =	veq.f32 v0, v37;
	vm2 =	vlt.s32 v39, v38  }
0x2e6: {  	vm3 =	vgt.f32 v0, v37;
	vm1 =	vmand vm1, vm2  }
0x2e7: {  	vm1 =	vmor vm3, vm1  }
0x2e8: {  	v41 =	vlaneseq.u32;
	v0 =	vsel vm1, v0, v37;
	v40 =	vsel vm1, v39, v38  }
0x2e9: {  	v1 =	vor.u32 v41, v40;
	[tilespmem:$0x10000] =	vst v0  }
0x2ea: {  	[tilespmem:$0x10080] =	vst v1  }
0x2eb: {  	v43 =	vld.idx.msk [tilespmem:v42+s14+$0x0], $0xffff  }
0x2ec: {  	v44 =	vld.idx.msk [tilespmem:v42+s15+$0x0], $0xffff;
	_ =	sdelay $0x2  }
0x2ed: {  	v45 =	vld [tilespmem:$0x1FFC0];
	_ =	sdelay $0x1  }
0x2ee: {  	vm1 =	veq.f32 v43, v0;
	vm2 =	vlt.s32 v44, v1  }
0x2ef: {  	vm3 =	vgt.f32 v43, v0;
	vm1 =	vmand vm1, vm2  }
0x2f0: {  	vm1 =	vmor vm3, vm1  }
0x2f1: {  	v0 =	vsel vm1, v43, v0  }
0x2f2: {  	v1 =	vsel vm1, v44, v1;
	[tilespmem:$0x10000] =	vst v0  }
0x2f3: {  	[tilespmem:$0x10080] =	vst v1  }
0x2f4: {  	v46 =	vld.idx.msk [tilespmem:v45+s14+$0x0], $0xffff  }
0x2f5: {  	v47 =	vld.idx.msk [tilespmem:v45+s15+$0x0], $0xffff;
	_ =	sdelay $0x2  }
0x2f6: {  	v48 =	vld [tilespmem:$0x1FFD0];
	_ =	sdelay $0x1  }
0x2f7: {  	vm1 =	veq.f32 v46, v0;
	vm2 =	vlt.s32 v47, v1  }
0x2f8: {  	vm3 =	vgt.f32 v46, v0;
	vm1 =	vmand vm1, vm2  }
0x2f9: {  	vm1 =	vmor vm3, vm1  }
0x2fa: {  	v0 =	vsel vm1, v46, v0  }
0x2fb: {  	v1 =	vsel vm1, v47, v1;
	[tilespmem:$0x10000] =	vst v0  }
0x2fc: {  	[tilespmem:$0x10080] =	vst v1  }
0x2fd: {  	v49 =	vld.idx.msk [tilespmem:v48+s14+$0x0], $0xffff  }
0x2fe: {  	v50 =	vld.idx.msk [tilespmem:v48+s15+$0x0], $0xffff;
	_ =	sdelay $0x2  }
0x2ff: {  	v51 =	vld [tilespmem:$0x1FFE0];
	_ =	sdelay $0x1  }
0x300: {  	vm1 =	veq.f32 v49, v0;
	vm2 =	vlt.s32 v50, v1  }
0x301: {  	vm3 =	vgt.f32 v49, v0;
	vm1 =	vmand vm1, vm2  }
0x302: {  	vm1 =	vmor vm3, vm1  }
0x303: {  	v0 =	vsel vm1, v49, v0  }
0x304: {  	v1 =	vsel vm1, v50, v1;
	[tilespmem:$0x10000] =	vst v0  }
0x305: {  	[tilespmem:$0x10080] =	vst v1  }
0x306: {  	v52 =	vld.idx.msk [tilespmem:v51+s14+$0x0], $0xffff  }
0x307: {  	v53 =	vld.idx.msk [tilespmem:v51+s15+$0x0], $0xffff;
	_ =	sdelay $0x4  }
0x308: {  	vm1 =	veq.f32 v52, v0;
	vm2 =	vlt.s32 v53, v1  }
0x309: {  	vm3 =	vgt.f32 v52, v0;
	vm1 =	vmand vm1, vm2  }
0x30a: {  	vm1 =	vmor vm3, vm1  }
0x30b: {  	v0 =	vsel vm1, v52, v0  }
0x30c: {  	v1 =	vsel vm1, v53, v1;
	[tilespmem:$0x10000] =	vst v0  }
0x30d: {  	[tilespmem:$0x10080] =	vst v1  }
0x30e: {  	[spmem:s7] =	stream.linear.scatter [tilespmem:s14], [sflag:$0x3], $0x10, $0x38;
	[tilespmem:$0x10320] =	vst v63  }
0x30f: {  	_ =	swait.ge [sflag:s16], $0x10  }
0x310: {  	[sflag:s16] =	ssyncset.done $0x0  }
0x311: {  	[sflag:s16] =	ssyncadd.s32 $0xFFFFFFF0  }
0x312: {  	[spmem:s8] =	stream.linear.scatter [tilespmem:s15], [sflag:$0x3], $0x10, $0x38;
	[tilespmem:$0x10320] =	vst v63  }
0x313: {  	_ =	swait.ge [sflag:s16], $0x10  }
0x314: {  	[sflag:s16] =	ssyncset.done $0x0  }
0x315: {  	[sflag:s16] =	ssyncadd.s32 $0xFFFFFFF0  }
0x316: {  	[bflag:$0x0] =	sbarrier.arrive $0xFFFF  }
0x317: {  	[tilespmem:s17], [sflag:$0x3] =	stream.linear.gather [spmem:s0], $0x100, $0x38;
	[tilespmem:$0x10320] =	vst v63  }
0x318: {  	_ =	swait.ge [sflag:s16], $0x100  }
0x319: {  	[sflag:s16] =	ssyncset.done $0x0  }
0x31a: {  	[sflag:s16] =	ssyncadd.s32 $0xFFFFFF00  }
0x31b: {  	[tilespmem:s18], [sflag:$0x3] =	stream.linear.gather [spmem:s1], $0x100, $0x38;
	[tilespmem:$0x10320] =	vst v63  }
0x31c: {  	_ =	swait.ge [sflag:s16], $0x100  }
0x31d: {  	v54 =	vld [tilespmem:$0x1FFF0];
	_ =	sdelay $0x5  }
0x31e: {  	[sflag:s16] =	ssyncset.done $0x0  }
0x31f: {  	[sflag:s16] =	ssyncadd.s32 $0xFFFFFF00  }
0x320: {  	v55 =	vld.idx.msk [tilespmem:v54+s17+$0x0], $0xffff  }
0x321: {  	v1 =	vld.idx.msk [tilespmem:v54+s18+$0x0], $0xffff;
	_ =	sdelay $0x3  }
0x322: {  	[tilespmem:$0x10000] =	vst v55  }
0x323: {  	[tilespmem:$0x10080] =	vst v1  }
0x324: {  	v56 =	vld.idx.msk [tilespmem:v42+s14+$0x0], $0xffff  }
0x325: {  	v57 =	vld.idx.msk [tilespmem:v42+s15+$0x0], $0xffff;
	_ =	sdelay $0x4  }
0x326: {  	vm1 =	veq.f32 v56, v55;
	vm2 =	vlt.s32 v57, v1  }
0x327: {  	vm3 =	vgt.f32 v56, v55;
	vm1 =	vmand vm1, vm2  }
0x328: {  	vm1 =	vmor vm3, vm1  }
0x329: {  	v0 =	vsel vm1, v56, v55  }
0x32a: {  	v1 =	vsel vm1, v57, v1;
	[tilespmem:$0x10000] =	vst v0  }
0x32b: {  	[tilespmem:$0x10080] =	vst v1  }
0x32c: {  	v58 =	vld.idx.msk [tilespmem:v45+s14+$0x0], $0xffff  }
0x32d: {  	v59 =	vld.idx.msk [tilespmem:v45+s15+$0x0], $0xffff;
	_ =	sdelay $0x4  }
0x32e: {  	vm1 =	veq.f32 v58, v0;
	vm2 =	vlt.s32 v59, v1  }
0x32f: {  	vm3 =	vgt.f32 v58, v0;
	vm1 =	vmand vm1, vm2  }
0x330: {  	vm1 =	vmor vm3, vm1  }
0x331: {  	v0 =	vsel vm1, v58, v0  }
0x332: {  	v1 =	vsel vm1, v59, v1;
	[tilespmem:$0x10000] =	vst v0  }
0x333: {  	[tilespmem:$0x10080] =	vst v1  }
0x334: {  	v60 =	vld.idx.msk [tilespmem:v48+s14+$0x0], $0xffff  }
0x335: {  	v61 =	vld.idx.msk [tilespmem:v48+s15+$0x0], $0xffff;
	_ =	sdelay $0x4  }
0x336: {  	vm1 =	veq.f32 v60, v0;
	vm2 =	vlt.s32 v61, v1  }
0x337: {  	vm3 =	vgt.f32 v60, v0;
	vm1 =	vmand vm1, vm2  }
0x338: {  	vm1 =	vmor vm3, vm1  }
0x339: {  	v0 =	vsel vm1, v60, v0  }
0x33a: {  	v1 =	vsel vm1, v61, v1;
	[tilespmem:$0x10000] =	vst v0  }
0x33b: {  	[tilespmem:$0x10080] =	vst v1  }
0x33c: {  	v62 =	vld.idx.msk [tilespmem:v51+s14+$0x0], $0xffff  }
0x33d: {  	v63 =	vld.idx.msk [tilespmem:v51+s15+$0x0], $0xffff;
	_ =	sdelay $0x4  }
0x33e: {  	vm1 =	veq.f32 v62, v0;
	vm2 =	vlt.s32 v63, v1  }
0x33f: {  	vm3 =	vgt.f32 v62, v0;
	vm1 =	vmand vm1, vm2  }
0x340: {  	vm1 =	vmor vm3, vm1  }
0x341: {  	v0 =	vsel vm1, v62, v0  }
0x342: {  	v1 =	vsel vm1, v63, v1;
	[tilespmem:$0x10000] =	vst v0  }
0x343: {  	s20 =	simm.s32 @!p0 $0x0;
	s21 =	simm.s32 @!p0 $0x10000;
	[tilespmem:$0x10080] =	vst v1  }
0x344: {  	[hbm4b:s9+s20] =	stream.linear.scatter @!p0 [tilespmem:s21], [sflag:$0x3], $0x80, $0x38;
	[tilespmem:$0x10320] =	vst v63  }
0x345: {  	s21 =	simm.s32 @!p0 $0x3  }
0x346: {  	s19 =	sadd.s32 $0x1, s19;
	_ =	swait.ge @!p0 [sflag:s21], $0x80  }
0x347: {  	p1 =	sne.s32 s19, s11;
	[sflag:s21] =	ssyncset.done @!p0 $0x0  }
.Ltmp2:
0x348: {  	s22 =	simm.s32 @!p0 $0x10080;
	[sflag:s21] =	ssyncadd.s32 @!p0 $0xFFFFFF80;
	(pc) =	sbr.rel @p1 .LBB2_1-.Ltmp2, $4  }
0x349: {  	[hbm4b:s10+s20] =	stream.linear.scatter @!p0 [tilespmem:s22], [sflag:$0x3], $0x80, $0x38;
	[tilespmem:$0x10320] =	vst v63  }
0x34a: {  	_ =	swait.ge @!p0 [sflag:s21], $0x80  }
0x34b: {  	[sflag:s21] =	ssyncset.done @!p0 $0x0  }
0x34c: {  	[sflag:s21] =	ssyncadd.s32 @!p0 $0xFFFFFF80  }
0x34d: {  	_ =	sfence.sel $0x180000  }
0x34e: {  	[bflag:$0x0] =	sbarrier.arrive $0xFFFF  }
0x34f: {  	_ =	strace $0x90000047  }
0x350: {  	s0 =	sadd.s32 @!p0 $0x100000, s3;
	[bflag:$0x2] =	sbarrier.arrive $0xFFFF  }
0x351: {  	[sflag:s0] =	ssyncadd.tile.s32 @!p0 $0x1;
	_ =	shalt  }
.Lfunc_end2:
_tile_overlayer_lowered:
.L_overlay_start_2:
0x352: {  	(tag) =	ssettag $0x2  }
0x353: {  	s0 =	rddreg [dreg:$0x0];
	s2 =	stileid.u32  }
0x354: {  	s1 =	rddreg [dreg:$0x1];
	p0 =	sne.s32 s2, $0x0  }
0x355: {  	s3 =	rddreg [dreg:$0x2];
	[bflag:$0x3] =	sbarrier.arrive $0xFFFF;
	s2 =	simm.s32 @!p0 $0x1C03  }
0x356: {  	[timem:s3], [sflag:s2] =	dma.local @!p0 [hbm:s0], s1  }
0x357: {  	s0 =	simm.s32 @!p0 $0x3  }
0x358: {  	_ =	swait.ge @!p0 [sflag:s0], s1  }
0x359: {  	s1 =	ssub.s32 @!p0 $0x0, s1;
	[sflag:s0] =	ssyncset.done @!p0 $0x0  }
0x35a: {  	[sflag:s0] =	ssyncadd.s32 @!p0 s1  }
0x35b: {  	[bflag:$0x3] =	sbarrier.arrive $0xFFFF  }
0x35c: {  	_ =	shalt  }

</sc_bundles>
